<compile_context>
chip_gen: v7x
topology: tpu7x:2x2x1
jax: 0.10.2.dev20260603
libtpu: 0.0.44.dev20260713+nightly
codegen_flags: <defaults>
</compile_context>

<pallas_src>
import functools

import jax
import jax.numpy as jnp
from jax import lax
from jax.experimental import pallas as pl
from jax.experimental.pallas import tpu as pltpu
from jax.experimental.pallas import tpu_sc as plsc

N_TOK = 8192
D = 1024
H = 2048
E = 8
BLK = 512
NB_MAX = N_TOK // BLK + E
NP_PAD = NB_MAX * BLK
GATE_CHUNK = 1024
NCHUNK = N_TOK // GATE_CHUNK
NEG = -1e30



def _route_body(x_ref, wg_ref, sel_ref, rank_ref, meta_ref, cnt, carry):
    c = pl.program_id(0)

    @pl.when(c == 0)
    def _():
        cnt[...] = jnp.zeros_like(cnt)
        carry[...] = jnp.zeros_like(carry)

    @pl.when(c < NCHUNK)
    def _():
        logits = lax.dot_general(x_ref[...], wg_ref[...],
                                 (((1,), (1,)), ((), ())),
                                 preferred_element_type=jnp.float32)
        mx = jnp.max(logits, axis=1, keepdims=True)
        lane = lax.broadcasted_iota(jnp.int32, (GATE_CHUNK, E), 1)
        bidx = jnp.min(jnp.where(logits == mx, lane, E),
                       axis=1, keepdims=True)
        sel_ref[...] = bidx.reshape(1, 1, GATE_CHUNK)
        sel2 = bidx.reshape(1, GATE_CHUNK)
        iota_e = lax.broadcasted_iota(jnp.int32, (E, GATE_CHUNK), 0)
        oht = (iota_e == sel2).astype(jnp.float32)
        scan = jnp.pad(oht[:, :-1], ((0, 0), (1, 0)))
        sh = 1
        while sh < GATE_CHUNK:
            scan = scan + jnp.pad(scan[:, :-sh], ((0, 0), (sh, 0)))
            sh *= 2
        rank = carry[:, 0:1] + scan
        rankf = jnp.sum(oht * rank, axis=0, keepdims=True)
        rank_ref[...] = rankf.astype(jnp.int32).reshape(1, 1, GATE_CHUNK)
        carry[:, 0:1] += jnp.sum(oht, axis=1, keepdims=True)
        cnt[:, 0:1] += jnp.sum(oht, axis=1, keepdims=True)

    @pl.when(c == NCHUNK)
    def _():
        counts = cnt[:, 0:1]
        nb = jnp.ceil(counts / BLK)
        tri = (lax.broadcasted_iota(jnp.int32, (E, E), 1)
               < lax.broadcasted_iota(jnp.int32, (E, E), 0)).astype(jnp.float32)
        ao = jnp.sum(tri * jnp.transpose(nb), axis=1, keepdims=True) * BLK
        blk_start = ao / BLK
        bidx = lax.broadcasted_iota(jnp.int32, (1, 128), 1).astype(jnp.float32)
        inb = bidx >= blk_start
        own = inb & (bidx < blk_start + nb)
        ownf = own.astype(jnp.float32)
        ve = jnp.clip(counts - (bidx - blk_start) * BLK, 0.0, float(BLK))
        bv = jnp.sum(ownf * ve, axis=0, keepdims=True)
        iota_col = lax.broadcasted_iota(jnp.int32, (E, 1), 0).astype(jnp.float32)
        be_own = jnp.sum(ownf * iota_col, axis=0, keepdims=True)
        last_e = jnp.max(jnp.where(nb > 0, iota_col, 0.0))
        be = jnp.where(bv > 0, be_own, last_e)
        nused = jnp.sum(nb)
        ones = jnp.full((1, 128), 1, jnp.int32)
        meta_ref[0:1, :] = be.astype(jnp.int32)
        meta_ref[1:2, :] = bv.astype(jnp.int32)
        meta_ref[2:3, :] = ones * nused.astype(jnp.int32)
        meta_ref[3:4, :] = jnp.sum(
            jnp.where(lax.broadcasted_iota(jnp.int32, (E, 128), 0)
                      == lax.broadcasted_iota(jnp.int32, (E, 128), 1) % E,
                      ao, 0.0), axis=0, keepdims=True).astype(jnp.int32)


def _route(x, wg):
    return pl.pallas_call(
        _route_body,
        grid=(NCHUNK + 1,),
        in_specs=[
            pl.BlockSpec((GATE_CHUNK, D),
                         lambda c: (jnp.minimum(c, NCHUNK - 1), 0)),
            pl.BlockSpec((E, D), lambda c: (0, 0)),
        ],
        out_specs=[
            pl.BlockSpec((1, 1, GATE_CHUNK),
                         lambda c: (jnp.minimum(c, NCHUNK - 1), 0, 0)),
            pl.BlockSpec((1, 1, GATE_CHUNK),
                         lambda c: (jnp.minimum(c, NCHUNK - 1), 0, 0)),
            pl.BlockSpec((E, 128), lambda c: (0, 0)),
        ],
        out_shape=[
            jax.ShapeDtypeStruct((NCHUNK, 1, GATE_CHUNK), jnp.int32),
            jax.ShapeDtypeStruct((NCHUNK, 1, GATE_CHUNK), jnp.int32),
            jax.ShapeDtypeStruct((E, 128), jnp.int32),
        ],
        scratch_shapes=[
            pltpu.VMEM((E, 128), jnp.float32),
            pltpu.VMEM((E, 128), jnp.float32),
        ],
        compiler_params=pltpu.CompilerParams(
            dimension_semantics=("arbitrary",)),
    )(x, wg)



_SC_CHUNK = 16
_NW = 32
_TPW = N_TOK // _NW
_NCK = _TPW // _SC_CHUNK
_NBUF = 4
_LANES = 16


def _sc_dispatch_body(x_hbm, sel_hbm, rank_hbm, meta_hbm, xs_hbm,
                      aoff_v, sel_v, rank_v, idx_v, rows_v, gsem, ssem):
    wid = lax.axis_index("s") * 2 + lax.axis_index("c")
    base = wid * _TPW
    c0 = base // GATE_CHUNK
    off = base % GATE_CHUNK
    pltpu.sync_copy(meta_hbm.at[3, pl.ds(0, _LANES)], aoff_v)
    pltpu.sync_copy(sel_hbm.at[c0, 0, pl.ds(off, _TPW)], sel_v)
    pltpu.sync_copy(rank_hbm.at[c0, 0, pl.ds(off, _TPW)], rank_v)
    for j in range(_TPW // _LANES):
        sl = sel_v[pl.ds(j * _LANES, _LANES)]
        rk = rank_v[pl.ds(j * _LANES, _LANES)]
        row, col = divmod(j * _LANES, _SC_CHUNK)
        idx_v[row, pl.ds(col, _LANES)] = plsc.load_gather(aoff_v, [sl]) + rk
    gathers = [None] * _NCK
    scatters = [None] * _NCK

    def gather(k):
        return pltpu.async_copy(
            x_hbm.at[pl.ds(base + k * _SC_CHUNK, _SC_CHUNK)],
            rows_v.at[k % _NBUF], gsem[k % _NBUF])

    def scatter(k):
        return pltpu.async_copy(
            rows_v.at[k % _NBUF],
            xs_hbm.at[idx_v.at[k]],
            ssem[k % _NBUF])

    for k in range(_NBUF - 1):
        gathers[k] = gather(k)
    for k in range(_NCK):
        j = k + _NBUF - 1
        if j < _NCK:
            if k >= 1:
                scatters[k - 1].wait()
            gathers[j] = gather(j)
        gathers[k].wait()
        scatters[k] = scatter(k)
    for k in range(_NCK - _NBUF, _NCK):
        scatters[k].wait()


def _dispatch_rows(x, sel3, rank3, meta):
    mesh = plsc.VectorSubcoreMesh(core_axis_name="c", subcore_axis_name="s",
                                  num_cores=2, num_subcores=16)
    return pl.kernel(
        _sc_dispatch_body,
        out_type=jax.ShapeDtypeStruct((NP_PAD, D), jnp.float32),
        mesh=mesh,
        scratch_types=[
            pltpu.VMEM((_LANES,), jnp.int32),
            pltpu.VMEM((_TPW,), jnp.int32),
            pltpu.VMEM((_TPW,), jnp.int32),
            pltpu.VMEM((_NCK, _SC_CHUNK), jnp.int32),
            pltpu.VMEM((_NBUF, _SC_CHUNK, D), jnp.float32),
            [pltpu.SemaphoreType.DMA] * _NBUF,
            [pltpu.SemaphoreType.DMA] * _NBUF,
        ],
        compiler_params=pltpu.CompilerParams(needs_layout_passes=False),
    )(x, sel3, rank3, meta)




def _moe_body(meta_ref, xs_ref, w1_ref, b1_ref, w2_ref,
              um_ref, num, den, mref, tot):
    i = pl.program_id(0)
    v = meta_ref[1, i]

    @pl.when(i == 0)
    def _():
        num[...] = jnp.zeros_like(num)
        den[...] = jnp.zeros_like(den)
        tot[...] = jnp.zeros_like(tot)
        mref[...] = jnp.full_like(mref, NEG)

    @pl.when(v > 0)
    def _():
        e = meta_ref[0, i]
        vm = lax.broadcasted_iota(jnp.int32, (BLK, 1), 0) < v
        xb = jnp.where(vm, xs_ref[...], 0.0)
        h = jnp.tanh(
            lax.dot_general(xb, w1_ref[0], (((1,), (1,)), ((), ())),
                            preferred_element_type=jnp.float32)
            + b1_ref[0])
        s = lax.dot_general(h, w2_ref[0], (((1,), (1,)), ((), ())),
                            preferred_element_type=jnp.float32)
        s = jnp.where(vm, s, NEG)
        bm = jnp.max(s)
        ohe = lax.broadcasted_iota(jnp.int32, (E, 1), 0) == e
        m_old = mref[:, 0:1]
        m_old_e = jnp.max(jnp.where(ohe, m_old, NEG))
        m_new_e = jnp.maximum(m_old_e, bm)
        m_new = jnp.where(ohe, m_new_e, m_old)
        scale = jnp.exp(m_old - m_new)
        w = jnp.where(vm, jnp.exp(s - m_new_e), 0.0)
        den[:, 0:1] = den[:, 0:1] * scale + jnp.where(ohe, jnp.sum(w), 0.0)
        vmf = vm.astype(jnp.float32)
        wv = jnp.concatenate([w, vmf], axis=1)
        red = lax.dot_general(wv, xb, (((0,), (0,)), ((), ())),
                              preferred_element_type=jnp.float32)
        num[...] = num[...] * scale + jnp.where(ohe, red[0:1, :], 0.0)
        mref[:, 0:1] = m_new
        tot[0:1, :] += red[1:2, :]

    @pl.when(i == NB_MAX - 1)
    def _():
        d_ = den[:, 0:1]
        dsafe = jnp.where(d_ > 0, d_, 1.0)
        um_ref[...] = jnp.where(d_ > 0, num[...] / dsafe,
                                tot[0:1, :] / float(N_TOK))


def _moe_grouped(xs, w1, b1, w2, meta):
    grid_spec = pltpu.PrefetchScalarGridSpec(
        num_scalar_prefetch=1,
        grid=(NB_MAX,),
        in_specs=[
            pl.BlockSpec((BLK, D),
                         lambda i, m: (jnp.minimum(i, m[2, 0] - 1), 0)),
            pl.BlockSpec((1, H, D), lambda i, m: (m[0, i], 0, 0)),
            pl.BlockSpec((1, 1, H), lambda i, m: (m[0, i], 0, 0)),
            pl.BlockSpec((1, 1, H), lambda i, m: (m[0, i], 0, 0)),
        ],
        out_specs=pl.BlockSpec((E, D), lambda i, m: (0, 0)),
        scratch_shapes=[
            pltpu.VMEM((E, D), jnp.float32),
            pltpu.VMEM((E, 128), jnp.float32),
            pltpu.VMEM((E, 128), jnp.float32),
            pltpu.VMEM((E, D), jnp.float32),
        ],
    )
    return pl.pallas_call(
        _moe_body,
        grid_spec=grid_spec,
        out_shape=jax.ShapeDtypeStruct((E, D), jnp.float32),
        compiler_params=pltpu.CompilerParams(
            dimension_semantics=("arbitrary",)),
    )(meta, xs, w1, b1.reshape(E, 1, H), w2.reshape(E, 1, H))




def kernel(inputs, Wg, W1, b1, W2, b2):
    del b2
    sel3, rank3, meta = _route(inputs, Wg)
    xs = _dispatch_rows(inputs, sel3, rank3, meta)
    um = _moe_grouped(xs, W1, b1, W2.reshape(E, H), meta)
    return um.reshape(1, E * D)

# --- scband reference (transcript-rebuilt; emitter-appended) ---
"""Pipeline reference for scband-moe-layer-19911468384706 (READ-ONLY COPY).

The authoritative reference and input builder live on the scoring server;
editing this copy changes nothing except your own understanding.
"""

import jax, jax.numpy as jnp
import numpy as np

FEATURE_DIM = 1024
HIDDEN_DIM = 2048
NUM_EXPERTS = 8
N_TOKENS = 8192


def setup_inputs(seed: int = 0) -> dict:
    key = jax.random.key(seed)
    ks = jax.random.split(key, 6)
    inputs = jax.random.normal(ks[0], (N_TOKENS, FEATURE_DIM), dtype=jnp.float32)
    # gate: nn.Linear(feature_dim, experts_num, bias=False) -> weight [E, d]
    Wg = jax.random.normal(ks[1], (NUM_EXPERTS, FEATURE_DIM), dtype=jnp.float32) * 0.02
    # per-expert attention MLP: Linear(d, hidden) -> Tanh -> Linear(hidden, 1)
    W1 = jax.random.normal(ks[2], (NUM_EXPERTS, HIDDEN_DIM, FEATURE_DIM), dtype=jnp.float32) * 0.02
    b1 = jnp.zeros((NUM_EXPERTS, HIDDEN_DIM), dtype=jnp.float32)
    W2 = jax.random.normal(ks[3], (NUM_EXPERTS, HIDDEN_DIM), dtype=jnp.float32) * 0.02
    b2 = jnp.zeros((NUM_EXPERTS,), dtype=jnp.float32)
    return {"inputs": inputs, "Wg": Wg, "W1": W1, "b1": b1, "W2": W2, "b2": b2}


def reference(inputs, Wg, W1, b1, W2, b2):
    # gate logits [N, E]; top-1 expert selection (torch.topk k=1 == argmax, ties -> lowest idx)
    gate_logits = inputs @ Wg.T
    sel = jnp.argmax(gate_logits, axis=-1)  # [N] int
    # ABExpert attention scores for every (expert, token) pair: [E, N]
    h = jnp.tanh(jnp.einsum('nd,ehd->enh', inputs, W1) + b1[:, None, :])  # [E, N, H]
    s = jnp.einsum('enh,eh->en', h, W2) + b2[:, None]  # [E, N]
    # mask tokens not routed to expert e; softmax over the expert's own tokens
    # (equivalent to torch gathering inputs[batch_idx] then softmax over that subset)
    mask = sel[None, :] == jnp.arange(NUM_EXPERTS)[:, None]  # [E, N]
    s = jnp.where(mask, s, jnp.float32(-1e9))
    a = jax.nn.softmax(s, axis=-1)  # [E, N]
    um = a @ inputs  # [E, d] -- each expert's pooled vector UM [1, d]
    # torch.cat(results, dim=1) over E tensors of shape [1, d] -> [1, E*d]
    return um.reshape(1, NUM_EXPERTS * FEATURE_DIM)

if __name__ == "__main__":
    import jax
    _d = setup_inputs()
    print(jax.jit(kernel)(*tuple(_d.values())))

</pallas_src>

<mosaic_0001>
#map = affine_map<(d0, d1) -> (0, 0)>
#map1 = affine_map<(d0, d1) -> (0, 0, 0)>
module attributes {stable_mosaic.version = 14 : i64} {
  func.func @_sc_dispatch_body(%arg0: i32, %arg1: i32, %arg2: memref<8192x1024xf32, #tpu.memory_space<hbm>>, %arg3: memref<8x1x1024xi32, #tpu.memory_space<hbm>>, %arg4: memref<8x1x1024xi32, #tpu.memory_space<hbm>>, %arg5: memref<8x128xi32, #tpu.memory_space<hbm>>, %arg6: memref<12288x1024xf32, #tpu.memory_space<hbm>>, %arg7: memref<16xi32, #tpu.memory_space<vmem>>, %arg8: memref<256xi32, #tpu.memory_space<vmem>>, %arg9: memref<256xi32, #tpu.memory_space<vmem>>, %arg10: memref<16x16xi32, #tpu.memory_space<vmem>>, %arg11: memref<4x16x1024xf32, #tpu.memory_space<vmem>>, %arg12: memref<!tpu.dma_semaphore, #tpu.memory_space<semaphore_mem>>, %arg13: memref<!tpu.dma_semaphore, #tpu.memory_space<semaphore_mem>>, %arg14: memref<!tpu.dma_semaphore, #tpu.memory_space<semaphore_mem>>, %arg15: memref<!tpu.dma_semaphore, #tpu.memory_space<semaphore_mem>>, %arg16: memref<!tpu.dma_semaphore, #tpu.memory_space<semaphore_mem>>, %arg17: memref<!tpu.dma_semaphore, #tpu.memory_space<semaphore_mem>>, %arg18: memref<!tpu.dma_semaphore, #tpu.memory_space<semaphore_mem>>, %arg19: memref<!tpu.dma_semaphore, #tpu.memory_space<semaphore_mem>>) attributes {dimension_semantics = [#tpu.dimension_semantics<core_parallel>, #tpu.dimension_semantics<subcore_parallel>], iteration_bounds = array<i64: 2, 16>, scalar_prefetch = 0 : i64, scratch_operands = 13 : i64, tpu.core_type = #tpu.core_type<sc_vector_subcore>, window_params = [{transform_indices = #map}, {transform_indices = #map1}, {transform_indices = #map1}, {transform_indices = #map}, {transform_indices = #map}]} {
    %mul3A = arith.constant 2 : i32
    %mul3A_0 = arith.muli %arg1, %mul3A : i32
    %add3A = arith.addi %mul3A_0, %arg0 : i32
    %mul3A_1 = arith.constant 256 : i32
    %mul3A_2 = arith.muli %add3A, %mul3A_1 : i32
    %jit3A = arith.constant 1024 : i32
    %div3A = arith.divsi %mul3A_2, %jit3A : i32
    %sign3A = arith.constant 0 : i32
    %sign3A_3 = arith.cmpi sgt, %mul3A_2, %sign3A : i32
    %sign3A_4 = arith.extui %sign3A_3 : i1 to i32
    %sign3A_5 = arith.constant 0 : i32
    %sign3A_6 = arith.cmpi slt, %mul3A_2, %sign3A_5 : i32
    %sign3A_7 = arith.extui %sign3A_6 : i1 to i32
    %sign3A_8 = arith.subi %sign3A_4, %sign3A_7 : i32
    %sign3A_9 = arith.constant 0 : i32
    %sign3A_10 = arith.cmpi sgt, %jit3A, %sign3A_9 : i32
    %sign3A_11 = arith.extui %sign3A_10 : i1 to i32
    %sign3A_12 = arith.constant 0 : i32
    %sign3A_13 = arith.cmpi slt, %jit3A, %sign3A_12 : i32
    %sign3A_14 = arith.extui %sign3A_13 : i1 to i32
    %sign3A_15 = arith.subi %sign3A_11, %sign3A_14 : i32
    %ne3A = arith.cmpi ne, %sign3A_8, %sign3A_15 : i32
    %rem3A = arith.remsi %mul3A_2, %jit3A : i32
    %ne3A_16 = arith.constant 0 : i32
    %ne3A_17 = arith.cmpi ne, %rem3A, %ne3A_16 : i32
    %and3A = arith.andi %ne3A, %ne3A_17 : i1
    %sub3A = arith.constant 1 : i32
    %sub3A_18 = arith.subi %div3A, %sub3A : i32
    %select_n3A = arith.select %and3A, %sub3A_18, %div3A : i32
    %jit3A_19 = arith.constant 1024 : i32
    %eq3A = arith.constant 0 : i32
    %eq3A_20 = arith.cmpi eq, %jit3A_19, %eq3A : i32
    %jit3A_21 = arith.constant 1 : i32
    %select_n3A_22 = arith.select %eq3A_20, %jit3A_21, %jit3A_19 : i32
    %rem3A_23 = arith.remsi %mul3A_2, %select_n3A_22 : i32
    %ne3A_24 = arith.constant 0 : i32
    %ne3A_25 = arith.cmpi ne, %rem3A_23, %ne3A_24 : i32
    %lt3A = arith.constant 0 : i32
    %lt3A_26 = arith.cmpi slt, %rem3A_23, %lt3A : i32
    %lt3A_27 = arith.constant 0 : i32
    %lt3A_28 = arith.cmpi slt, %select_n3A_22, %lt3A_27 : i32
    %ne3A_29 = arith.xori %lt3A_26, %lt3A_28 : i1
    %and3A_30 = arith.andi %ne3A_29, %ne3A_25 : i1
    %add3A_31 = arith.addi %rem3A_23, %select_n3A_22 : i32
    %select_n3A_32 = arith.select %and3A_30, %add3A_31, %rem3A_23 : i32
    %run_scoped3A = arith.constant 3 : i32
    "tpu.region"() ({
      %run_scoped3A_1022 = tpu.sem_alloc : memref<!tpu.dma_semaphore, #tpu.memory_space<semaphore_mem>>
      %dma_start3A_1023 = arith.constant 0 : i32
      %dma_start3A_1024 = tpu.memref_slice %arg5[%run_scoped3A, %dma_start3A_1023] : memref<8x128xi32, #tpu.memory_space<hbm>> -> memref<1x16xi32, #tpu.memory_space<hbm>>
      %dma_start3A_1025 = tpu.memref_squeeze %dma_start3A_1024 : memref<1x16xi32, #tpu.memory_space<hbm>> -> memref<16xi32, #tpu.memory_space<hbm>>
      %dma_start3A_1026 = arith.constant 0 : i32
      %dma_start3A_1027 = tpu.memref_slice %arg5[%run_scoped3A, %dma_start3A_1026] : memref<8x128xi32, #tpu.memory_space<hbm>> -> memref<1x16xi32, #tpu.memory_space<hbm>>
      %dma_start3A_1028 = tpu.memref_squeeze %dma_start3A_1027 : memref<1x16xi32, #tpu.memory_space<hbm>> -> memref<16xi32, #tpu.memory_space<hbm>>
      tpu.enqueue_dma source(%dma_start3A_1028 : memref<16xi32, #tpu.memory_space<hbm>>) target(%arg7 : memref<16xi32, #tpu.memory_space<vmem>>) target_semaphore(%run_scoped3A_1022 : memref<!tpu.dma_semaphore, #tpu.memory_space<semaphore_mem>>)
      %dma_wait3A_1029 = arith.constant 0 : i32
      %dma_wait3A_1030 = tpu.memref_slice %arg5[%run_scoped3A, %dma_wait3A_1029] : memref<8x128xi32, #tpu.memory_space<hbm>> -> memref<1x16xi32, #tpu.memory_space<hbm>>
      %dma_wait3A_1031 = tpu.memref_squeeze %dma_wait3A_1030 : memref<1x16xi32, #tpu.memory_space<hbm>> -> memref<16xi32, #tpu.memory_space<hbm>>
      %dma_wait3A_1032 = arith.constant 0 : i32
      %dma_wait3A_1033 = tpu.memref_slice %arg5[%run_scoped3A, %dma_wait3A_1032] : memref<8x128xi32, #tpu.memory_space<hbm>> -> memref<1x16xi32, #tpu.memory_space<hbm>>
      %dma_wait3A_1034 = tpu.memref_squeeze %dma_wait3A_1033 : memref<1x16xi32, #tpu.memory_space<hbm>> -> memref<16xi32, #tpu.memory_space<hbm>>
      tpu.wait_dma2 semaphore(%run_scoped3A_1022 : memref<!tpu.dma_semaphore, #tpu.memory_space<semaphore_mem>>) src(%dma_wait3A_1034 : memref<16xi32, #tpu.memory_space<hbm>>) dst(%arg7 : memref<16xi32, #tpu.memory_space<vmem>>)
      tpu.yield
    }) : () -> ()
    %run_scoped3A_33 = arith.constant 0 : i32
    "tpu.region"() ({
      %run_scoped3A_1022 = tpu.sem_alloc : memref<!tpu.dma_semaphore, #tpu.memory_space<semaphore_mem>>
      %dma_start3A_1023 = tpu.memref_slice %arg3[%select_n3A, %run_scoped3A_33, %select_n3A_32] : memref<8x1x1024xi32, #tpu.memory_space<hbm>> -> memref<1x1x256xi32, #tpu.memory_space<hbm>>
      %dma_start3A_1024 = tpu.memref_squeeze %dma_start3A_1023 : memref<1x1x256xi32, #tpu.memory_space<hbm>> -> memref<256xi32, #tpu.memory_space<hbm>>
      %dma_start3A_1025 = tpu.memref_slice %arg3[%select_n3A, %run_scoped3A_33, %select_n3A_32] : memref<8x1x1024xi32, #tpu.memory_space<hbm>> -> memref<1x1x256xi32, #tpu.memory_space<hbm>>
      %dma_start3A_1026 = tpu.memref_squeeze %dma_start3A_1025 : memref<1x1x256xi32, #tpu.memory_space<hbm>> -> memref<256xi32, #tpu.memory_space<hbm>>
      tpu.enqueue_dma source(%dma_start3A_1026 : memref<256xi32, #tpu.memory_space<hbm>>) target(%arg8 : memref<256xi32, #tpu.memory_space<vmem>>) target_semaphore(%run_scoped3A_1022 : memref<!tpu.dma_semaphore, #tpu.memory_space<semaphore_mem>>)
      %dma_wait3A_1027 = tpu.memref_slice %arg3[%select_n3A, %run_scoped3A_33, %select_n3A_32] : memref<8x1x1024xi32, #tpu.memory_space<hbm>> -> memref<1x1x256xi32, #tpu.memory_space<hbm>>
      %dma_wait3A_1028 = tpu.memref_squeeze %dma_wait3A_1027 : memref<1x1x256xi32, #tpu.memory_space<hbm>> -> memref<256xi32, #tpu.memory_space<hbm>>
      %dma_wait3A_1029 = tpu.memref_slice %arg3[%select_n3A, %run_scoped3A_33, %select_n3A_32] : memref<8x1x1024xi32, #tpu.memory_space<hbm>> -> memref<1x1x256xi32, #tpu.memory_space<hbm>>
      %dma_wait3A_1030 = tpu.memref_squeeze %dma_wait3A_1029 : memref<1x1x256xi32, #tpu.memory_space<hbm>> -> memref<256xi32, #tpu.memory_space<hbm>>
      tpu.wait_dma2 semaphore(%run_scoped3A_1022 : memref<!tpu.dma_semaphore, #tpu.memory_space<semaphore_mem>>) src(%dma_wait3A_1030 : memref<256xi32, #tpu.memory_space<hbm>>) dst(%arg8 : memref<256xi32, #tpu.memory_space<vmem>>)
      tpu.yield
    }) : () -> ()
    %run_scoped3A_34 = arith.constant 0 : i32
    "tpu.region"() ({
      %run_scoped3A_1022 = tpu.sem_alloc : memref<!tpu.dma_semaphore, #tpu.memory_space<semaphore_mem>>
      %dma_start3A_1023 = tpu.memref_slice %arg4[%select_n3A, %run_scoped3A_34, %select_n3A_32] : memref<8x1x1024xi32, #tpu.memory_space<hbm>> -> memref<1x1x256xi32, #tpu.memory_space<hbm>>
      %dma_start3A_1024 = tpu.memref_squeeze %dma_start3A_1023 : memref<1x1x256xi32, #tpu.memory_space<hbm>> -> memref<256xi32, #tpu.memory_space<hbm>>
      %dma_start3A_1025 = tpu.memref_slice %arg4[%select_n3A, %run_scoped3A_34, %select_n3A_32] : memref<8x1x1024xi32, #tpu.memory_space<hbm>> -> memref<1x1x256xi32, #tpu.memory_space<hbm>>
      %dma_start3A_1026 = tpu.memref_squeeze %dma_start3A_1025 : memref<1x1x256xi32, #tpu.memory_space<hbm>> -> memref<256xi32, #tpu.memory_space<hbm>>
      tpu.enqueue_dma source(%dma_start3A_1026 : memref<256xi32, #tpu.memory_space<hbm>>) target(%arg9 : memref<256xi32, #tpu.memory_space<vmem>>) target_semaphore(%run_scoped3A_1022 : memref<!tpu.dma_semaphore, #tpu.memory_space<semaphore_mem>>)
      %dma_wait3A_1027 = tpu.memref_slice %arg4[%select_n3A, %run_scoped3A_34, %select_n3A_32] : memref<8x1x1024xi32, #tpu.memory_space<hbm>> -> memref<1x1x256xi32, #tpu.memory_space<hbm>>
      %dma_wait3A_1028 = tpu.memref_squeeze %dma_wait3A_1027 : memref<1x1x256xi32, #tpu.memory_space<hbm>> -> memref<256xi32, #tpu.memory_space<hbm>>
      %dma_wait3A_1029 = tpu.memref_slice %arg4[%select_n3A, %run_scoped3A_34, %select_n3A_32] : memref<8x1x1024xi32, #tpu.memory_space<hbm>> -> memref<1x1x256xi32, #tpu.memory_space<hbm>>
      %dma_wait3A_1030 = tpu.memref_squeeze %dma_wait3A_1029 : memref<1x1x256xi32, #tpu.memory_space<hbm>> -> memref<256xi32, #tpu.memory_space<hbm>>
      tpu.wait_dma2 semaphore(%run_scoped3A_1022 : memref<!tpu.dma_semaphore, #tpu.memory_space<semaphore_mem>>) src(%dma_wait3A_1030 : memref<256xi32, #tpu.memory_space<hbm>>) dst(%arg9 : memref<256xi32, #tpu.memory_space<vmem>>)
      tpu.yield
    }) : () -> ()
    %get3A = arith.constant 0 : index
    %get3A_35 = tpu.vector_load %arg8[%get3A] {strides = array<i32>} : memref<256xi32, #tpu.memory_space<vmem>>, vector<16xi32>,
    %get3A_36 = arith.constant 0 : index
    %get3A_37 = tpu.vector_load %arg9[%get3A_36] {strides = array<i32>} : memref<256xi32, #tpu.memory_space<vmem>>, vector<16xi32>,
    %gather3A = tpu.vector_load_idx %arg7[%get3A_35] : memref<16xi32, #tpu.memory_space<vmem>>[vector<16xi32>], vector<16xi32>,
    %add3A_38 = arith.addi %gather3A, %get3A_37 : vector<16xi32>
    %swap3A = arith.constant 0 : i32
    %swap3A_39 = arith.index_cast %swap3A : i32 to index
    %swap3A_40 = arith.constant 0 : index
    %swap3A_41 = tpu.vector_load %arg10[%swap3A_39, %swap3A_40] {strides = array<i32>} : memref<16x16xi32, #tpu.memory_space<vmem>>, vector<16xi32>,
    tpu.vector_store %arg10[%swap3A_39, %swap3A_40], %add3A_38 {strides = array<i32>} : memref<16x16xi32, #tpu.memory_space<vmem>>, vector<16xi32>,
    %get3A_42 = arith.constant 16 : index
    %get3A_43 = tpu.vector_load %arg8[%get3A_42] {strides = array<i32>} : memref<256xi32, #tpu.memory_space<vmem>>, vector<16xi32>,
    %get3A_44 = arith.constant 16 : index
    %get3A_45 = tpu.vector_load %arg9[%get3A_44] {strides = array<i32>} : memref<256xi32, #tpu.memory_space<vmem>>, vector<16xi32>,
    %gather3A_46 = tpu.vector_load_idx %arg7[%get3A_43] : memref<16xi32, #tpu.memory_space<vmem>>[vector<16xi32>], vector<16xi32>,
    %add3A_47 = arith.addi %gather3A_46, %get3A_45 : vector<16xi32>
    %swap3A_48 = arith.constant 1 : i32
    %swap3A_49 = arith.index_cast %swap3A_48 : i32 to index
    %swap3A_50 = arith.constant 0 : index
    %swap3A_51 = tpu.vector_load %arg10[%swap3A_49, %swap3A_50] {strides = array<i32>} : memref<16x16xi32, #tpu.memory_space<vmem>>, vector<16xi32>,
    tpu.vector_store %arg10[%swap3A_49, %swap3A_50], %add3A_47 {strides = array<i32>} : memref<16x16xi32, #tpu.memory_space<vmem>>, vector<16xi32>,
    %get3A_52 = arith.constant 32 : index
    %get3A_53 = tpu.vector_load %arg8[%get3A_52] {strides = array<i32>} : memref<256xi32, #tpu.memory_space<vmem>>, vector<16xi32>,
    %get3A_54 = arith.constant 32 : index
    %get3A_55 = tpu.vector_load %arg9[%get3A_54] {strides = array<i32>} : memref<256xi32, #tpu.memory_space<vmem>>, vector<16xi32>,
    %gather3A_56 = tpu.vector_load_idx %arg7[%get3A_53] : memref<16xi32, #tpu.memory_space<vmem>>[vector<16xi32>], vector<16xi32>,
    %add3A_57 = arith.addi %gather3A_56, %get3A_55 : vector<16xi32>
    %swap3A_58 = arith.constant 2 : i32
    %swap3A_59 = arith.index_cast %swap3A_58 : i32 to index
    %swap3A_60 = arith.constant 0 : index
    %swap3A_61 = tpu.vector_load %arg10[%swap3A_59, %swap3A_60] {strides = array<i32>} : memref<16x16xi32, #tpu.memory_space<vmem>>, vector<16xi32>,
    tpu.vector_store %arg10[%swap3A_59, %swap3A_60], %add3A_57 {strides = array<i32>} : memref<16x16xi32, #tpu.memory_space<vmem>>, vector<16xi32>,
    %get3A_62 = arith.constant 48 : index
    %get3A_63 = tpu.vector_load %arg8[%get3A_62] {strides = array<i32>} : memref<256xi32, #tpu.memory_space<vmem>>, vector<16xi32>,
    %get3A_64 = arith.constant 48 : index
    %get3A_65 = tpu.vector_load %arg9[%get3A_64] {strides = array<i32>} : memref<256xi32, #tpu.memory_space<vmem>>, vector<16xi32>,
    %gather3A_66 = tpu.vector_load_idx %arg7[%get3A_63] : memref<16xi32, #tpu.memory_space<vmem>>[vector<16xi32>], vector<16xi32>,
    %add3A_67 = arith.addi %gather3A_66, %get3A_65 : vector<16xi32>
    %swap3A_68 = arith.constant 3 : i32
    %swap3A_69 = arith.index_cast %swap3A_68 : i32 to index
    %swap3A_70 = arith.constant 0 : index
    %swap3A_71 = tpu.vector_load %arg10[%swap3A_69, %swap3A_70] {strides = array<i32>} : memref<16x16xi32, #tpu.memory_space<vmem>>, vector<16xi32>,
    tpu.vector_store %arg10[%swap3A_69, %swap3A_70], %add3A_67 {strides = array<i32>} : memref<16x16xi32, #tpu.memory_space<vmem>>, vector<16xi32>,
    %get3A_72 = arith.constant 64 : index
    %get3A_73 = tpu.vector_load %arg8[%get3A_72] {strides = array<i32>} : memref<256xi32, #tpu.memory_space<vmem>>, vector<16xi32>,
    %get3A_74 = arith.constant 64 : index
    %get3A_75 = tpu.vector_load %arg9[%get3A_74] {strides = array<i32>} : memref<256xi32, #tpu.memory_space<vmem>>, vector<16xi32>,
    %gather3A_76 = tpu.vector_load_idx %arg7[%get3A_73] : memref<16xi32, #tpu.memory_space<vmem>>[vector<16xi32>], vector<16xi32>,
    %add3A_77 = arith.addi %gather3A_76, %get3A_75 : vector<16xi32>
    %swap3A_78 = arith.constant 4 : i32
    %swap3A_79 = arith.index_cast %swap3A_78 : i32 to index
    %swap3A_80 = arith.constant 0 : index
    %swap3A_81 = tpu.vector_load %arg10[%swap3A_79, %swap3A_80] {strides = array<i32>} : memref<16x16xi32, #tpu.memory_space<vmem>>, vector<16xi32>,
    tpu.vector_store %arg10[%swap3A_79, %swap3A_80], %add3A_77 {strides = array<i32>} : memref<16x16xi32, #tpu.memory_space<vmem>>, vector<16xi32>,
    %get3A_82 = arith.constant 80 : index
    %get3A_83 = tpu.vector_load %arg8[%get3A_82] {strides = array<i32>} : memref<256xi32, #tpu.memory_space<vmem>>, vector<16xi32>,
    %get3A_84 = arith.constant 80 : index
    %get3A_85 = tpu.vector_load %arg9[%get3A_84] {strides = array<i32>} : memref<256xi32, #tpu.memory_space<vmem>>, vector<16xi32>,
    %gather3A_86 = tpu.vector_load_idx %arg7[%get3A_83] : memref<16xi32, #tpu.memory_space<vmem>>[vector<16xi32>], vector<16xi32>,
    %add3A_87 = arith.addi %gather3A_86, %get3A_85 : vector<16xi32>
    %swap3A_88 = arith.constant 5 : i32
    %swap3A_89 = arith.index_cast %swap3A_88 : i32 to index
    %swap3A_90 = arith.constant 0 : index
    %swap3A_91 = tpu.vector_load %arg10[%swap3A_89, %swap3A_90] {strides = array<i32>} : memref<16x16xi32, #tpu.memory_space<vmem>>, vector<16xi32>,
    tpu.vector_store %arg10[%swap3A_89, %swap3A_90], %add3A_87 {strides = array<i32>} : memref<16x16xi32, #tpu.memory_space<vmem>>, vector<16xi32>,
    %get3A_92 = arith.constant 96 : index
    %get3A_93 = tpu.vector_load %arg8[%get3A_92] {strides = array<i32>} : memref<256xi32, #tpu.memory_space<vmem>>, vector<16xi32>,
    %get3A_94 = arith.constant 96 : index
    %get3A_95 = tpu.vector_load %arg9[%get3A_94] {strides = array<i32>} : memref<256xi32, #tpu.memory_space<vmem>>, vector<16xi32>,
    %gather3A_96 = tpu.vector_load_idx %arg7[%get3A_93] : memref<16xi32, #tpu.memory_space<vmem>>[vector<16xi32>], vector<16xi32>,
    %add3A_97 = arith.addi %gather3A_96, %get3A_95 : vector<16xi32>
    %swap3A_98 = arith.constant 6 : i32
    %swap3A_99 = arith.index_cast %swap3A_98 : i32 to index
    %swap3A_100 = arith.constant 0 : index
    %swap3A_101 = tpu.vector_load %arg10[%swap3A_99, %swap3A_100] {strides = array<i32>} : memref<16x16xi32, #tpu.memory_space<vmem>>, vector<16xi32>,
    tpu.vector_store %arg10[%swap3A_99, %swap3A_100], %add3A_97 {strides = array<i32>} : memref<16x16xi32, #tpu.memory_space<vmem>>, vector<16xi32>,
    %get3A_102 = arith.constant 112 : index
    %get3A_103 = tpu.vector_load %arg8[%get3A_102] {strides = array<i32>} : memref<256xi32, #tpu.memory_space<vmem>>, vector<16xi32>,
    %get3A_104 = arith.constant 112 : index
    %get3A_105 = tpu.vector_load %arg9[%get3A_104] {strides = array<i32>} : memref<256xi32, #tpu.memory_space<vmem>>, vector<16xi32>,
    %gather3A_106 = tpu.vector_load_idx %arg7[%get3A_103] : memref<16xi32, #tpu.memory_space<vmem>>[vector<16xi32>], vector<16xi32>,
    %add3A_107 = arith.addi %gather3A_106, %get3A_105 : vector<16xi32>
    %swap3A_108 = arith.constant 7 : i32
    %swap3A_109 = arith.index_cast %swap3A_108 : i32 to index
    %swap3A_110 = arith.constant 0 : index
    %swap3A_111 = tpu.vector_load %arg10[%swap3A_109, %swap3A_110] {strides = array<i32>} : memref<16x16xi32, #tpu.memory_space<vmem>>, vector<16xi32>,
    tpu.vector_store %arg10[%swap3A_109, %swap3A_110], %add3A_107 {strides = array<i32>} : memref<16x16xi32, #tpu.memory_space<vmem>>, vector<16xi32>,
    %get3A_112 = arith.constant 128 : index
    %get3A_113 = tpu.vector_load %arg8[%get3A_112] {strides = array<i32>} : memref<256xi32, #tpu.memory_space<vmem>>, vector<16xi32>,
    %get3A_114 = arith.constant 128 : index
    %get3A_115 = tpu.vector_load %arg9[%get3A_114] {strides = array<i32>} : memref<256xi32, #tpu.memory_space<vmem>>, vector<16xi32>,
    %gather3A_116 = tpu.vector_load_idx %arg7[%get3A_113] : memref<16xi32, #tpu.memory_space<vmem>>[vector<16xi32>], vector<16xi32>,
    %add3A_117 = arith.addi %gather3A_116, %get3A_115 : vector<16xi32>
    %swap3A_118 = arith.constant 8 : i32
    %swap3A_119 = arith.index_cast %swap3A_118 : i32 to index
    %swap3A_120 = arith.constant 0 : index
    %swap3A_121 = tpu.vector_load %arg10[%swap3A_119, %swap3A_120] {strides = array<i32>} : memref<16x16xi32, #tpu.memory_space<vmem>>, vector<16xi32>,
    tpu.vector_store %arg10[%swap3A_119, %swap3A_120], %add3A_117 {strides = array<i32>} : memref<16x16xi32, #tpu.memory_space<vmem>>, vector<16xi32>,
    %get3A_122 = arith.constant 144 : index
    %get3A_123 = tpu.vector_load %arg8[%get3A_122] {strides = array<i32>} : memref<256xi32, #tpu.memory_space<vmem>>, vector<16xi32>,
    %get3A_124 = arith.constant 144 : index
    %get3A_125 = tpu.vector_load %arg9[%get3A_124] {strides = array<i32>} : memref<256xi32, #tpu.memory_space<vmem>>, vector<16xi32>,
    %gather3A_126 = tpu.vector_load_idx %arg7[%get3A_123] : memref<16xi32, #tpu.memory_space<vmem>>[vector<16xi32>], vector<16xi32>,
    %add3A_127 = arith.addi %gather3A_126, %get3A_125 : vector<16xi32>
    %swap3A_128 = arith.constant 9 : i32
    %swap3A_129 = arith.index_cast %swap3A_128 : i32 to index
    %swap3A_130 = arith.constant 0 : index
    %swap3A_131 = tpu.vector_load %arg10[%swap3A_129, %swap3A_130] {strides = array<i32>} : memref<16x16xi32, #tpu.memory_space<vmem>>, vector<16xi32>,
    tpu.vector_store %arg10[%swap3A_129, %swap3A_130], %add3A_127 {strides = array<i32>} : memref<16x16xi32, #tpu.memory_space<vmem>>, vector<16xi32>,
    %get3A_132 = arith.constant 160 : index
    %get3A_133 = tpu.vector_load %arg8[%get3A_132] {strides = array<i32>} : memref<256xi32, #tpu.memory_space<vmem>>, vector<16xi32>,
    %get3A_134 = arith.constant 160 : index
    %get3A_135 = tpu.vector_load %arg9[%get3A_134] {strides = array<i32>} : memref<256xi32, #tpu.memory_space<vmem>>, vector<16xi32>,
    %gather3A_136 = tpu.vector_load_idx %arg7[%get3A_133] : memref<16xi32, #tpu.memory_space<vmem>>[vector<16xi32>], vector<16xi32>,
    %add3A_137 = arith.addi %gather3A_136, %get3A_135 : vector<16xi32>
    %swap3A_138 = arith.constant 10 : i32
    %swap3A_139 = arith.index_cast %swap3A_138 : i32 to index
    %swap3A_140 = arith.constant 0 : index
    %swap3A_141 = tpu.vector_load %arg10[%swap3A_139, %swap3A_140] {strides = array<i32>} : memref<16x16xi32, #tpu.memory_space<vmem>>, vector<16xi32>,
    tpu.vector_store %arg10[%swap3A_139, %swap3A_140], %add3A_137 {strides = array<i32>} : memref<16x16xi32, #tpu.memory_space<vmem>>, vector<16xi32>,
    %get3A_142 = arith.constant 176 : index
    %get3A_143 = tpu.vector_load %arg8[%get3A_142] {strides = array<i32>} : memref<256xi32, #tpu.memory_space<vmem>>, vector<16xi32>,
    %get3A_144 = arith.constant 176 : index
    %get3A_145 = tpu.vector_load %arg9[%get3A_144] {strides = array<i32>} : memref<256xi32, #tpu.memory_space<vmem>>, vector<16xi32>,
    %gather3A_146 = tpu.vector_load_idx %arg7[%get3A_143] : memref<16xi32, #tpu.memory_space<vmem>>[vector<16xi32>], vector<16xi32>,
    %add3A_147 = arith.addi %gather3A_146, %get3A_145 : vector<16xi32>
    %swap3A_148 = arith.constant 11 : i32
    %swap3A_149 = arith.index_cast %swap3A_148 : i32 to index
    %swap3A_150 = arith.constant 0 : index
    %swap3A_151 = tpu.vector_load %arg10[%swap3A_149, %swap3A_150] {strides = array<i32>} : memref<16x16xi32, #tpu.memory_space<vmem>>, vector<16xi32>,
    tpu.vector_store %arg10[%swap3A_149, %swap3A_150], %add3A_147 {strides = array<i32>} : memref<16x16xi32, #tpu.memory_space<vmem>>, vector<16xi32>,
    %get3A_152 = arith.constant 192 : index
    %get3A_153 = tpu.vector_load %arg8[%get3A_152] {strides = array<i32>} : memref<256xi32, #tpu.memory_space<vmem>>, vector<16xi32>,
    %get3A_154 = arith.constant 192 : index
    %get3A_155 = tpu.vector_load %arg9[%get3A_154] {strides = array<i32>} : memref<256xi32, #tpu.memory_space<vmem>>, vector<16xi32>,
    %gather3A_156 = tpu.vector_load_idx %arg7[%get3A_153] : memref<16xi32, #tpu.memory_space<vmem>>[vector<16xi32>], vector<16xi32>,
    %add3A_157 = arith.addi %gather3A_156, %get3A_155 : vector<16xi32>
    %swap3A_158 = arith.constant 12 : i32
    %swap3A_159 = arith.index_cast %swap3A_158 : i32 to index
    %swap3A_160 = arith.constant 0 : index
    %swap3A_161 = tpu.vector_load %arg10[%swap3A_159, %swap3A_160] {strides = array<i32>} : memref<16x16xi32, #tpu.memory_space<vmem>>, vector<16xi32>,
    tpu.vector_store %arg10[%swap3A_159, %swap3A_160], %add3A_157 {strides = array<i32>} : memref<16x16xi32, #tpu.memory_space<vmem>>, vector<16xi32>,
    %get3A_162 = arith.constant 208 : index
    %get3A_163 = tpu.vector_load %arg8[%get3A_162] {strides = array<i32>} : memref<256xi32, #tpu.memory_space<vmem>>, vector<16xi32>,
    %get3A_164 = arith.constant 208 : index
    %get3A_165 = tpu.vector_load %arg9[%get3A_164] {strides = array<i32>} : memref<256xi32, #tpu.memory_space<vmem>>, vector<16xi32>,
    %gather3A_166 = tpu.vector_load_idx %arg7[%get3A_163] : memref<16xi32, #tpu.memory_space<vmem>>[vector<16xi32>], vector<16xi32>,
    %add3A_167 = arith.addi %gather3A_166, %get3A_165 : vector<16xi32>
    %swap3A_168 = arith.constant 13 : i32
    %swap3A_169 = arith.index_cast %swap3A_168 : i32 to index
    %swap3A_170 = arith.constant 0 : index
    %swap3A_171 = tpu.vector_load %arg10[%swap3A_169, %swap3A_170] {strides = array<i32>} : memref<16x16xi32, #tpu.memory_space<vmem>>, vector<16xi32>,
    tpu.vector_store %arg10[%swap3A_169, %swap3A_170], %add3A_167 {strides = array<i32>} : memref<16x16xi32, #tpu.memory_space<vmem>>, vector<16xi32>,
    %get3A_172 = arith.constant 224 : index
    %get3A_173 = tpu.vector_load %arg8[%get3A_172] {strides = array<i32>} : memref<256xi32, #tpu.memory_space<vmem>>, vector<16xi32>,
    %get3A_174 = arith.constant 224 : index
    %get3A_175 = tpu.vector_load %arg9[%get3A_174] {strides = array<i32>} : memref<256xi32, #tpu.memory_space<vmem>>, vector<16xi32>,
    %gather3A_176 = tpu.vector_load_idx %arg7[%get3A_173] : memref<16xi32, #tpu.memory_space<vmem>>[vector<16xi32>], vector<16xi32>,
    %add3A_177 = arith.addi %gather3A_176, %get3A_175 : vector<16xi32>
    %swap3A_178 = arith.constant 14 : i32
    %swap3A_179 = arith.index_cast %swap3A_178 : i32 to index
    %swap3A_180 = arith.constant 0 : index
    %swap3A_181 = tpu.vector_load %arg10[%swap3A_179, %swap3A_180] {strides = array<i32>} : memref<16x16xi32, #tpu.memory_space<vmem>>, vector<16xi32>,
    tpu.vector_store %arg10[%swap3A_179, %swap3A_180], %add3A_177 {strides = array<i32>} : memref<16x16xi32, #tpu.memory_space<vmem>>, vector<16xi32>,
    %get3A_182 = arith.constant 240 : index
    %get3A_183 = tpu.vector_load %arg8[%get3A_182] {strides = array<i32>} : memref<256xi32, #tpu.memory_space<vmem>>, vector<16xi32>,
    %get3A_184 = arith.constant 240 : index
    %get3A_185 = tpu.vector_load %arg9[%get3A_184] {strides = array<i32>} : memref<256xi32, #tpu.memory_space<vmem>>, vector<16xi32>,
    %gather3A_186 = tpu.vector_load_idx %arg7[%get3A_183] : memref<16xi32, #tpu.memory_space<vmem>>[vector<16xi32>], vector<16xi32>,
    %add3A_187 = arith.addi %gather3A_186, %get3A_185 : vector<16xi32>
    %swap3A_188 = arith.constant 15 : i32
    %swap3A_189 = arith.index_cast %swap3A_188 : i32 to index
    %swap3A_190 = arith.constant 0 : index
    %swap3A_191 = tpu.vector_load %arg10[%swap3A_189, %swap3A_190] {strides = array<i32>} : memref<16x16xi32, #tpu.memory_space<vmem>>, vector<16xi32>,
    tpu.vector_store %arg10[%swap3A_189, %swap3A_190], %add3A_187 {strides = array<i32>} : memref<16x16xi32, #tpu.memory_space<vmem>>, vector<16xi32>,
    %add3A_192 = arith.constant 0 : i32
    %add3A_193 = arith.addi %mul3A_2, %add3A_192 : i32
    %dma_start3A = arith.constant 0 : i32
    %dma_start3A_194 = arith.constant 0 : i32
    %dma_start3A_195 = arith.constant 0 : i32
    %dma_start3A_196 = tpu.memref_slice %arg11[%dma_start3A, %dma_start3A_194, %dma_start3A_195] : memref<4x16x1024xf32, #tpu.memory_space<vmem>> -> memref<1x16x1024xf32, #tpu.memory_space<vmem>>
    %dma_start3A_197 = tpu.memref_squeeze %dma_start3A_196 : memref<1x16x1024xf32, #tpu.memory_space<vmem>> -> memref<16x1024xf32, #tpu.memory_space<vmem>>
    %dma_start3A_198 = arith.constant 0 : i32
    %dma_start3A_199 = tpu.memref_slice %arg2[%add3A_193, %dma_start3A_198] : memref<8192x1024xf32, #tpu.memory_space<hbm>> -> memref<16x1024xf32, #tpu.memory_space<hbm>>
    %dma_start3A_200 = arith.constant 0 : i32
    %dma_start3A_201 = arith.constant 0 : i32
    %dma_start3A_202 = tpu.memref_slice %arg11[%dma_start3A, %dma_start3A_200, %dma_start3A_201] : memref<4x16x1024xf32, #tpu.memory_space<vmem>> -> memref<1x16x1024xf32, #tpu.memory_space<vmem>>
    %dma_start3A_203 = tpu.memref_squeeze %dma_start3A_202 : memref<1x16x1024xf32, #tpu.memory_space<vmem>> -> memref<16x1024xf32, #tpu.memory_space<vmem>>
    %dma_start3A_204 = arith.constant 0 : i32
    %dma_start3A_205 = tpu.memref_slice %arg2[%add3A_193, %dma_start3A_204] : memref<8192x1024xf32, #tpu.memory_space<hbm>> -> memref<16x1024xf32, #tpu.memory_space<hbm>>
    tpu.enqueue_dma source(%dma_start3A_205 : memref<16x1024xf32, #tpu.memory_space<hbm>>) target(%dma_start3A_203 : memref<16x1024xf32, #tpu.memory_space<vmem>>) target_semaphore(%arg12 : memref<!tpu.dma_semaphore, #tpu.memory_space<semaphore_mem>>)
    %add3A_206 = arith.constant 16 : i32
    %add3A_207 = arith.addi %mul3A_2, %add3A_206 : i32
    %dma_start3A_208 = arith.constant 1 : i32
    %dma_start3A_209 = arith.constant 0 : i32
    %dma_start3A_210 = arith.constant 0 : i32
    %dma_start3A_211 = tpu.memref_slice %arg11[%dma_start3A_208, %dma_start3A_209, %dma_start3A_210] : memref<4x16x1024xf32, #tpu.memory_space<vmem>> -> memref<1x16x1024xf32, #tpu.memory_space<vmem>>
    %dma_start3A_212 = tpu.memref_squeeze %dma_start3A_211 : memref<1x16x1024xf32, #tpu.memory_space<vmem>> -> memref<16x1024xf32, #tpu.memory_space<vmem>>
    %dma_start3A_213 = arith.constant 0 : i32
    %dma_start3A_214 = tpu.memref_slice %arg2[%add3A_207, %dma_start3A_213] : memref<8192x1024xf32, #tpu.memory_space<hbm>> -> memref<16x1024xf32, #tpu.memory_space<hbm>>
    %dma_start3A_215 = arith.constant 0 : i32
    %dma_start3A_216 = arith.constant 0 : i32
    %dma_start3A_217 = tpu.memref_slice %arg11[%dma_start3A_208, %dma_start3A_215, %dma_start3A_216] : memref<4x16x1024xf32, #tpu.memory_space<vmem>> -> memref<1x16x1024xf32, #tpu.memory_space<vmem>>
    %dma_start3A_218 = tpu.memref_squeeze %dma_start3A_217 : memref<1x16x1024xf32, #tpu.memory_space<vmem>> -> memref<16x1024xf32, #tpu.memory_space<vmem>>
    %dma_start3A_219 = arith.constant 0 : i32
    %dma_start3A_220 = tpu.memref_slice %arg2[%add3A_207, %dma_start3A_219] : memref<8192x1024xf32, #tpu.memory_space<hbm>> -> memref<16x1024xf32, #tpu.memory_space<hbm>>
    tpu.enqueue_dma source(%dma_start3A_220 : memref<16x1024xf32, #tpu.memory_space<hbm>>) target(%dma_start3A_218 : memref<16x1024xf32, #tpu.memory_space<vmem>>) target_semaphore(%arg13 : memref<!tpu.dma_semaphore, #tpu.memory_space<semaphore_mem>>)
    %add3A_221 = arith.constant 32 : i32
    %add3A_222 = arith.addi %mul3A_2, %add3A_221 : i32
    %dma_start3A_223 = arith.constant 2 : i32
    %dma_start3A_224 = arith.constant 0 : i32
    %dma_start3A_225 = arith.constant 0 : i32
    %dma_start3A_226 = tpu.memref_slice %arg11[%dma_start3A_223, %dma_start3A_224, %dma_start3A_225] : memref<4x16x1024xf32, #tpu.memory_space<vmem>> -> memref<1x16x1024xf32, #tpu.memory_space<vmem>>
    %dma_start3A_227 = tpu.memref_squeeze %dma_start3A_226 : memref<1x16x1024xf32, #tpu.memory_space<vmem>> -> memref<16x1024xf32, #tpu.memory_space<vmem>>
    %dma_start3A_228 = arith.constant 0 : i32
    %dma_start3A_229 = tpu.memref_slice %arg2[%add3A_222, %dma_start3A_228] : memref<8192x1024xf32, #tpu.memory_space<hbm>> -> memref<16x1024xf32, #tpu.memory_space<hbm>>
    %dma_start3A_230 = arith.constant 0 : i32
    %dma_start3A_231 = arith.constant 0 : i32
    %dma_start3A_232 = tpu.memref_slice %arg11[%dma_start3A_223, %dma_start3A_230, %dma_start3A_231] : memref<4x16x1024xf32, #tpu.memory_space<vmem>> -> memref<1x16x1024xf32, #tpu.memory_space<vmem>>
    %dma_start3A_233 = tpu.memref_squeeze %dma_start3A_232 : memref<1x16x1024xf32, #tpu.memory_space<vmem>> -> memref<16x1024xf32, #tpu.memory_space<vmem>>
    %dma_start3A_234 = arith.constant 0 : i32
    %dma_start3A_235 = tpu.memref_slice %arg2[%add3A_222, %dma_start3A_234] : memref<8192x1024xf32, #tpu.memory_space<hbm>> -> memref<16x1024xf32, #tpu.memory_space<hbm>>
    tpu.enqueue_dma source(%dma_start3A_235 : memref<16x1024xf32, #tpu.memory_space<hbm>>) target(%dma_start3A_233 : memref<16x1024xf32, #tpu.memory_space<vmem>>) target_semaphore(%arg14 : memref<!tpu.dma_semaphore, #tpu.memory_space<semaphore_mem>>)
    %add3A_236 = arith.constant 48 : i32
    %add3A_237 = arith.addi %mul3A_2, %add3A_236 : i32
    %dma_start3A_238 = arith.constant 3 : i32
    %dma_start3A_239 = arith.constant 0 : i32
    %dma_start3A_240 = arith.constant 0 : i32
    %dma_start3A_241 = tpu.memref_slice %arg11[%dma_start3A_238, %dma_start3A_239, %dma_start3A_240] : memref<4x16x1024xf32, #tpu.memory_space<vmem>> -> memref<1x16x1024xf32, #tpu.memory_space<vmem>>
    %dma_start3A_242 = tpu.memref_squeeze %dma_start3A_241 : memref<1x16x1024xf32, #tpu.memory_space<vmem>> -> memref<16x1024xf32, #tpu.memory_space<vmem>>
    %dma_start3A_243 = arith.constant 0 : i32
    %dma_start3A_244 = tpu.memref_slice %arg2[%add3A_237, %dma_start3A_243] : memref<8192x1024xf32, #tpu.memory_space<hbm>> -> memref<16x1024xf32, #tpu.memory_space<hbm>>
    %dma_start3A_245 = arith.constant 0 : i32
    %dma_start3A_246 = arith.constant 0 : i32
    %dma_start3A_247 = tpu.memref_slice %arg11[%dma_start3A_238, %dma_start3A_245, %dma_start3A_246] : memref<4x16x1024xf32, #tpu.memory_space<vmem>> -> memref<1x16x1024xf32, #tpu.memory_space<vmem>>
    %dma_start3A_248 = tpu.memref_squeeze %dma_start3A_247 : memref<1x16x1024xf32, #tpu.memory_space<vmem>> -> memref<16x1024xf32, #tpu.memory_space<vmem>>
    %dma_start3A_249 = arith.constant 0 : i32
    %dma_start3A_250 = tpu.memref_slice %arg2[%add3A_237, %dma_start3A_249] : memref<8192x1024xf32, #tpu.memory_space<hbm>> -> memref<16x1024xf32, #tpu.memory_space<hbm>>
    tpu.enqueue_dma source(%dma_start3A_250 : memref<16x1024xf32, #tpu.memory_space<hbm>>) target(%dma_start3A_248 : memref<16x1024xf32, #tpu.memory_space<vmem>>) target_semaphore(%arg15 : memref<!tpu.dma_semaphore, #tpu.memory_space<semaphore_mem>>)
    %dma_wait3A = arith.constant 0 : i32
    %dma_wait3A_251 = arith.constant 0 : i32
    %dma_wait3A_252 = arith.constant 0 : i32
    %dma_wait3A_253 = tpu.memref_slice %arg11[%dma_wait3A, %dma_wait3A_251, %dma_wait3A_252] : memref<4x16x1024xf32, #tpu.memory_space<vmem>> -> memref<1x16x1024xf32, #tpu.memory_space<vmem>>
    %dma_wait3A_254 = tpu.memref_squeeze %dma_wait3A_253 : memref<1x16x1024xf32, #tpu.memory_space<vmem>> -> memref<16x1024xf32, #tpu.memory_space<vmem>>
    %dma_wait3A_255 = arith.constant 0 : i32
    %dma_wait3A_256 = tpu.memref_slice %arg2[%add3A_193, %dma_wait3A_255] : memref<8192x1024xf32, #tpu.memory_space<hbm>> -> memref<16x1024xf32, #tpu.memory_space<hbm>>
    %dma_wait3A_257 = arith.constant 0 : i32
    %dma_wait3A_258 = arith.constant 0 : i32
    %dma_wait3A_259 = tpu.memref_slice %arg11[%dma_wait3A, %dma_wait3A_257, %dma_wait3A_258] : memref<4x16x1024xf32, #tpu.memory_space<vmem>> -> memref<1x16x1024xf32, #tpu.memory_space<vmem>>
    %dma_wait3A_260 = tpu.memref_squeeze %dma_wait3A_259 : memref<1x16x1024xf32, #tpu.memory_space<vmem>> -> memref<16x1024xf32, #tpu.memory_space<vmem>>
    %dma_wait3A_261 = arith.constant 0 : i32
    %dma_wait3A_262 = tpu.memref_slice %arg2[%add3A_193, %dma_wait3A_261] : memref<8192x1024xf32, #tpu.memory_space<hbm>> -> memref<16x1024xf32, #tpu.memory_space<hbm>>
    tpu.wait_dma2 semaphore(%arg12 : memref<!tpu.dma_semaphore, #tpu.memory_space<semaphore_mem>>) src(%dma_wait3A_262 : memref<16x1024xf32, #tpu.memory_space<hbm>>) dst(%dma_wait3A_260 : memref<16x1024xf32, #tpu.memory_space<vmem>>)
    %dma_start3A_263 = arith.constant 0 : i32
    %dma_start3A_264 = arith.constant 0 : i32
    %dma_start3A_265 = arith.constant 0 : i32
    %dma_start3A_266 = arith.constant 0 : i32
    %dma_start3A_267 = tpu.memref_slice %arg11[%dma_start3A_263, %dma_start3A_265, %dma_start3A_266] : memref<4x16x1024xf32, #tpu.memory_space<vmem>> -> memref<1x16x1024xf32, #tpu.memory_space<vmem>>
    %dma_start3A_268 = tpu.memref_squeeze %dma_start3A_267 : memref<1x16x1024xf32, #tpu.memory_space<vmem>> -> memref<16x1024xf32, #tpu.memory_space<vmem>>
    %dma_start3A_269 = arith.constant 0 : i32
    %dma_start3A_270 = tpu.memref_slice %arg10[%dma_start3A_264, %dma_start3A_269] : memref<16x16xi32, #tpu.memory_space<vmem>> -> memref<1x16xi32, #tpu.memory_space<vmem>>
    %dma_start3A_271 = tpu.memref_squeeze %dma_start3A_270 : memref<1x16xi32, #tpu.memory_space<vmem>> -> memref<16xi32, #tpu.memory_space<vmem>>
    %dma_start3A_272 = arith.constant 0 : i32
    %dma_start3A_273 = arith.constant 0 : i32
    %dma_start3A_274 = tpu.memref_slice %arg6[%dma_start3A_272, %dma_start3A_273] : memref<12288x1024xf32, #tpu.memory_space<hbm>> -> memref<12288x1024xf32, #tpu.memory_space<hbm>>
    tpu.enqueue_indirect_dma source(%dma_start3A_268 : memref<16x1024xf32, #tpu.memory_space<vmem>>) target(%dma_start3A_274 : memref<12288x1024xf32, #tpu.memory_space<hbm>>) offsets(%dma_start3A_271 : memref<16xi32, #tpu.memory_space<vmem>>) semaphore(%arg16 : memref<!tpu.dma_semaphore, #tpu.memory_space<semaphore_mem>>)
    %dma_wait3A_275 = arith.constant 0 : i32
    %dma_wait3A_276 = arith.constant 0 : i32
    %dma_wait3A_277 = arith.constant 0 : i32
    %dma_wait3A_278 = arith.constant 0 : i32
    %dma_wait3A_279 = tpu.memref_slice %arg11[%dma_wait3A_275, %dma_wait3A_277, %dma_wait3A_278] : memref<4x16x1024xf32, #tpu.memory_space<vmem>> -> memref<1x16x1024xf32, #tpu.memory_space<vmem>>
    %dma_wait3A_280 = tpu.memref_squeeze %dma_wait3A_279 : memref<1x16x1024xf32, #tpu.memory_space<vmem>> -> memref<16x1024xf32, #tpu.memory_space<vmem>>
    %dma_wait3A_281 = arith.constant 0 : i32
    %dma_wait3A_282 = tpu.memref_slice %arg10[%dma_wait3A_276, %dma_wait3A_281] : memref<16x16xi32, #tpu.memory_space<vmem>> -> memref<1x16xi32, #tpu.memory_space<vmem>>
    %dma_wait3A_283 = tpu.memref_squeeze %dma_wait3A_282 : memref<1x16xi32, #tpu.memory_space<vmem>> -> memref<16xi32, #tpu.memory_space<vmem>>
    %dma_wait3A_284 = arith.constant 0 : i32
    %dma_wait3A_285 = arith.constant 0 : i32
    %dma_wait3A_286 = tpu.memref_slice %arg6[%dma_wait3A_284, %dma_wait3A_285] : memref<12288x1024xf32, #tpu.memory_space<hbm>> -> memref<12288x1024xf32, #tpu.memory_space<hbm>>
    tpu.wait_indirect_dma semaphore(%arg16 : memref<!tpu.dma_semaphore, #tpu.memory_space<semaphore_mem>>) src(%dma_wait3A_280 : memref<16x1024xf32, #tpu.memory_space<vmem>>) dst(%dma_wait3A_286 : memref<12288x1024xf32, #tpu.memory_space<hbm>>)
    %add3A_287 = arith.constant 64 : i32
    %add3A_288 = arith.addi %mul3A_2, %add3A_287 : i32
    %dma_start3A_289 = arith.constant 0 : i32
    %dma_start3A_290 = arith.constant 0 : i32
    %dma_start3A_291 = arith.constant 0 : i32
    %dma_start3A_292 = tpu.memref_slice %arg11[%dma_start3A_289, %dma_start3A_290, %dma_start3A_291] : memref<4x16x1024xf32, #tpu.memory_space<vmem>> -> memref<1x16x1024xf32, #tpu.memory_space<vmem>>
    %dma_start3A_293 = tpu.memref_squeeze %dma_start3A_292 : memref<1x16x1024xf32, #tpu.memory_space<vmem>> -> memref<16x1024xf32, #tpu.memory_space<vmem>>
    %dma_start3A_294 = arith.constant 0 : i32
    %dma_start3A_295 = tpu.memref_slice %arg2[%add3A_288, %dma_start3A_294] : memref<8192x1024xf32, #tpu.memory_space<hbm>> -> memref<16x1024xf32, #tpu.memory_space<hbm>>
    %dma_start3A_296 = arith.constant 0 : i32
    %dma_start3A_297 = arith.constant 0 : i32
    %dma_start3A_298 = tpu.memref_slice %arg11[%dma_start3A_289, %dma_start3A_296, %dma_start3A_297] : memref<4x16x1024xf32, #tpu.memory_space<vmem>> -> memref<1x16x1024xf32, #tpu.memory_space<vmem>>
    %dma_start3A_299 = tpu.memref_squeeze %dma_start3A_298 : memref<1x16x1024xf32, #tpu.memory_space<vmem>> -> memref<16x1024xf32, #tpu.memory_space<vmem>>
    %dma_start3A_300 = arith.constant 0 : i32
    %dma_start3A_301 = tpu.memref_slice %arg2[%add3A_288, %dma_start3A_300] : memref<8192x1024xf32, #tpu.memory_space<hbm>> -> memref<16x1024xf32, #tpu.memory_space<hbm>>
    tpu.enqueue_dma source(%dma_start3A_301 : memref<16x1024xf32, #tpu.memory_space<hbm>>) target(%dma_start3A_299 : memref<16x1024xf32, #tpu.memory_space<vmem>>) target_semaphore(%arg12 : memref<!tpu.dma_semaphore, #tpu.memory_space<semaphore_mem>>)
    %dma_wait3A_302 = arith.constant 1 : i32
    %dma_wait3A_303 = arith.constant 0 : i32
    %dma_wait3A_304 = arith.constant 0 : i32
    %dma_wait3A_305 = tpu.memref_slice %arg11[%dma_wait3A_302, %dma_wait3A_303, %dma_wait3A_304] : memref<4x16x1024xf32, #tpu.memory_space<vmem>> -> memref<1x16x1024xf32, #tpu.memory_space<vmem>>
    %dma_wait3A_306 = tpu.memref_squeeze %dma_wait3A_305 : memref<1x16x1024xf32, #tpu.memory_space<vmem>> -> memref<16x1024xf32, #tpu.memory_space<vmem>>
    %dma_wait3A_307 = arith.constant 0 : i32
    %dma_wait3A_308 = tpu.memref_slice %arg2[%add3A_207, %dma_wait3A_307] : memref<8192x1024xf32, #tpu.memory_space<hbm>> -> memref<16x1024xf32, #tpu.memory_space<hbm>>
    %dma_wait3A_309 = arith.constant 0 : i32
    %dma_wait3A_310 = arith.constant 0 : i32
    %dma_wait3A_311 = tpu.memref_slice %arg11[%dma_wait3A_302, %dma_wait3A_309, %dma_wait3A_310] : memref<4x16x1024xf32, #tpu.memory_space<vmem>> -> memref<1x16x1024xf32, #tpu.memory_space<vmem>>
    %dma_wait3A_312 = tpu.memref_squeeze %dma_wait3A_311 : memref<1x16x1024xf32, #tpu.memory_space<vmem>> -> memref<16x1024xf32, #tpu.memory_space<vmem>>
    %dma_wait3A_313 = arith.constant 0 : i32
    %dma_wait3A_314 = tpu.memref_slice %arg2[%add3A_207, %dma_wait3A_313] : memref<8192x1024xf32, #tpu.memory_space<hbm>> -> memref<16x1024xf32, #tpu.memory_space<hbm>>
    tpu.wait_dma2 semaphore(%arg13 : memref<!tpu.dma_semaphore, #tpu.memory_space<semaphore_mem>>) src(%dma_wait3A_314 : memref<16x1024xf32, #tpu.memory_space<hbm>>) dst(%dma_wait3A_312 : memref<16x1024xf32, #tpu.memory_space<vmem>>)
    %dma_start3A_315 = arith.constant 1 : i32
    %dma_start3A_316 = arith.constant 1 : i32
    %dma_start3A_317 = arith.constant 0 : i32
    %dma_start3A_318 = arith.constant 0 : i32
    %dma_start3A_319 = tpu.memref_slice %arg11[%dma_start3A_315, %dma_start3A_317, %dma_start3A_318] : memref<4x16x1024xf32, #tpu.memory_space<vmem>> -> memref<1x16x1024xf32, #tpu.memory_space<vmem>>
    %dma_start3A_320 = tpu.memref_squeeze %dma_start3A_319 : memref<1x16x1024xf32, #tpu.memory_space<vmem>> -> memref<16x1024xf32, #tpu.memory_space<vmem>>
    %dma_start3A_321 = arith.constant 0 : i32
    %dma_start3A_322 = tpu.memref_slice %arg10[%dma_start3A_316, %dma_start3A_321] : memref<16x16xi32, #tpu.memory_space<vmem>> -> memref<1x16xi32, #tpu.memory_space<vmem>>
    %dma_start3A_323 = tpu.memref_squeeze %dma_start3A_322 : memref<1x16xi32, #tpu.memory_space<vmem>> -> memref<16xi32, #tpu.memory_space<vmem>>
    %dma_start3A_324 = arith.constant 0 : i32
    %dma_start3A_325 = arith.constant 0 : i32
    %dma_start3A_326 = tpu.memref_slice %arg6[%dma_start3A_324, %dma_start3A_325] : memref<12288x1024xf32, #tpu.memory_space<hbm>> -> memref<12288x1024xf32, #tpu.memory_space<hbm>>
    tpu.enqueue_indirect_dma source(%dma_start3A_320 : memref<16x1024xf32, #tpu.memory_space<vmem>>) target(%dma_start3A_326 : memref<12288x1024xf32, #tpu.memory_space<hbm>>) offsets(%dma_start3A_323 : memref<16xi32, #tpu.memory_space<vmem>>) semaphore(%arg17 : memref<!tpu.dma_semaphore, #tpu.memory_space<semaphore_mem>>)
    %dma_wait3A_327 = arith.constant 1 : i32
    %dma_wait3A_328 = arith.constant 1 : i32
    %dma_wait3A_329 = arith.constant 0 : i32
    %dma_wait3A_330 = arith.constant 0 : i32
    %dma_wait3A_331 = tpu.memref_slice %arg11[%dma_wait3A_327, %dma_wait3A_329, %dma_wait3A_330] : memref<4x16x1024xf32, #tpu.memory_space<vmem>> -> memref<1x16x1024xf32, #tpu.memory_space<vmem>>
    %dma_wait3A_332 = tpu.memref_squeeze %dma_wait3A_331 : memref<1x16x1024xf32, #tpu.memory_space<vmem>> -> memref<16x1024xf32, #tpu.memory_space<vmem>>
    %dma_wait3A_333 = arith.constant 0 : i32
    %dma_wait3A_334 = tpu.memref_slice %arg10[%dma_wait3A_328, %dma_wait3A_333] : memref<16x16xi32, #tpu.memory_space<vmem>> -> memref<1x16xi32, #tpu.memory_space<vmem>>
    %dma_wait3A_335 = tpu.memref_squeeze %dma_wait3A_334 : memref<1x16xi32, #tpu.memory_space<vmem>> -> memref<16xi32, #tpu.memory_space<vmem>>
    %dma_wait3A_336 = arith.constant 0 : i32
    %dma_wait3A_337 = arith.constant 0 : i32
    %dma_wait3A_338 = tpu.memref_slice %arg6[%dma_wait3A_336, %dma_wait3A_337] : memref<12288x1024xf32, #tpu.memory_space<hbm>> -> memref<12288x1024xf32, #tpu.memory_space<hbm>>
    tpu.wait_indirect_dma semaphore(%arg17 : memref<!tpu.dma_semaphore, #tpu.memory_space<semaphore_mem>>) src(%dma_wait3A_332 : memref<16x1024xf32, #tpu.memory_space<vmem>>) dst(%dma_wait3A_338 : memref<12288x1024xf32, #tpu.memory_space<hbm>>)
    %add3A_339 = arith.constant 80 : i32
    %add3A_340 = arith.addi %mul3A_2, %add3A_339 : i32
    %dma_start3A_341 = arith.constant 1 : i32
    %dma_start3A_342 = arith.constant 0 : i32
    %dma_start3A_343 = arith.constant 0 : i32
    %dma_start3A_344 = tpu.memref_slice %arg11[%dma_start3A_341, %dma_start3A_342, %dma_start3A_343] : memref<4x16x1024xf32, #tpu.memory_space<vmem>> -> memref<1x16x1024xf32, #tpu.memory_space<vmem>>
    %dma_start3A_345 = tpu.memref_squeeze %dma_start3A_344 : memref<1x16x1024xf32, #tpu.memory_space<vmem>> -> memref<16x1024xf32, #tpu.memory_space<vmem>>
    %dma_start3A_346 = arith.constant 0 : i32
    %dma_start3A_347 = tpu.memref_slice %arg2[%add3A_340, %dma_start3A_346] : memref<8192x1024xf32, #tpu.memory_space<hbm>> -> memref<16x1024xf32, #tpu.memory_space<hbm>>
    %dma_start3A_348 = arith.constant 0 : i32
    %dma_start3A_349 = arith.constant 0 : i32
    %dma_start3A_350 = tpu.memref_slice %arg11[%dma_start3A_341, %dma_start3A_348, %dma_start3A_349] : memref<4x16x1024xf32, #tpu.memory_space<vmem>> -> memref<1x16x1024xf32, #tpu.memory_space<vmem>>
    %dma_start3A_351 = tpu.memref_squeeze %dma_start3A_350 : memref<1x16x1024xf32, #tpu.memory_space<vmem>> -> memref<16x1024xf32, #tpu.memory_space<vmem>>
    %dma_start3A_352 = arith.constant 0 : i32
    %dma_start3A_353 = tpu.memref_slice %arg2[%add3A_340, %dma_start3A_352] : memref<8192x1024xf32, #tpu.memory_space<hbm>> -> memref<16x1024xf32, #tpu.memory_space<hbm>>
    tpu.enqueue_dma source(%dma_start3A_353 : memref<16x1024xf32, #tpu.memory_space<hbm>>) target(%dma_start3A_351 : memref<16x1024xf32, #tpu.memory_space<vmem>>) target_semaphore(%arg13 : memref<!tpu.dma_semaphore, #tpu.memory_space<semaphore_mem>>)
    %dma_wait3A_354 = arith.constant 2 : i32
    %dma_wait3A_355 = arith.constant 0 : i32
    %dma_wait3A_356 = arith.constant 0 : i32
    %dma_wait3A_357 = tpu.memref_slice %arg11[%dma_wait3A_354, %dma_wait3A_355, %dma_wait3A_356] : memref<4x16x1024xf32, #tpu.memory_space<vmem>> -> memref<1x16x1024xf32, #tpu.memory_space<vmem>>
    %dma_wait3A_358 = tpu.memref_squeeze %dma_wait3A_357 : memref<1x16x1024xf32, #tpu.memory_space<vmem>> -> memref<16x1024xf32, #tpu.memory_space<vmem>>
    %dma_wait3A_359 = arith.constant 0 : i32
    %dma_wait3A_360 = tpu.memref_slice %arg2[%add3A_222, %dma_wait3A_359] : memref<8192x1024xf32, #tpu.memory_space<hbm>> -> memref<16x1024xf32, #tpu.memory_space<hbm>>
    %dma_wait3A_361 = arith.constant 0 : i32
    %dma_wait3A_362 = arith.constant 0 : i32
    %dma_wait3A_363 = tpu.memref_slice %arg11[%dma_wait3A_354, %dma_wait3A_361, %dma_wait3A_362] : memref<4x16x1024xf32, #tpu.memory_space<vmem>> -> memref<1x16x1024xf32, #tpu.memory_space<vmem>>
    %dma_wait3A_364 = tpu.memref_squeeze %dma_wait3A_363 : memref<1x16x1024xf32, #tpu.memory_space<vmem>> -> memref<16x1024xf32, #tpu.memory_space<vmem>>
    %dma_wait3A_365 = arith.constant 0 : i32
    %dma_wait3A_366 = tpu.memref_slice %arg2[%add3A_222, %dma_wait3A_365] : memref<8192x1024xf32, #tpu.memory_space<hbm>> -> memref<16x1024xf32, #tpu.memory_space<hbm>>
    tpu.wait_dma2 semaphore(%arg14 : memref<!tpu.dma_semaphore, #tpu.memory_space<semaphore_mem>>) src(%dma_wait3A_366 : memref<16x1024xf32, #tpu.memory_space<hbm>>) dst(%dma_wait3A_364 : memref<16x1024xf32, #tpu.memory_space<vmem>>)
    %dma_start3A_367 = arith.constant 2 : i32
    %dma_start3A_368 = arith.constant 2 : i32
    %dma_start3A_369 = arith.constant 0 : i32
    %dma_start3A_370 = arith.constant 0 : i32
    %dma_start3A_371 = tpu.memref_slice %arg11[%dma_start3A_367, %dma_start3A_369, %dma_start3A_370] : memref<4x16x1024xf32, #tpu.memory_space<vmem>> -> memref<1x16x1024xf32, #tpu.memory_space<vmem>>
    %dma_start3A_372 = tpu.memref_squeeze %dma_start3A_371 : memref<1x16x1024xf32, #tpu.memory_space<vmem>> -> memref<16x1024xf32, #tpu.memory_space<vmem>>
    %dma_start3A_373 = arith.constant 0 : i32
    %dma_start3A_374 = tpu.memref_slice %arg10[%dma_start3A_368, %dma_start3A_373] : memref<16x16xi32, #tpu.memory_space<vmem>> -> memref<1x16xi32, #tpu.memory_space<vmem>>
    %dma_start3A_375 = tpu.memref_squeeze %dma_start3A_374 : memref<1x16xi32, #tpu.memory_space<vmem>> -> memref<16xi32, #tpu.memory_space<vmem>>
    %dma_start3A_376 = arith.constant 0 : i32
    %dma_start3A_377 = arith.constant 0 : i32
    %dma_start3A_378 = tpu.memref_slice %arg6[%dma_start3A_376, %dma_start3A_377] : memref<12288x1024xf32, #tpu.memory_space<hbm>> -> memref<12288x1024xf32, #tpu.memory_space<hbm>>
    tpu.enqueue_indirect_dma source(%dma_start3A_372 : memref<16x1024xf32, #tpu.memory_space<vmem>>) target(%dma_start3A_378 : memref<12288x1024xf32, #tpu.memory_space<hbm>>) offsets(%dma_start3A_375 : memref<16xi32, #tpu.memory_space<vmem>>) semaphore(%arg18 : memref<!tpu.dma_semaphore, #tpu.memory_space<semaphore_mem>>)
    %dma_wait3A_379 = arith.constant 2 : i32
    %dma_wait3A_380 = arith.constant 2 : i32
    %dma_wait3A_381 = arith.constant 0 : i32
    %dma_wait3A_382 = arith.constant 0 : i32
    %dma_wait3A_383 = tpu.memref_slice %arg11[%dma_wait3A_379, %dma_wait3A_381, %dma_wait3A_382] : memref<4x16x1024xf32, #tpu.memory_space<vmem>> -> memref<1x16x1024xf32, #tpu.memory_space<vmem>>
    %dma_wait3A_384 = tpu.memref_squeeze %dma_wait3A_383 : memref<1x16x1024xf32, #tpu.memory_space<vmem>> -> memref<16x1024xf32, #tpu.memory_space<vmem>>
    %dma_wait3A_385 = arith.constant 0 : i32
    %dma_wait3A_386 = tpu.memref_slice %arg10[%dma_wait3A_380, %dma_wait3A_385] : memref<16x16xi32, #tpu.memory_space<vmem>> -> memref<1x16xi32, #tpu.memory_space<vmem>>
    %dma_wait3A_387 = tpu.memref_squeeze %dma_wait3A_386 : memref<1x16xi32, #tpu.memory_space<vmem>> -> memref<16xi32, #tpu.memory_space<vmem>>
    %dma_wait3A_388 = arith.constant 0 : i32
    %dma_wait3A_389 = arith.constant 0 : i32
    %dma_wait3A_390 = tpu.memref_slice %arg6[%dma_wait3A_388, %dma_wait3A_389] : memref<12288x1024xf32, #tpu.memory_space<hbm>> -> memref<12288x1024xf32, #tpu.memory_space<hbm>>
    tpu.wait_indirect_dma semaphore(%arg18 : memref<!tpu.dma_semaphore, #tpu.memory_space<semaphore_mem>>) src(%dma_wait3A_384 : memref<16x1024xf32, #tpu.memory_space<vmem>>) dst(%dma_wait3A_390 : memref<12288x1024xf32, #tpu.memory_space<hbm>>)
    %add3A_391 = arith.constant 96 : i32
    %add3A_392 = arith.addi %mul3A_2, %add3A_391 : i32
    %dma_start3A_393 = arith.constant 2 : i32
    %dma_start3A_394 = arith.constant 0 : i32
    %dma_start3A_395 = arith.constant 0 : i32
    %dma_start3A_396 = tpu.memref_slice %arg11[%dma_start3A_393, %dma_start3A_394, %dma_start3A_395] : memref<4x16x1024xf32, #tpu.memory_space<vmem>> -> memref<1x16x1024xf32, #tpu.memory_space<vmem>>
    %dma_start3A_397 = tpu.memref_squeeze %dma_start3A_396 : memref<1x16x1024xf32, #tpu.memory_space<vmem>> -> memref<16x1024xf32, #tpu.memory_space<vmem>>
    %dma_start3A_398 = arith.constant 0 : i32
    %dma_start3A_399 = tpu.memref_slice %arg2[%add3A_392, %dma_start3A_398] : memref<8192x1024xf32, #tpu.memory_space<hbm>> -> memref<16x1024xf32, #tpu.memory_space<hbm>>
    %dma_start3A_400 = arith.constant 0 : i32
    %dma_start3A_401 = arith.constant 0 : i32
    %dma_start3A_402 = tpu.memref_slice %arg11[%dma_start3A_393, %dma_start3A_400, %dma_start3A_401] : memref<4x16x1024xf32, #tpu.memory_space<vmem>> -> memref<1x16x1024xf32, #tpu.memory_space<vmem>>
    %dma_start3A_403 = tpu.memref_squeeze %dma_start3A_402 : memref<1x16x1024xf32, #tpu.memory_space<vmem>> -> memref<16x1024xf32, #tpu.memory_space<vmem>>
    %dma_start3A_404 = arith.constant 0 : i32
    %dma_start3A_405 = tpu.memref_slice %arg2[%add3A_392, %dma_start3A_404] : memref<8192x1024xf32, #tpu.memory_space<hbm>> -> memref<16x1024xf32, #tpu.memory_space<hbm>>
    tpu.enqueue_dma source(%dma_start3A_405 : memref<16x1024xf32, #tpu.memory_space<hbm>>) target(%dma_start3A_403 : memref<16x1024xf32, #tpu.memory_space<vmem>>) target_semaphore(%arg14 : memref<!tpu.dma_semaphore, #tpu.memory_space<semaphore_mem>>)
    %dma_wait3A_406 = arith.constant 3 : i32
    %dma_wait3A_407 = arith.constant 0 : i32
    %dma_wait3A_408 = arith.constant 0 : i32
    %dma_wait3A_409 = tpu.memref_slice %arg11[%dma_wait3A_406, %dma_wait3A_407, %dma_wait3A_408] : memref<4x16x1024xf32, #tpu.memory_space<vmem>> -> memref<1x16x1024xf32, #tpu.memory_space<vmem>>
    %dma_wait3A_410 = tpu.memref_squeeze %dma_wait3A_409 : memref<1x16x1024xf32, #tpu.memory_space<vmem>> -> memref<16x1024xf32, #tpu.memory_space<vmem>>
    %dma_wait3A_411 = arith.constant 0 : i32
    %dma_wait3A_412 = tpu.memref_slice %arg2[%add3A_237, %dma_wait3A_411] : memref<8192x1024xf32, #tpu.memory_space<hbm>> -> memref<16x1024xf32, #tpu.memory_space<hbm>>
    %dma_wait3A_413 = arith.constant 0 : i32
    %dma_wait3A_414 = arith.constant 0 : i32
    %dma_wait3A_415 = tpu.memref_slice %arg11[%dma_wait3A_406, %dma_wait3A_413, %dma_wait3A_414] : memref<4x16x1024xf32, #tpu.memory_space<vmem>> -> memref<1x16x1024xf32, #tpu.memory_space<vmem>>
    %dma_wait3A_416 = tpu.memref_squeeze %dma_wait3A_415 : memref<1x16x1024xf32, #tpu.memory_space<vmem>> -> memref<16x1024xf32, #tpu.memory_space<vmem>>
    %dma_wait3A_417 = arith.constant 0 : i32
    %dma_wait3A_418 = tpu.memref_slice %arg2[%add3A_237, %dma_wait3A_417] : memref<8192x1024xf32, #tpu.memory_space<hbm>> -> memref<16x1024xf32, #tpu.memory_space<hbm>>
    tpu.wait_dma2 semaphore(%arg15 : memref<!tpu.dma_semaphore, #tpu.memory_space<semaphore_mem>>) src(%dma_wait3A_418 : memref<16x1024xf32, #tpu.memory_space<hbm>>) dst(%dma_wait3A_416 : memref<16x1024xf32, #tpu.memory_space<vmem>>)
    %dma_start3A_419 = arith.constant 3 : i32
    %dma_start3A_420 = arith.constant 3 : i32
    %dma_start3A_421 = arith.constant 0 : i32
    %dma_start3A_422 = arith.constant 0 : i32
    %dma_start3A_423 = tpu.memref_slice %arg11[%dma_start3A_419, %dma_start3A_421, %dma_start3A_422] : memref<4x16x1024xf32, #tpu.memory_space<vmem>> -> memref<1x16x1024xf32, #tpu.memory_space<vmem>>
    %dma_start3A_424 = tpu.memref_squeeze %dma_start3A_423 : memref<1x16x1024xf32, #tpu.memory_space<vmem>> -> memref<16x1024xf32, #tpu.memory_space<vmem>>
    %dma_start3A_425 = arith.constant 0 : i32
    %dma_start3A_426 = tpu.memref_slice %arg10[%dma_start3A_420, %dma_start3A_425] : memref<16x16xi32, #tpu.memory_space<vmem>> -> memref<1x16xi32, #tpu.memory_space<vmem>>
    %dma_start3A_427 = tpu.memref_squeeze %dma_start3A_426 : memref<1x16xi32, #tpu.memory_space<vmem>> -> memref<16xi32, #tpu.memory_space<vmem>>
    %dma_start3A_428 = arith.constant 0 : i32
    %dma_start3A_429 = arith.constant 0 : i32
    %dma_start3A_430 = tpu.memref_slice %arg6[%dma_start3A_428, %dma_start3A_429] : memref<12288x1024xf32, #tpu.memory_space<hbm>> -> memref<12288x1024xf32, #tpu.memory_space<hbm>>
    tpu.enqueue_indirect_dma source(%dma_start3A_424 : memref<16x1024xf32, #tpu.memory_space<vmem>>) target(%dma_start3A_430 : memref<12288x1024xf32, #tpu.memory_space<hbm>>) offsets(%dma_start3A_427 : memref<16xi32, #tpu.memory_space<vmem>>) semaphore(%arg19 : memref<!tpu.dma_semaphore, #tpu.memory_space<semaphore_mem>>)
    %dma_wait3A_431 = arith.constant 3 : i32
    %dma_wait3A_432 = arith.constant 3 : i32
    %dma_wait3A_433 = arith.constant 0 : i32
    %dma_wait3A_434 = arith.constant 0 : i32
    %dma_wait3A_435 = tpu.memref_slice %arg11[%dma_wait3A_431, %dma_wait3A_433, %dma_wait3A_434] : memref<4x16x1024xf32, #tpu.memory_space<vmem>> -> memref<1x16x1024xf32, #tpu.memory_space<vmem>>
    %dma_wait3A_436 = tpu.memref_squeeze %dma_wait3A_435 : memref<1x16x1024xf32, #tpu.memory_space<vmem>> -> memref<16x1024xf32, #tpu.memory_space<vmem>>
    %dma_wait3A_437 = arith.constant 0 : i32
    %dma_wait3A_438 = tpu.memref_slice %arg10[%dma_wait3A_432, %dma_wait3A_437] : memref<16x16xi32, #tpu.memory_space<vmem>> -> memref<1x16xi32, #tpu.memory_space<vmem>>
    %dma_wait3A_439 = tpu.memref_squeeze %dma_wait3A_438 : memref<1x16xi32, #tpu.memory_space<vmem>> -> memref<16xi32, #tpu.memory_space<vmem>>
    %dma_wait3A_440 = arith.constant 0 : i32
    %dma_wait3A_441 = arith.constant 0 : i32
    %dma_wait3A_442 = tpu.memref_slice %arg6[%dma_wait3A_440, %dma_wait3A_441] : memref<12288x1024xf32, #tpu.memory_space<hbm>> -> memref<12288x1024xf32, #tpu.memory_space<hbm>>
    tpu.wait_indirect_dma semaphore(%arg19 : memref<!tpu.dma_semaphore, #tpu.memory_space<semaphore_mem>>) src(%dma_wait3A_436 : memref<16x1024xf32, #tpu.memory_space<vmem>>) dst(%dma_wait3A_442 : memref<12288x1024xf32, #tpu.memory_space<hbm>>)
    %add3A_443 = arith.constant 112 : i32
    %add3A_444 = arith.addi %mul3A_2, %add3A_443 : i32
    %dma_start3A_445 = arith.constant 3 : i32
    %dma_start3A_446 = arith.constant 0 : i32
    %dma_start3A_447 = arith.constant 0 : i32
    %dma_start3A_448 = tpu.memref_slice %arg11[%dma_start3A_445, %dma_start3A_446, %dma_start3A_447] : memref<4x16x1024xf32, #tpu.memory_space<vmem>> -> memref<1x16x1024xf32, #tpu.memory_space<vmem>>
    %dma_start3A_449 = tpu.memref_squeeze %dma_start3A_448 : memref<1x16x1024xf32, #tpu.memory_space<vmem>> -> memref<16x1024xf32, #tpu.memory_space<vmem>>
    %dma_start3A_450 = arith.constant 0 : i32
    %dma_start3A_451 = tpu.memref_slice %arg2[%add3A_444, %dma_start3A_450] : memref<8192x1024xf32, #tpu.memory_space<hbm>> -> memref<16x1024xf32, #tpu.memory_space<hbm>>
    %dma_start3A_452 = arith.constant 0 : i32
    %dma_start3A_453 = arith.constant 0 : i32
    %dma_start3A_454 = tpu.memref_slice %arg11[%dma_start3A_445, %dma_start3A_452, %dma_start3A_453] : memref<4x16x1024xf32, #tpu.memory_space<vmem>> -> memref<1x16x1024xf32, #tpu.memory_space<vmem>>
    %dma_start3A_455 = tpu.memref_squeeze %dma_start3A_454 : memref<1x16x1024xf32, #tpu.memory_space<vmem>> -> memref<16x1024xf32, #tpu.memory_space<vmem>>
    %dma_start3A_456 = arith.constant 0 : i32
    %dma_start3A_457 = tpu.memref_slice %arg2[%add3A_444, %dma_start3A_456] : memref<8192x1024xf32, #tpu.memory_space<hbm>> -> memref<16x1024xf32, #tpu.memory_space<hbm>>
    tpu.enqueue_dma source(%dma_start3A_457 : memref<16x1024xf32, #tpu.memory_space<hbm>>) target(%dma_start3A_455 : memref<16x1024xf32, #tpu.memory_space<vmem>>) target_semaphore(%arg15 : memref<!tpu.dma_semaphore, #tpu.memory_space<semaphore_mem>>)
    %dma_wait3A_458 = arith.constant 0 : i32
    %dma_wait3A_459 = arith.constant 0 : i32
    %dma_wait3A_460 = arith.constant 0 : i32
    %dma_wait3A_461 = tpu.memref_slice %arg11[%dma_wait3A_458, %dma_wait3A_459, %dma_wait3A_460] : memref<4x16x1024xf32, #tpu.memory_space<vmem>> -> memref<1x16x1024xf32, #tpu.memory_space<vmem>>
    %dma_wait3A_462 = tpu.memref_squeeze %dma_wait3A_461 : memref<1x16x1024xf32, #tpu.memory_space<vmem>> -> memref<16x1024xf32, #tpu.memory_space<vmem>>
    %dma_wait3A_463 = arith.constant 0 : i32
    %dma_wait3A_464 = tpu.memref_slice %arg2[%add3A_288, %dma_wait3A_463] : memref<8192x1024xf32, #tpu.memory_space<hbm>> -> memref<16x1024xf32, #tpu.memory_space<hbm>>
    %dma_wait3A_465 = arith.constant 0 : i32
    %dma_wait3A_466 = arith.constant 0 : i32
    %dma_wait3A_467 = tpu.memref_slice %arg11[%dma_wait3A_458, %dma_wait3A_465, %dma_wait3A_466] : memref<4x16x1024xf32, #tpu.memory_space<vmem>> -> memref<1x16x1024xf32, #tpu.memory_space<vmem>>
    %dma_wait3A_468 = tpu.memref_squeeze %dma_wait3A_467 : memref<1x16x1024xf32, #tpu.memory_space<vmem>> -> memref<16x1024xf32, #tpu.memory_space<vmem>>
    %dma_wait3A_469 = arith.constant 0 : i32
    %dma_wait3A_470 = tpu.memref_slice %arg2[%add3A_288, %dma_wait3A_469] : memref<8192x1024xf32, #tpu.memory_space<hbm>> -> memref<16x1024xf32, #tpu.memory_space<hbm>>
    tpu.wait_dma2 semaphore(%arg12 : memref<!tpu.dma_semaphore, #tpu.memory_space<semaphore_mem>>) src(%dma_wait3A_470 : memref<16x1024xf32, #tpu.memory_space<hbm>>) dst(%dma_wait3A_468 : memref<16x1024xf32, #tpu.memory_space<vmem>>)
    %dma_start3A_471 = arith.constant 0 : i32
    %dma_start3A_472 = arith.constant 4 : i32
    %dma_start3A_473 = arith.constant 0 : i32
    %dma_start3A_474 = arith.constant 0 : i32
    %dma_start3A_475 = tpu.memref_slice %arg11[%dma_start3A_471, %dma_start3A_473, %dma_start3A_474] : memref<4x16x1024xf32, #tpu.memory_space<vmem>> -> memref<1x16x1024xf32, #tpu.memory_space<vmem>>
    %dma_start3A_476 = tpu.memref_squeeze %dma_start3A_475 : memref<1x16x1024xf32, #tpu.memory_space<vmem>> -> memref<16x1024xf32, #tpu.memory_space<vmem>>
    %dma_start3A_477 = arith.constant 0 : i32
    %dma_start3A_478 = tpu.memref_slice %arg10[%dma_start3A_472, %dma_start3A_477] : memref<16x16xi32, #tpu.memory_space<vmem>> -> memref<1x16xi32, #tpu.memory_space<vmem>>
    %dma_start3A_479 = tpu.memref_squeeze %dma_start3A_478 : memref<1x16xi32, #tpu.memory_space<vmem>> -> memref<16xi32, #tpu.memory_space<vmem>>
    %dma_start3A_480 = arith.constant 0 : i32
    %dma_start3A_481 = arith.constant 0 : i32
    %dma_start3A_482 = tpu.memref_slice %arg6[%dma_start3A_480, %dma_start3A_481] : memref<12288x1024xf32, #tpu.memory_space<hbm>> -> memref<12288x1024xf32, #tpu.memory_space<hbm>>
    tpu.enqueue_indirect_dma source(%dma_start3A_476 : memref<16x1024xf32, #tpu.memory_space<vmem>>) target(%dma_start3A_482 : memref<12288x1024xf32, #tpu.memory_space<hbm>>) offsets(%dma_start3A_479 : memref<16xi32, #tpu.memory_space<vmem>>) semaphore(%arg16 : memref<!tpu.dma_semaphore, #tpu.memory_space<semaphore_mem>>)
    %dma_wait3A_483 = arith.constant 0 : i32
    %dma_wait3A_484 = arith.constant 4 : i32
    %dma_wait3A_485 = arith.constant 0 : i32
    %dma_wait3A_486 = arith.constant 0 : i32
    %dma_wait3A_487 = tpu.memref_slice %arg11[%dma_wait3A_483, %dma_wait3A_485, %dma_wait3A_486] : memref<4x16x1024xf32, #tpu.memory_space<vmem>> -> memref<1x16x1024xf32, #tpu.memory_space<vmem>>
    %dma_wait3A_488 = tpu.memref_squeeze %dma_wait3A_487 : memref<1x16x1024xf32, #tpu.memory_space<vmem>> -> memref<16x1024xf32, #tpu.memory_space<vmem>>
    %dma_wait3A_489 = arith.constant 0 : i32
    %dma_wait3A_490 = tpu.memref_slice %arg10[%dma_wait3A_484, %dma_wait3A_489] : memref<16x16xi32, #tpu.memory_space<vmem>> -> memref<1x16xi32, #tpu.memory_space<vmem>>
    %dma_wait3A_491 = tpu.memref_squeeze %dma_wait3A_490 : memref<1x16xi32, #tpu.memory_space<vmem>> -> memref<16xi32, #tpu.memory_space<vmem>>
    %dma_wait3A_492 = arith.constant 0 : i32
    %dma_wait3A_493 = arith.constant 0 : i32
    %dma_wait3A_494 = tpu.memref_slice %arg6[%dma_wait3A_492, %dma_wait3A_493] : memref<12288x1024xf32, #tpu.memory_space<hbm>> -> memref<12288x1024xf32, #tpu.memory_space<hbm>>
    tpu.wait_indirect_dma semaphore(%arg16 : memref<!tpu.dma_semaphore, #tpu.memory_space<semaphore_mem>>) src(%dma_wait3A_488 : memref<16x1024xf32, #tpu.memory_space<vmem>>) dst(%dma_wait3A_494 : memref<12288x1024xf32, #tpu.memory_space<hbm>>)
    %add3A_495 = arith.constant 128 : i32
    %add3A_496 = arith.addi %mul3A_2, %add3A_495 : i32
    %dma_start3A_497 = arith.constant 0 : i32
    %dma_start3A_498 = arith.constant 0 : i32
    %dma_start3A_499 = arith.constant 0 : i32
    %dma_start3A_500 = tpu.memref_slice %arg11[%dma_start3A_497, %dma_start3A_498, %dma_start3A_499] : memref<4x16x1024xf32, #tpu.memory_space<vmem>> -> memref<1x16x1024xf32, #tpu.memory_space<vmem>>
    %dma_start3A_501 = tpu.memref_squeeze %dma_start3A_500 : memref<1x16x1024xf32, #tpu.memory_space<vmem>> -> memref<16x1024xf32, #tpu.memory_space<vmem>>
    %dma_start3A_502 = arith.constant 0 : i32
    %dma_start3A_503 = tpu.memref_slice %arg2[%add3A_496, %dma_start3A_502] : memref<8192x1024xf32, #tpu.memory_space<hbm>> -> memref<16x1024xf32, #tpu.memory_space<hbm>>
    %dma_start3A_504 = arith.constant 0 : i32
    %dma_start3A_505 = arith.constant 0 : i32
    %dma_start3A_506 = tpu.memref_slice %arg11[%dma_start3A_497, %dma_start3A_504, %dma_start3A_505] : memref<4x16x1024xf32, #tpu.memory_space<vmem>> -> memref<1x16x1024xf32, #tpu.memory_space<vmem>>
    %dma_start3A_507 = tpu.memref_squeeze %dma_start3A_506 : memref<1x16x1024xf32, #tpu.memory_space<vmem>> -> memref<16x1024xf32, #tpu.memory_space<vmem>>
    %dma_start3A_508 = arith.constant 0 : i32
    %dma_start3A_509 = tpu.memref_slice %arg2[%add3A_496, %dma_start3A_508] : memref<8192x1024xf32, #tpu.memory_space<hbm>> -> memref<16x1024xf32, #tpu.memory_space<hbm>>
    tpu.enqueue_dma source(%dma_start3A_509 : memref<16x1024xf32, #tpu.memory_space<hbm>>) target(%dma_start3A_507 : memref<16x1024xf32, #tpu.memory_space<vmem>>) target_semaphore(%arg12 : memref<!tpu.dma_semaphore, #tpu.memory_space<semaphore_mem>>)
    %dma_wait3A_510 = arith.constant 1 : i32
    %dma_wait3A_511 = arith.constant 0 : i32
    %dma_wait3A_512 = arith.constant 0 : i32
    %dma_wait3A_513 = tpu.memref_slice %arg11[%dma_wait3A_510, %dma_wait3A_511, %dma_wait3A_512] : memref<4x16x1024xf32, #tpu.memory_space<vmem>> -> memref<1x16x1024xf32, #tpu.memory_space<vmem>>
    %dma_wait3A_514 = tpu.memref_squeeze %dma_wait3A_513 : memref<1x16x1024xf32, #tpu.memory_space<vmem>> -> memref<16x1024xf32, #tpu.memory_space<vmem>>
    %dma_wait3A_515 = arith.constant 0 : i32
    %dma_wait3A_516 = tpu.memref_slice %arg2[%add3A_340, %dma_wait3A_515] : memref<8192x1024xf32, #tpu.memory_space<hbm>> -> memref<16x1024xf32, #tpu.memory_space<hbm>>
    %dma_wait3A_517 = arith.constant 0 : i32
    %dma_wait3A_518 = arith.constant 0 : i32
    %dma_wait3A_519 = tpu.memref_slice %arg11[%dma_wait3A_510, %dma_wait3A_517, %dma_wait3A_518] : memref<4x16x1024xf32, #tpu.memory_space<vmem>> -> memref<1x16x1024xf32, #tpu.memory_space<vmem>>
    %dma_wait3A_520 = tpu.memref_squeeze %dma_wait3A_519 : memref<1x16x1024xf32, #tpu.memory_space<vmem>> -> memref<16x1024xf32, #tpu.memory_space<vmem>>
    %dma_wait3A_521 = arith.constant 0 : i32
    %dma_wait3A_522 = tpu.memref_slice %arg2[%add3A_340, %dma_wait3A_521] : memref<8192x1024xf32, #tpu.memory_space<hbm>> -> memref<16x1024xf32, #tpu.memory_space<hbm>>
    tpu.wait_dma2 semaphore(%arg13 : memref<!tpu.dma_semaphore, #tpu.memory_space<semaphore_mem>>) src(%dma_wait3A_522 : memref<16x1024xf32, #tpu.memory_space<hbm>>) dst(%dma_wait3A_520 : memref<16x1024xf32, #tpu.memory_space<vmem>>)
    %dma_start3A_523 = arith.constant 1 : i32
    %dma_start3A_524 = arith.constant 5 : i32
    %dma_start3A_525 = arith.constant 0 : i32
    %dma_start3A_526 = arith.constant 0 : i32
    %dma_start3A_527 = tpu.memref_slice %arg11[%dma_start3A_523, %dma_start3A_525, %dma_start3A_526] : memref<4x16x1024xf32, #tpu.memory_space<vmem>> -> memref<1x16x1024xf32, #tpu.memory_space<vmem>>
    %dma_start3A_528 = tpu.memref_squeeze %dma_start3A_527 : memref<1x16x1024xf32, #tpu.memory_space<vmem>> -> memref<16x1024xf32, #tpu.memory_space<vmem>>
    %dma_start3A_529 = arith.constant 0 : i32
    %dma_start3A_530 = tpu.memref_slice %arg10[%dma_start3A_524, %dma_start3A_529] : memref<16x16xi32, #tpu.memory_space<vmem>> -> memref<1x16xi32, #tpu.memory_space<vmem>>
    %dma_start3A_531 = tpu.memref_squeeze %dma_start3A_530 : memref<1x16xi32, #tpu.memory_space<vmem>> -> memref<16xi32, #tpu.memory_space<vmem>>
    %dma_start3A_532 = arith.constant 0 : i32
    %dma_start3A_533 = arith.constant 0 : i32
    %dma_start3A_534 = tpu.memref_slice %arg6[%dma_start3A_532, %dma_start3A_533] : memref<12288x1024xf32, #tpu.memory_space<hbm>> -> memref<12288x1024xf32, #tpu.memory_space<hbm>>
    tpu.enqueue_indirect_dma source(%dma_start3A_528 : memref<16x1024xf32, #tpu.memory_space<vmem>>) target(%dma_start3A_534 : memref<12288x1024xf32, #tpu.memory_space<hbm>>) offsets(%dma_start3A_531 : memref<16xi32, #tpu.memory_space<vmem>>) semaphore(%arg17 : memref<!tpu.dma_semaphore, #tpu.memory_space<semaphore_mem>>)
    %dma_wait3A_535 = arith.constant 1 : i32
    %dma_wait3A_536 = arith.constant 5 : i32
    %dma_wait3A_537 = arith.constant 0 : i32
    %dma_wait3A_538 = arith.constant 0 : i32
    %dma_wait3A_539 = tpu.memref_slice %arg11[%dma_wait3A_535, %dma_wait3A_537, %dma_wait3A_538] : memref<4x16x1024xf32, #tpu.memory_space<vmem>> -> memref<1x16x1024xf32, #tpu.memory_space<vmem>>
    %dma_wait3A_540 = tpu.memref_squeeze %dma_wait3A_539 : memref<1x16x1024xf32, #tpu.memory_space<vmem>> -> memref<16x1024xf32, #tpu.memory_space<vmem>>
    %dma_wait3A_541 = arith.constant 0 : i32
    %dma_wait3A_542 = tpu.memref_slice %arg10[%dma_wait3A_536, %dma_wait3A_541] : memref<16x16xi32, #tpu.memory_space<vmem>> -> memref<1x16xi32, #tpu.memory_space<vmem>>
    %dma_wait3A_543 = tpu.memref_squeeze %dma_wait3A_542 : memref<1x16xi32, #tpu.memory_space<vmem>> -> memref<16xi32, #tpu.memory_space<vmem>>
    %dma_wait3A_544 = arith.constant 0 : i32
    %dma_wait3A_545 = arith.constant 0 : i32
    %dma_wait3A_546 = tpu.memref_slice %arg6[%dma_wait3A_544, %dma_wait3A_545] : memref<12288x1024xf32, #tpu.memory_space<hbm>> -> memref<12288x1024xf32, #tpu.memory_space<hbm>>
    tpu.wait_indirect_dma semaphore(%arg17 : memref<!tpu.dma_semaphore, #tpu.memory_space<semaphore_mem>>) src(%dma_wait3A_540 : memref<16x1024xf32, #tpu.memory_space<vmem>>) dst(%dma_wait3A_546 : memref<12288x1024xf32, #tpu.memory_space<hbm>>)
    %add3A_547 = arith.constant 144 : i32
    %add3A_548 = arith.addi %mul3A_2, %add3A_547 : i32
    %dma_start3A_549 = arith.constant 1 : i32
    %dma_start3A_550 = arith.constant 0 : i32
    %dma_start3A_551 = arith.constant 0 : i32
    %dma_start3A_552 = tpu.memref_slice %arg11[%dma_start3A_549, %dma_start3A_550, %dma_start3A_551] : memref<4x16x1024xf32, #tpu.memory_space<vmem>> -> memref<1x16x1024xf32, #tpu.memory_space<vmem>>
    %dma_start3A_553 = tpu.memref_squeeze %dma_start3A_552 : memref<1x16x1024xf32, #tpu.memory_space<vmem>> -> memref<16x1024xf32, #tpu.memory_space<vmem>>
    %dma_start3A_554 = arith.constant 0 : i32
    %dma_start3A_555 = tpu.memref_slice %arg2[%add3A_548, %dma_start3A_554] : memref<8192x1024xf32, #tpu.memory_space<hbm>> -> memref<16x1024xf32, #tpu.memory_space<hbm>>
    %dma_start3A_556 = arith.constant 0 : i32
    %dma_start3A_557 = arith.constant 0 : i32
    %dma_start3A_558 = tpu.memref_slice %arg11[%dma_start3A_549, %dma_start3A_556, %dma_start3A_557] : memref<4x16x1024xf32, #tpu.memory_space<vmem>> -> memref<1x16x1024xf32, #tpu.memory_space<vmem>>
    %dma_start3A_559 = tpu.memref_squeeze %dma_start3A_558 : memref<1x16x1024xf32, #tpu.memory_space<vmem>> -> memref<16x1024xf32, #tpu.memory_space<vmem>>
    %dma_start3A_560 = arith.constant 0 : i32
    %dma_start3A_561 = tpu.memref_slice %arg2[%add3A_548, %dma_start3A_560] : memref<8192x1024xf32, #tpu.memory_space<hbm>> -> memref<16x1024xf32, #tpu.memory_space<hbm>>
    tpu.enqueue_dma source(%dma_start3A_561 : memref<16x1024xf32, #tpu.memory_space<hbm>>) target(%dma_start3A_559 : memref<16x1024xf32, #tpu.memory_space<vmem>>) target_semaphore(%arg13 : memref<!tpu.dma_semaphore, #tpu.memory_space<semaphore_mem>>)
    %dma_wait3A_562 = arith.constant 2 : i32
    %dma_wait3A_563 = arith.constant 0 : i32
    %dma_wait3A_564 = arith.constant 0 : i32
    %dma_wait3A_565 = tpu.memref_slice %arg11[%dma_wait3A_562, %dma_wait3A_563, %dma_wait3A_564] : memref<4x16x1024xf32, #tpu.memory_space<vmem>> -> memref<1x16x1024xf32, #tpu.memory_space<vmem>>
    %dma_wait3A_566 = tpu.memref_squeeze %dma_wait3A_565 : memref<1x16x1024xf32, #tpu.memory_space<vmem>> -> memref<16x1024xf32, #tpu.memory_space<vmem>>
    %dma_wait3A_567 = arith.constant 0 : i32
    %dma_wait3A_568 = tpu.memref_slice %arg2[%add3A_392, %dma_wait3A_567] : memref<8192x1024xf32, #tpu.memory_space<hbm>> -> memref<16x1024xf32, #tpu.memory_space<hbm>>
    %dma_wait3A_569 = arith.constant 0 : i32
    %dma_wait3A_570 = arith.constant 0 : i32
    %dma_wait3A_571 = tpu.memref_slice %arg11[%dma_wait3A_562, %dma_wait3A_569, %dma_wait3A_570] : memref<4x16x1024xf32, #tpu.memory_space<vmem>> -> memref<1x16x1024xf32, #tpu.memory_space<vmem>>
    %dma_wait3A_572 = tpu.memref_squeeze %dma_wait3A_571 : memref<1x16x1024xf32, #tpu.memory_space<vmem>> -> memref<16x1024xf32, #tpu.memory_space<vmem>>
    %dma_wait3A_573 = arith.constant 0 : i32
    %dma_wait3A_574 = tpu.memref_slice %arg2[%add3A_392, %dma_wait3A_573] : memref<8192x1024xf32, #tpu.memory_space<hbm>> -> memref<16x1024xf32, #tpu.memory_space<hbm>>
    tpu.wait_dma2 semaphore(%arg14 : memref<!tpu.dma_semaphore, #tpu.memory_space<semaphore_mem>>) src(%dma_wait3A_574 : memref<16x1024xf32, #tpu.memory_space<hbm>>) dst(%dma_wait3A_572 : memref<16x1024xf32, #tpu.memory_space<vmem>>)
    %dma_start3A_575 = arith.constant 2 : i32
    %dma_start3A_576 = arith.constant 6 : i32
    %dma_start3A_577 = arith.constant 0 : i32
    %dma_start3A_578 = arith.constant 0 : i32
    %dma_start3A_579 = tpu.memref_slice %arg11[%dma_start3A_575, %dma_start3A_577, %dma_start3A_578] : memref<4x16x1024xf32, #tpu.memory_space<vmem>> -> memref<1x16x1024xf32, #tpu.memory_space<vmem>>
    %dma_start3A_580 = tpu.memref_squeeze %dma_start3A_579 : memref<1x16x1024xf32, #tpu.memory_space<vmem>> -> memref<16x1024xf32, #tpu.memory_space<vmem>>
    %dma_start3A_581 = arith.constant 0 : i32
    %dma_start3A_582 = tpu.memref_slice %arg10[%dma_start3A_576, %dma_start3A_581] : memref<16x16xi32, #tpu.memory_space<vmem>> -> memref<1x16xi32, #tpu.memory_space<vmem>>
    %dma_start3A_583 = tpu.memref_squeeze %dma_start3A_582 : memref<1x16xi32, #tpu.memory_space<vmem>> -> memref<16xi32, #tpu.memory_space<vmem>>
    %dma_start3A_584 = arith.constant 0 : i32
    %dma_start3A_585 = arith.constant 0 : i32
    %dma_start3A_586 = tpu.memref_slice %arg6[%dma_start3A_584, %dma_start3A_585] : memref<12288x1024xf32, #tpu.memory_space<hbm>> -> memref<12288x1024xf32, #tpu.memory_space<hbm>>
    tpu.enqueue_indirect_dma source(%dma_start3A_580 : memref<16x1024xf32, #tpu.memory_space<vmem>>) target(%dma_start3A_586 : memref<12288x1024xf32, #tpu.memory_space<hbm>>) offsets(%dma_start3A_583 : memref<16xi32, #tpu.memory_space<vmem>>) semaphore(%arg18 : memref<!tpu.dma_semaphore, #tpu.memory_space<semaphore_mem>>)
    %dma_wait3A_587 = arith.constant 2 : i32
    %dma_wait3A_588 = arith.constant 6 : i32
    %dma_wait3A_589 = arith.constant 0 : i32
    %dma_wait3A_590 = arith.constant 0 : i32
    %dma_wait3A_591 = tpu.memref_slice %arg11[%dma_wait3A_587, %dma_wait3A_589, %dma_wait3A_590] : memref<4x16x1024xf32, #tpu.memory_space<vmem>> -> memref<1x16x1024xf32, #tpu.memory_space<vmem>>
    %dma_wait3A_592 = tpu.memref_squeeze %dma_wait3A_591 : memref<1x16x1024xf32, #tpu.memory_space<vmem>> -> memref<16x1024xf32, #tpu.memory_space<vmem>>
    %dma_wait3A_593 = arith.constant 0 : i32
    %dma_wait3A_594 = tpu.memref_slice %arg10[%dma_wait3A_588, %dma_wait3A_593] : memref<16x16xi32, #tpu.memory_space<vmem>> -> memref<1x16xi32, #tpu.memory_space<vmem>>
    %dma_wait3A_595 = tpu.memref_squeeze %dma_wait3A_594 : memref<1x16xi32, #tpu.memory_space<vmem>> -> memref<16xi32, #tpu.memory_space<vmem>>
    %dma_wait3A_596 = arith.constant 0 : i32
    %dma_wait3A_597 = arith.constant 0 : i32
    %dma_wait3A_598 = tpu.memref_slice %arg6[%dma_wait3A_596, %dma_wait3A_597] : memref<12288x1024xf32, #tpu.memory_space<hbm>> -> memref<12288x1024xf32, #tpu.memory_space<hbm>>
    tpu.wait_indirect_dma semaphore(%arg18 : memref<!tpu.dma_semaphore, #tpu.memory_space<semaphore_mem>>) src(%dma_wait3A_592 : memref<16x1024xf32, #tpu.memory_space<vmem>>) dst(%dma_wait3A_598 : memref<12288x1024xf32, #tpu.memory_space<hbm>>)
    %add3A_599 = arith.constant 160 : i32
    %add3A_600 = arith.addi %mul3A_2, %add3A_599 : i32
    %dma_start3A_601 = arith.constant 2 : i32
    %dma_start3A_602 = arith.constant 0 : i32
    %dma_start3A_603 = arith.constant 0 : i32
    %dma_start3A_604 = tpu.memref_slice %arg11[%dma_start3A_601, %dma_start3A_602, %dma_start3A_603] : memref<4x16x1024xf32, #tpu.memory_space<vmem>> -> memref<1x16x1024xf32, #tpu.memory_space<vmem>>
    %dma_start3A_605 = tpu.memref_squeeze %dma_start3A_604 : memref<1x16x1024xf32, #tpu.memory_space<vmem>> -> memref<16x1024xf32, #tpu.memory_space<vmem>>
    %dma_start3A_606 = arith.constant 0 : i32
    %dma_start3A_607 = tpu.memref_slice %arg2[%add3A_600, %dma_start3A_606] : memref<8192x1024xf32, #tpu.memory_space<hbm>> -> memref<16x1024xf32, #tpu.memory_space<hbm>>
    %dma_start3A_608 = arith.constant 0 : i32
    %dma_start3A_609 = arith.constant 0 : i32
    %dma_start3A_610 = tpu.memref_slice %arg11[%dma_start3A_601, %dma_start3A_608, %dma_start3A_609] : memref<4x16x1024xf32, #tpu.memory_space<vmem>> -> memref<1x16x1024xf32, #tpu.memory_space<vmem>>
    %dma_start3A_611 = tpu.memref_squeeze %dma_start3A_610 : memref<1x16x1024xf32, #tpu.memory_space<vmem>> -> memref<16x1024xf32, #tpu.memory_space<vmem>>
    %dma_start3A_612 = arith.constant 0 : i32
    %dma_start3A_613 = tpu.memref_slice %arg2[%add3A_600, %dma_start3A_612] : memref<8192x1024xf32, #tpu.memory_space<hbm>> -> memref<16x1024xf32, #tpu.memory_space<hbm>>
    tpu.enqueue_dma source(%dma_start3A_613 : memref<16x1024xf32, #tpu.memory_space<hbm>>) target(%dma_start3A_611 : memref<16x1024xf32, #tpu.memory_space<vmem>>) target_semaphore(%arg14 : memref<!tpu.dma_semaphore, #tpu.memory_space<semaphore_mem>>)
    %dma_wait3A_614 = arith.constant 3 : i32
    %dma_wait3A_615 = arith.constant 0 : i32
    %dma_wait3A_616 = arith.constant 0 : i32
    %dma_wait3A_617 = tpu.memref_slice %arg11[%dma_wait3A_614, %dma_wait3A_615, %dma_wait3A_616] : memref<4x16x1024xf32, #tpu.memory_space<vmem>> -> memref<1x16x1024xf32, #tpu.memory_space<vmem>>
    %dma_wait3A_618 = tpu.memref_squeeze %dma_wait3A_617 : memref<1x16x1024xf32, #tpu.memory_space<vmem>> -> memref<16x1024xf32, #tpu.memory_space<vmem>>
    %dma_wait3A_619 = arith.constant 0 : i32
    %dma_wait3A_620 = tpu.memref_slice %arg2[%add3A_444, %dma_wait3A_619] : memref<8192x1024xf32, #tpu.memory_space<hbm>> -> memref<16x1024xf32, #tpu.memory_space<hbm>>
    %dma_wait3A_621 = arith.constant 0 : i32
    %dma_wait3A_622 = arith.constant 0 : i32
    %dma_wait3A_623 = tpu.memref_slice %arg11[%dma_wait3A_614, %dma_wait3A_621, %dma_wait3A_622] : memref<4x16x1024xf32, #tpu.memory_space<vmem>> -> memref<1x16x1024xf32, #tpu.memory_space<vmem>>
    %dma_wait3A_624 = tpu.memref_squeeze %dma_wait3A_623 : memref<1x16x1024xf32, #tpu.memory_space<vmem>> -> memref<16x1024xf32, #tpu.memory_space<vmem>>
    %dma_wait3A_625 = arith.constant 0 : i32
    %dma_wait3A_626 = tpu.memref_slice %arg2[%add3A_444, %dma_wait3A_625] : memref<8192x1024xf32, #tpu.memory_space<hbm>> -> memref<16x1024xf32, #tpu.memory_space<hbm>>
    tpu.wait_dma2 semaphore(%arg15 : memref<!tpu.dma_semaphore, #tpu.memory_space<semaphore_mem>>) src(%dma_wait3A_626 : memref<16x1024xf32, #tpu.memory_space<hbm>>) dst(%dma_wait3A_624 : memref<16x1024xf32, #tpu.memory_space<vmem>>)
    %dma_start3A_627 = arith.constant 3 : i32
    %dma_start3A_628 = arith.constant 7 : i32
    %dma_start3A_629 = arith.constant 0 : i32
    %dma_start3A_630 = arith.constant 0 : i32
    %dma_start3A_631 = tpu.memref_slice %arg11[%dma_start3A_627, %dma_start3A_629, %dma_start3A_630] : memref<4x16x1024xf32, #tpu.memory_space<vmem>> -> memref<1x16x1024xf32, #tpu.memory_space<vmem>>
    %dma_start3A_632 = tpu.memref_squeeze %dma_start3A_631 : memref<1x16x1024xf32, #tpu.memory_space<vmem>> -> memref<16x1024xf32, #tpu.memory_space<vmem>>
    %dma_start3A_633 = arith.constant 0 : i32
    %dma_start3A_634 = tpu.memref_slice %arg10[%dma_start3A_628, %dma_start3A_633] : memref<16x16xi32, #tpu.memory_space<vmem>> -> memref<1x16xi32, #tpu.memory_space<vmem>>
    %dma_start3A_635 = tpu.memref_squeeze %dma_start3A_634 : memref<1x16xi32, #tpu.memory_space<vmem>> -> memref<16xi32, #tpu.memory_space<vmem>>
    %dma_start3A_636 = arith.constant 0 : i32
    %dma_start3A_637 = arith.constant 0 : i32
    %dma_start3A_638 = tpu.memref_slice %arg6[%dma_start3A_636, %dma_start3A_637] : memref<12288x1024xf32, #tpu.memory_space<hbm>> -> memref<12288x1024xf32, #tpu.memory_space<hbm>>
    tpu.enqueue_indirect_dma source(%dma_start3A_632 : memref<16x1024xf32, #tpu.memory_space<vmem>>) target(%dma_start3A_638 : memref<12288x1024xf32, #tpu.memory_space<hbm>>) offsets(%dma_start3A_635 : memref<16xi32, #tpu.memory_space<vmem>>) semaphore(%arg19 : memref<!tpu.dma_semaphore, #tpu.memory_space<semaphore_mem>>)
    %dma_wait3A_639 = arith.constant 3 : i32
    %dma_wait3A_640 = arith.constant 7 : i32
    %dma_wait3A_641 = arith.constant 0 : i32
    %dma_wait3A_642 = arith.constant 0 : i32
    %dma_wait3A_643 = tpu.memref_slice %arg11[%dma_wait3A_639, %dma_wait3A_641, %dma_wait3A_642] : memref<4x16x1024xf32, #tpu.memory_space<vmem>> -> memref<1x16x1024xf32, #tpu.memory_space<vmem>>
    %dma_wait3A_644 = tpu.memref_squeeze %dma_wait3A_643 : memref<1x16x1024xf32, #tpu.memory_space<vmem>> -> memref<16x1024xf32, #tpu.memory_space<vmem>>
    %dma_wait3A_645 = arith.constant 0 : i32
    %dma_wait3A_646 = tpu.memref_slice %arg10[%dma_wait3A_640, %dma_wait3A_645] : memref<16x16xi32, #tpu.memory_space<vmem>> -> memref<1x16xi32, #tpu.memory_space<vmem>>
    %dma_wait3A_647 = tpu.memref_squeeze %dma_wait3A_646 : memref<1x16xi32, #tpu.memory_space<vmem>> -> memref<16xi32, #tpu.memory_space<vmem>>
    %dma_wait3A_648 = arith.constant 0 : i32
    %dma_wait3A_649 = arith.constant 0 : i32
    %dma_wait3A_650 = tpu.memref_slice %arg6[%dma_wait3A_648, %dma_wait3A_649] : memref<12288x1024xf32, #tpu.memory_space<hbm>> -> memref<12288x1024xf32, #tpu.memory_space<hbm>>
    tpu.wait_indirect_dma semaphore(%arg19 : memref<!tpu.dma_semaphore, #tpu.memory_space<semaphore_mem>>) src(%dma_wait3A_644 : memref<16x1024xf32, #tpu.memory_space<vmem>>) dst(%dma_wait3A_650 : memref<12288x1024xf32, #tpu.memory_space<hbm>>)
    %add3A_651 = arith.constant 176 : i32
    %add3A_652 = arith.addi %mul3A_2, %add3A_651 : i32
    %dma_start3A_653 = arith.constant 3 : i32
    %dma_start3A_654 = arith.constant 0 : i32
    %dma_start3A_655 = arith.constant 0 : i32
    %dma_start3A_656 = tpu.memref_slice %arg11[%dma_start3A_653, %dma_start3A_654, %dma_start3A_655] : memref<4x16x1024xf32, #tpu.memory_space<vmem>> -> memref<1x16x1024xf32, #tpu.memory_space<vmem>>
    %dma_start3A_657 = tpu.memref_squeeze %dma_start3A_656 : memref<1x16x1024xf32, #tpu.memory_space<vmem>> -> memref<16x1024xf32, #tpu.memory_space<vmem>>
    %dma_start3A_658 = arith.constant 0 : i32
    %dma_start3A_659 = tpu.memref_slice %arg2[%add3A_652, %dma_start3A_658] : memref<8192x1024xf32, #tpu.memory_space<hbm>> -> memref<16x1024xf32, #tpu.memory_space<hbm>>
    %dma_start3A_660 = arith.constant 0 : i32
    %dma_start3A_661 = arith.constant 0 : i32
    %dma_start3A_662 = tpu.memref_slice %arg11[%dma_start3A_653, %dma_start3A_660, %dma_start3A_661] : memref<4x16x1024xf32, #tpu.memory_space<vmem>> -> memref<1x16x1024xf32, #tpu.memory_space<vmem>>
    %dma_start3A_663 = tpu.memref_squeeze %dma_start3A_662 : memref<1x16x1024xf32, #tpu.memory_space<vmem>> -> memref<16x1024xf32, #tpu.memory_space<vmem>>
    %dma_start3A_664 = arith.constant 0 : i32
    %dma_start3A_665 = tpu.memref_slice %arg2[%add3A_652, %dma_start3A_664] : memref<8192x1024xf32, #tpu.memory_space<hbm>> -> memref<16x1024xf32, #tpu.memory_space<hbm>>
    tpu.enqueue_dma source(%dma_start3A_665 : memref<16x1024xf32, #tpu.memory_space<hbm>>) target(%dma_start3A_663 : memref<16x1024xf32, #tpu.memory_space<vmem>>) target_semaphore(%arg15 : memref<!tpu.dma_semaphore, #tpu.memory_space<semaphore_mem>>)
    %dma_wait3A_666 = arith.constant 0 : i32
    %dma_wait3A_667 = arith.constant 0 : i32
    %dma_wait3A_668 = arith.constant 0 : i32
    %dma_wait3A_669 = tpu.memref_slice %arg11[%dma_wait3A_666, %dma_wait3A_667, %dma_wait3A_668] : memref<4x16x1024xf32, #tpu.memory_space<vmem>> -> memref<1x16x1024xf32, #tpu.memory_space<vmem>>
    %dma_wait3A_670 = tpu.memref_squeeze %dma_wait3A_669 : memref<1x16x1024xf32, #tpu.memory_space<vmem>> -> memref<16x1024xf32, #tpu.memory_space<vmem>>
    %dma_wait3A_671 = arith.constant 0 : i32
    %dma_wait3A_672 = tpu.memref_slice %arg2[%add3A_496, %dma_wait3A_671] : memref<8192x1024xf32, #tpu.memory_space<hbm>> -> memref<16x1024xf32, #tpu.memory_space<hbm>>
    %dma_wait3A_673 = arith.constant 0 : i32
    %dma_wait3A_674 = arith.constant 0 : i32
    %dma_wait3A_675 = tpu.memref_slice %arg11[%dma_wait3A_666, %dma_wait3A_673, %dma_wait3A_674] : memref<4x16x1024xf32, #tpu.memory_space<vmem>> -> memref<1x16x1024xf32, #tpu.memory_space<vmem>>
    %dma_wait3A_676 = tpu.memref_squeeze %dma_wait3A_675 : memref<1x16x1024xf32, #tpu.memory_space<vmem>> -> memref<16x1024xf32, #tpu.memory_space<vmem>>
    %dma_wait3A_677 = arith.constant 0 : i32
    %dma_wait3A_678 = tpu.memref_slice %arg2[%add3A_496, %dma_wait3A_677] : memref<8192x1024xf32, #tpu.memory_space<hbm>> -> memref<16x1024xf32, #tpu.memory_space<hbm>>
    tpu.wait_dma2 semaphore(%arg12 : memref<!tpu.dma_semaphore, #tpu.memory_space<semaphore_mem>>) src(%dma_wait3A_678 : memref<16x1024xf32, #tpu.memory_space<hbm>>) dst(%dma_wait3A_676 : memref<16x1024xf32, #tpu.memory_space<vmem>>)
    %dma_start3A_679 = arith.constant 0 : i32
    %dma_start3A_680 = arith.constant 8 : i32
    %dma_start3A_681 = arith.constant 0 : i32
    %dma_start3A_682 = arith.constant 0 : i32
    %dma_start3A_683 = tpu.memref_slice %arg11[%dma_start3A_679, %dma_start3A_681, %dma_start3A_682] : memref<4x16x1024xf32, #tpu.memory_space<vmem>> -> memref<1x16x1024xf32, #tpu.memory_space<vmem>>
    %dma_start3A_684 = tpu.memref_squeeze %dma_start3A_683 : memref<1x16x1024xf32, #tpu.memory_space<vmem>> -> memref<16x1024xf32, #tpu.memory_space<vmem>>
    %dma_start3A_685 = arith.constant 0 : i32
    %dma_start3A_686 = tpu.memref_slice %arg10[%dma_start3A_680, %dma_start3A_685] : memref<16x16xi32, #tpu.memory_space<vmem>> -> memref<1x16xi32, #tpu.memory_space<vmem>>
    %dma_start3A_687 = tpu.memref_squeeze %dma_start3A_686 : memref<1x16xi32, #tpu.memory_space<vmem>> -> memref<16xi32, #tpu.memory_space<vmem>>
    %dma_start3A_688 = arith.constant 0 : i32
    %dma_start3A_689 = arith.constant 0 : i32
    %dma_start3A_690 = tpu.memref_slice %arg6[%dma_start3A_688, %dma_start3A_689] : memref<12288x1024xf32, #tpu.memory_space<hbm>> -> memref<12288x1024xf32, #tpu.memory_space<hbm>>
    tpu.enqueue_indirect_dma source(%dma_start3A_684 : memref<16x1024xf32, #tpu.memory_space<vmem>>) target(%dma_start3A_690 : memref<12288x1024xf32, #tpu.memory_space<hbm>>) offsets(%dma_start3A_687 : memref<16xi32, #tpu.memory_space<vmem>>) semaphore(%arg16 : memref<!tpu.dma_semaphore, #tpu.memory_space<semaphore_mem>>)
    %dma_wait3A_691 = arith.constant 0 : i32
    %dma_wait3A_692 = arith.constant 8 : i32
    %dma_wait3A_693 = arith.constant 0 : i32
    %dma_wait3A_694 = arith.constant 0 : i32
    %dma_wait3A_695 = tpu.memref_slice %arg11[%dma_wait3A_691, %dma_wait3A_693, %dma_wait3A_694] : memref<4x16x1024xf32, #tpu.memory_space<vmem>> -> memref<1x16x1024xf32, #tpu.memory_space<vmem>>
    %dma_wait3A_696 = tpu.memref_squeeze %dma_wait3A_695 : memref<1x16x1024xf32, #tpu.memory_space<vmem>> -> memref<16x1024xf32, #tpu.memory_space<vmem>>
    %dma_wait3A_697 = arith.constant 0 : i32
    %dma_wait3A_698 = tpu.memref_slice %arg10[%dma_wait3A_692, %dma_wait3A_697] : memref<16x16xi32, #tpu.memory_space<vmem>> -> memref<1x16xi32, #tpu.memory_space<vmem>>
    %dma_wait3A_699 = tpu.memref_squeeze %dma_wait3A_698 : memref<1x16xi32, #tpu.memory_space<vmem>> -> memref<16xi32, #tpu.memory_space<vmem>>
    %dma_wait3A_700 = arith.constant 0 : i32
    %dma_wait3A_701 = arith.constant 0 : i32
    %dma_wait3A_702 = tpu.memref_slice %arg6[%dma_wait3A_700, %dma_wait3A_701] : memref<12288x1024xf32, #tpu.memory_space<hbm>> -> memref<12288x1024xf32, #tpu.memory_space<hbm>>
    tpu.wait_indirect_dma semaphore(%arg16 : memref<!tpu.dma_semaphore, #tpu.memory_space<semaphore_mem>>) src(%dma_wait3A_696 : memref<16x1024xf32, #tpu.memory_space<vmem>>) dst(%dma_wait3A_702 : memref<12288x1024xf32, #tpu.memory_space<hbm>>)
    %add3A_703 = arith.constant 192 : i32
    %add3A_704 = arith.addi %mul3A_2, %add3A_703 : i32
    %dma_start3A_705 = arith.constant 0 : i32
    %dma_start3A_706 = arith.constant 0 : i32
    %dma_start3A_707 = arith.constant 0 : i32
    %dma_start3A_708 = tpu.memref_slice %arg11[%dma_start3A_705, %dma_start3A_706, %dma_start3A_707] : memref<4x16x1024xf32, #tpu.memory_space<vmem>> -> memref<1x16x1024xf32, #tpu.memory_space<vmem>>
    %dma_start3A_709 = tpu.memref_squeeze %dma_start3A_708 : memref<1x16x1024xf32, #tpu.memory_space<vmem>> -> memref<16x1024xf32, #tpu.memory_space<vmem>>
    %dma_start3A_710 = arith.constant 0 : i32
    %dma_start3A_711 = tpu.memref_slice %arg2[%add3A_704, %dma_start3A_710] : memref<8192x1024xf32, #tpu.memory_space<hbm>> -> memref<16x1024xf32, #tpu.memory_space<hbm>>
    %dma_start3A_712 = arith.constant 0 : i32
    %dma_start3A_713 = arith.constant 0 : i32
    %dma_start3A_714 = tpu.memref_slice %arg11[%dma_start3A_705, %dma_start3A_712, %dma_start3A_713] : memref<4x16x1024xf32, #tpu.memory_space<vmem>> -> memref<1x16x1024xf32, #tpu.memory_space<vmem>>
    %dma_start3A_715 = tpu.memref_squeeze %dma_start3A_714 : memref<1x16x1024xf32, #tpu.memory_space<vmem>> -> memref<16x1024xf32, #tpu.memory_space<vmem>>
    %dma_start3A_716 = arith.constant 0 : i32
    %dma_start3A_717 = tpu.memref_slice %arg2[%add3A_704, %dma_start3A_716] : memref<8192x1024xf32, #tpu.memory_space<hbm>> -> memref<16x1024xf32, #tpu.memory_space<hbm>>
    tpu.enqueue_dma source(%dma_start3A_717 : memref<16x1024xf32, #tpu.memory_space<hbm>>) target(%dma_start3A_715 : memref<16x1024xf32, #tpu.memory_space<vmem>>) target_semaphore(%arg12 : memref<!tpu.dma_semaphore, #tpu.memory_space<semaphore_mem>>)
    %dma_wait3A_718 = arith.constant 1 : i32
    %dma_wait3A_719 = arith.constant 0 : i32
    %dma_wait3A_720 = arith.constant 0 : i32
    %dma_wait3A_721 = tpu.memref_slice %arg11[%dma_wait3A_718, %dma_wait3A_719, %dma_wait3A_720] : memref<4x16x1024xf32, #tpu.memory_space<vmem>> -> memref<1x16x1024xf32, #tpu.memory_space<vmem>>
    %dma_wait3A_722 = tpu.memref_squeeze %dma_wait3A_721 : memref<1x16x1024xf32, #tpu.memory_space<vmem>> -> memref<16x1024xf32, #tpu.memory_space<vmem>>
    %dma_wait3A_723 = arith.constant 0 : i32
    %dma_wait3A_724 = tpu.memref_slice %arg2[%add3A_548, %dma_wait3A_723] : memref<8192x1024xf32, #tpu.memory_space<hbm>> -> memref<16x1024xf32, #tpu.memory_space<hbm>>
    %dma_wait3A_725 = arith.constant 0 : i32
    %dma_wait3A_726 = arith.constant 0 : i32
    %dma_wait3A_727 = tpu.memref_slice %arg11[%dma_wait3A_718, %dma_wait3A_725, %dma_wait3A_726] : memref<4x16x1024xf32, #tpu.memory_space<vmem>> -> memref<1x16x1024xf32, #tpu.memory_space<vmem>>
    %dma_wait3A_728 = tpu.memref_squeeze %dma_wait3A_727 : memref<1x16x1024xf32, #tpu.memory_space<vmem>> -> memref<16x1024xf32, #tpu.memory_space<vmem>>
    %dma_wait3A_729 = arith.constant 0 : i32
    %dma_wait3A_730 = tpu.memref_slice %arg2[%add3A_548, %dma_wait3A_729] : memref<8192x1024xf32, #tpu.memory_space<hbm>> -> memref<16x1024xf32, #tpu.memory_space<hbm>>
    tpu.wait_dma2 semaphore(%arg13 : memref<!tpu.dma_semaphore, #tpu.memory_space<semaphore_mem>>) src(%dma_wait3A_730 : memref<16x1024xf32, #tpu.memory_space<hbm>>) dst(%dma_wait3A_728 : memref<16x1024xf32, #tpu.memory_space<vmem>>)
    %dma_start3A_731 = arith.constant 1 : i32
    %dma_start3A_732 = arith.constant 9 : i32
    %dma_start3A_733 = arith.constant 0 : i32
    %dma_start3A_734 = arith.constant 0 : i32
    %dma_start3A_735 = tpu.memref_slice %arg11[%dma_start3A_731, %dma_start3A_733, %dma_start3A_734] : memref<4x16x1024xf32, #tpu.memory_space<vmem>> -> memref<1x16x1024xf32, #tpu.memory_space<vmem>>
    %dma_start3A_736 = tpu.memref_squeeze %dma_start3A_735 : memref<1x16x1024xf32, #tpu.memory_space<vmem>> -> memref<16x1024xf32, #tpu.memory_space<vmem>>
    %dma_start3A_737 = arith.constant 0 : i32
    %dma_start3A_738 = tpu.memref_slice %arg10[%dma_start3A_732, %dma_start3A_737] : memref<16x16xi32, #tpu.memory_space<vmem>> -> memref<1x16xi32, #tpu.memory_space<vmem>>
    %dma_start3A_739 = tpu.memref_squeeze %dma_start3A_738 : memref<1x16xi32, #tpu.memory_space<vmem>> -> memref<16xi32, #tpu.memory_space<vmem>>
    %dma_start3A_740 = arith.constant 0 : i32
    %dma_start3A_741 = arith.constant 0 : i32
    %dma_start3A_742 = tpu.memref_slice %arg6[%dma_start3A_740, %dma_start3A_741] : memref<12288x1024xf32, #tpu.memory_space<hbm>> -> memref<12288x1024xf32, #tpu.memory_space<hbm>>
    tpu.enqueue_indirect_dma source(%dma_start3A_736 : memref<16x1024xf32, #tpu.memory_space<vmem>>) target(%dma_start3A_742 : memref<12288x1024xf32, #tpu.memory_space<hbm>>) offsets(%dma_start3A_739 : memref<16xi32, #tpu.memory_space<vmem>>) semaphore(%arg17 : memref<!tpu.dma_semaphore, #tpu.memory_space<semaphore_mem>>)
    %dma_wait3A_743 = arith.constant 1 : i32
    %dma_wait3A_744 = arith.constant 9 : i32
    %dma_wait3A_745 = arith.constant 0 : i32
    %dma_wait3A_746 = arith.constant 0 : i32
    %dma_wait3A_747 = tpu.memref_slice %arg11[%dma_wait3A_743, %dma_wait3A_745, %dma_wait3A_746] : memref<4x16x1024xf32, #tpu.memory_space<vmem>> -> memref<1x16x1024xf32, #tpu.memory_space<vmem>>
    %dma_wait3A_748 = tpu.memref_squeeze %dma_wait3A_747 : memref<1x16x1024xf32, #tpu.memory_space<vmem>> -> memref<16x1024xf32, #tpu.memory_space<vmem>>
    %dma_wait3A_749 = arith.constant 0 : i32
    %dma_wait3A_750 = tpu.memref_slice %arg10[%dma_wait3A_744, %dma_wait3A_749] : memref<16x16xi32, #tpu.memory_space<vmem>> -> memref<1x16xi32, #tpu.memory_space<vmem>>
    %dma_wait3A_751 = tpu.memref_squeeze %dma_wait3A_750 : memref<1x16xi32, #tpu.memory_space<vmem>> -> memref<16xi32, #tpu.memory_space<vmem>>
    %dma_wait3A_752 = arith.constant 0 : i32
    %dma_wait3A_753 = arith.constant 0 : i32
    %dma_wait3A_754 = tpu.memref_slice %arg6[%dma_wait3A_752, %dma_wait3A_753] : memref<12288x1024xf32, #tpu.memory_space<hbm>> -> memref<12288x1024xf32, #tpu.memory_space<hbm>>
    tpu.wait_indirect_dma semaphore(%arg17 : memref<!tpu.dma_semaphore, #tpu.memory_space<semaphore_mem>>) src(%dma_wait3A_748 : memref<16x1024xf32, #tpu.memory_space<vmem>>) dst(%dma_wait3A_754 : memref<12288x1024xf32, #tpu.memory_space<hbm>>)
    %add3A_755 = arith.constant 208 : i32
    %add3A_756 = arith.addi %mul3A_2, %add3A_755 : i32
    %dma_start3A_757 = arith.constant 1 : i32
    %dma_start3A_758 = arith.constant 0 : i32
    %dma_start3A_759 = arith.constant 0 : i32
    %dma_start3A_760 = tpu.memref_slice %arg11[%dma_start3A_757, %dma_start3A_758, %dma_start3A_759] : memref<4x16x1024xf32, #tpu.memory_space<vmem>> -> memref<1x16x1024xf32, #tpu.memory_space<vmem>>
    %dma_start3A_761 = tpu.memref_squeeze %dma_start3A_760 : memref<1x16x1024xf32, #tpu.memory_space<vmem>> -> memref<16x1024xf32, #tpu.memory_space<vmem>>
    %dma_start3A_762 = arith.constant 0 : i32
    %dma_start3A_763 = tpu.memref_slice %arg2[%add3A_756, %dma_start3A_762] : memref<8192x1024xf32, #tpu.memory_space<hbm>> -> memref<16x1024xf32, #tpu.memory_space<hbm>>
    %dma_start3A_764 = arith.constant 0 : i32
    %dma_start3A_765 = arith.constant 0 : i32
    %dma_start3A_766 = tpu.memref_slice %arg11[%dma_start3A_757, %dma_start3A_764, %dma_start3A_765] : memref<4x16x1024xf32, #tpu.memory_space<vmem>> -> memref<1x16x1024xf32, #tpu.memory_space<vmem>>
    %dma_start3A_767 = tpu.memref_squeeze %dma_start3A_766 : memref<1x16x1024xf32, #tpu.memory_space<vmem>> -> memref<16x1024xf32, #tpu.memory_space<vmem>>
    %dma_start3A_768 = arith.constant 0 : i32
    %dma_start3A_769 = tpu.memref_slice %arg2[%add3A_756, %dma_start3A_768] : memref<8192x1024xf32, #tpu.memory_space<hbm>> -> memref<16x1024xf32, #tpu.memory_space<hbm>>
    tpu.enqueue_dma source(%dma_start3A_769 : memref<16x1024xf32, #tpu.memory_space<hbm>>) target(%dma_start3A_767 : memref<16x1024xf32, #tpu.memory_space<vmem>>) target_semaphore(%arg13 : memref<!tpu.dma_semaphore, #tpu.memory_space<semaphore_mem>>)
    %dma_wait3A_770 = arith.constant 2 : i32
    %dma_wait3A_771 = arith.constant 0 : i32
    %dma_wait3A_772 = arith.constant 0 : i32
    %dma_wait3A_773 = tpu.memref_slice %arg11[%dma_wait3A_770, %dma_wait3A_771, %dma_wait3A_772] : memref<4x16x1024xf32, #tpu.memory_space<vmem>> -> memref<1x16x1024xf32, #tpu.memory_space<vmem>>
    %dma_wait3A_774 = tpu.memref_squeeze %dma_wait3A_773 : memref<1x16x1024xf32, #tpu.memory_space<vmem>> -> memref<16x1024xf32, #tpu.memory_space<vmem>>
    %dma_wait3A_775 = arith.constant 0 : i32
    %dma_wait3A_776 = tpu.memref_slice %arg2[%add3A_600, %dma_wait3A_775] : memref<8192x1024xf32, #tpu.memory_space<hbm>> -> memref<16x1024xf32, #tpu.memory_space<hbm>>
    %dma_wait3A_777 = arith.constant 0 : i32
    %dma_wait3A_778 = arith.constant 0 : i32
    %dma_wait3A_779 = tpu.memref_slice %arg11[%dma_wait3A_770, %dma_wait3A_777, %dma_wait3A_778] : memref<4x16x1024xf32, #tpu.memory_space<vmem>> -> memref<1x16x1024xf32, #tpu.memory_space<vmem>>
    %dma_wait3A_780 = tpu.memref_squeeze %dma_wait3A_779 : memref<1x16x1024xf32, #tpu.memory_space<vmem>> -> memref<16x1024xf32, #tpu.memory_space<vmem>>
    %dma_wait3A_781 = arith.constant 0 : i32
    %dma_wait3A_782 = tpu.memref_slice %arg2[%add3A_600, %dma_wait3A_781] : memref<8192x1024xf32, #tpu.memory_space<hbm>> -> memref<16x1024xf32, #tpu.memory_space<hbm>>
    tpu.wait_dma2 semaphore(%arg14 : memref<!tpu.dma_semaphore, #tpu.memory_space<semaphore_mem>>) src(%dma_wait3A_782 : memref<16x1024xf32, #tpu.memory_space<hbm>>) dst(%dma_wait3A_780 : memref<16x1024xf32, #tpu.memory_space<vmem>>)
    %dma_start3A_783 = arith.constant 2 : i32
    %dma_start3A_784 = arith.constant 10 : i32
    %dma_start3A_785 = arith.constant 0 : i32
    %dma_start3A_786 = arith.constant 0 : i32
    %dma_start3A_787 = tpu.memref_slice %arg11[%dma_start3A_783, %dma_start3A_785, %dma_start3A_786] : memref<4x16x1024xf32, #tpu.memory_space<vmem>> -> memref<1x16x1024xf32, #tpu.memory_space<vmem>>
    %dma_start3A_788 = tpu.memref_squeeze %dma_start3A_787 : memref<1x16x1024xf32, #tpu.memory_space<vmem>> -> memref<16x1024xf32, #tpu.memory_space<vmem>>
    %dma_start3A_789 = arith.constant 0 : i32
    %dma_start3A_790 = tpu.memref_slice %arg10[%dma_start3A_784, %dma_start3A_789] : memref<16x16xi32, #tpu.memory_space<vmem>> -> memref<1x16xi32, #tpu.memory_space<vmem>>
    %dma_start3A_791 = tpu.memref_squeeze %dma_start3A_790 : memref<1x16xi32, #tpu.memory_space<vmem>> -> memref<16xi32, #tpu.memory_space<vmem>>
    %dma_start3A_792 = arith.constant 0 : i32
    %dma_start3A_793 = arith.constant 0 : i32
    %dma_start3A_794 = tpu.memref_slice %arg6[%dma_start3A_792, %dma_start3A_793] : memref<12288x1024xf32, #tpu.memory_space<hbm>> -> memref<12288x1024xf32, #tpu.memory_space<hbm>>
    tpu.enqueue_indirect_dma source(%dma_start3A_788 : memref<16x1024xf32, #tpu.memory_space<vmem>>) target(%dma_start3A_794 : memref<12288x1024xf32, #tpu.memory_space<hbm>>) offsets(%dma_start3A_791 : memref<16xi32, #tpu.memory_space<vmem>>) semaphore(%arg18 : memref<!tpu.dma_semaphore, #tpu.memory_space<semaphore_mem>>)
    %dma_wait3A_795 = arith.constant 2 : i32
    %dma_wait3A_796 = arith.constant 10 : i32
    %dma_wait3A_797 = arith.constant 0 : i32
    %dma_wait3A_798 = arith.constant 0 : i32
    %dma_wait3A_799 = tpu.memref_slice %arg11[%dma_wait3A_795, %dma_wait3A_797, %dma_wait3A_798] : memref<4x16x1024xf32, #tpu.memory_space<vmem>> -> memref<1x16x1024xf32, #tpu.memory_space<vmem>>
    %dma_wait3A_800 = tpu.memref_squeeze %dma_wait3A_799 : memref<1x16x1024xf32, #tpu.memory_space<vmem>> -> memref<16x1024xf32, #tpu.memory_space<vmem>>
    %dma_wait3A_801 = arith.constant 0 : i32
    %dma_wait3A_802 = tpu.memref_slice %arg10[%dma_wait3A_796, %dma_wait3A_801] : memref<16x16xi32, #tpu.memory_space<vmem>> -> memref<1x16xi32, #tpu.memory_space<vmem>>
    %dma_wait3A_803 = tpu.memref_squeeze %dma_wait3A_802 : memref<1x16xi32, #tpu.memory_space<vmem>> -> memref<16xi32, #tpu.memory_space<vmem>>
    %dma_wait3A_804 = arith.constant 0 : i32
    %dma_wait3A_805 = arith.constant 0 : i32
    %dma_wait3A_806 = tpu.memref_slice %arg6[%dma_wait3A_804, %dma_wait3A_805] : memref<12288x1024xf32, #tpu.memory_space<hbm>> -> memref<12288x1024xf32, #tpu.memory_space<hbm>>
    tpu.wait_indirect_dma semaphore(%arg18 : memref<!tpu.dma_semaphore, #tpu.memory_space<semaphore_mem>>) src(%dma_wait3A_800 : memref<16x1024xf32, #tpu.memory_space<vmem>>) dst(%dma_wait3A_806 : memref<12288x1024xf32, #tpu.memory_space<hbm>>)
    %add3A_807 = arith.constant 224 : i32
    %add3A_808 = arith.addi %mul3A_2, %add3A_807 : i32
    %dma_start3A_809 = arith.constant 2 : i32
    %dma_start3A_810 = arith.constant 0 : i32
    %dma_start3A_811 = arith.constant 0 : i32
    %dma_start3A_812 = tpu.memref_slice %arg11[%dma_start3A_809, %dma_start3A_810, %dma_start3A_811] : memref<4x16x1024xf32, #tpu.memory_space<vmem>> -> memref<1x16x1024xf32, #tpu.memory_space<vmem>>
    %dma_start3A_813 = tpu.memref_squeeze %dma_start3A_812 : memref<1x16x1024xf32, #tpu.memory_space<vmem>> -> memref<16x1024xf32, #tpu.memory_space<vmem>>
    %dma_start3A_814 = arith.constant 0 : i32
    %dma_start3A_815 = tpu.memref_slice %arg2[%add3A_808, %dma_start3A_814] : memref<8192x1024xf32, #tpu.memory_space<hbm>> -> memref<16x1024xf32, #tpu.memory_space<hbm>>
    %dma_start3A_816 = arith.constant 0 : i32
    %dma_start3A_817 = arith.constant 0 : i32
    %dma_start3A_818 = tpu.memref_slice %arg11[%dma_start3A_809, %dma_start3A_816, %dma_start3A_817] : memref<4x16x1024xf32, #tpu.memory_space<vmem>> -> memref<1x16x1024xf32, #tpu.memory_space<vmem>>
    %dma_start3A_819 = tpu.memref_squeeze %dma_start3A_818 : memref<1x16x1024xf32, #tpu.memory_space<vmem>> -> memref<16x1024xf32, #tpu.memory_space<vmem>>
    %dma_start3A_820 = arith.constant 0 : i32
    %dma_start3A_821 = tpu.memref_slice %arg2[%add3A_808, %dma_start3A_820] : memref<8192x1024xf32, #tpu.memory_space<hbm>> -> memref<16x1024xf32, #tpu.memory_space<hbm>>
    tpu.enqueue_dma source(%dma_start3A_821 : memref<16x1024xf32, #tpu.memory_space<hbm>>) target(%dma_start3A_819 : memref<16x1024xf32, #tpu.memory_space<vmem>>) target_semaphore(%arg14 : memref<!tpu.dma_semaphore, #tpu.memory_space<semaphore_mem>>)
    %dma_wait3A_822 = arith.constant 3 : i32
    %dma_wait3A_823 = arith.constant 0 : i32
    %dma_wait3A_824 = arith.constant 0 : i32
    %dma_wait3A_825 = tpu.memref_slice %arg11[%dma_wait3A_822, %dma_wait3A_823, %dma_wait3A_824] : memref<4x16x1024xf32, #tpu.memory_space<vmem>> -> memref<1x16x1024xf32, #tpu.memory_space<vmem>>
    %dma_wait3A_826 = tpu.memref_squeeze %dma_wait3A_825 : memref<1x16x1024xf32, #tpu.memory_space<vmem>> -> memref<16x1024xf32, #tpu.memory_space<vmem>>
    %dma_wait3A_827 = arith.constant 0 : i32
    %dma_wait3A_828 = tpu.memref_slice %arg2[%add3A_652, %dma_wait3A_827] : memref<8192x1024xf32, #tpu.memory_space<hbm>> -> memref<16x1024xf32, #tpu.memory_space<hbm>>
    %dma_wait3A_829 = arith.constant 0 : i32
    %dma_wait3A_830 = arith.constant 0 : i32
    %dma_wait3A_831 = tpu.memref_slice %arg11[%dma_wait3A_822, %dma_wait3A_829, %dma_wait3A_830] : memref<4x16x1024xf32, #tpu.memory_space<vmem>> -> memref<1x16x1024xf32, #tpu.memory_space<vmem>>
    %dma_wait3A_832 = tpu.memref_squeeze %dma_wait3A_831 : memref<1x16x1024xf32, #tpu.memory_space<vmem>> -> memref<16x1024xf32, #tpu.memory_space<vmem>>
    %dma_wait3A_833 = arith.constant 0 : i32
    %dma_wait3A_834 = tpu.memref_slice %arg2[%add3A_652, %dma_wait3A_833] : memref<8192x1024xf32, #tpu.memory_space<hbm>> -> memref<16x1024xf32, #tpu.memory_space<hbm>>
    tpu.wait_dma2 semaphore(%arg15 : memref<!tpu.dma_semaphore, #tpu.memory_space<semaphore_mem>>) src(%dma_wait3A_834 : memref<16x1024xf32, #tpu.memory_space<hbm>>) dst(%dma_wait3A_832 : memref<16x1024xf32, #tpu.memory_space<vmem>>)
    %dma_start3A_835 = arith.constant 3 : i32
    %dma_start3A_836 = arith.constant 11 : i32
    %dma_start3A_837 = arith.constant 0 : i32
    %dma_start3A_838 = arith.constant 0 : i32
    %dma_start3A_839 = tpu.memref_slice %arg11[%dma_start3A_835, %dma_start3A_837, %dma_start3A_838] : memref<4x16x1024xf32, #tpu.memory_space<vmem>> -> memref<1x16x1024xf32, #tpu.memory_space<vmem>>
    %dma_start3A_840 = tpu.memref_squeeze %dma_start3A_839 : memref<1x16x1024xf32, #tpu.memory_space<vmem>> -> memref<16x1024xf32, #tpu.memory_space<vmem>>
    %dma_start3A_841 = arith.constant 0 : i32
    %dma_start3A_842 = tpu.memref_slice %arg10[%dma_start3A_836, %dma_start3A_841] : memref<16x16xi32, #tpu.memory_space<vmem>> -> memref<1x16xi32, #tpu.memory_space<vmem>>
    %dma_start3A_843 = tpu.memref_squeeze %dma_start3A_842 : memref<1x16xi32, #tpu.memory_space<vmem>> -> memref<16xi32, #tpu.memory_space<vmem>>
    %dma_start3A_844 = arith.constant 0 : i32
    %dma_start3A_845 = arith.constant 0 : i32
    %dma_start3A_846 = tpu.memref_slice %arg6[%dma_start3A_844, %dma_start3A_845] : memref<12288x1024xf32, #tpu.memory_space<hbm>> -> memref<12288x1024xf32, #tpu.memory_space<hbm>>
    tpu.enqueue_indirect_dma source(%dma_start3A_840 : memref<16x1024xf32, #tpu.memory_space<vmem>>) target(%dma_start3A_846 : memref<12288x1024xf32, #tpu.memory_space<hbm>>) offsets(%dma_start3A_843 : memref<16xi32, #tpu.memory_space<vmem>>) semaphore(%arg19 : memref<!tpu.dma_semaphore, #tpu.memory_space<semaphore_mem>>)
    %dma_wait3A_847 = arith.constant 3 : i32
    %dma_wait3A_848 = arith.constant 11 : i32
    %dma_wait3A_849 = arith.constant 0 : i32
    %dma_wait3A_850 = arith.constant 0 : i32
    %dma_wait3A_851 = tpu.memref_slice %arg11[%dma_wait3A_847, %dma_wait3A_849, %dma_wait3A_850] : memref<4x16x1024xf32, #tpu.memory_space<vmem>> -> memref<1x16x1024xf32, #tpu.memory_space<vmem>>
    %dma_wait3A_852 = tpu.memref_squeeze %dma_wait3A_851 : memref<1x16x1024xf32, #tpu.memory_space<vmem>> -> memref<16x1024xf32, #tpu.memory_space<vmem>>
    %dma_wait3A_853 = arith.constant 0 : i32
    %dma_wait3A_854 = tpu.memref_slice %arg10[%dma_wait3A_848, %dma_wait3A_853] : memref<16x16xi32, #tpu.memory_space<vmem>> -> memref<1x16xi32, #tpu.memory_space<vmem>>
    %dma_wait3A_855 = tpu.memref_squeeze %dma_wait3A_854 : memref<1x16xi32, #tpu.memory_space<vmem>> -> memref<16xi32, #tpu.memory_space<vmem>>
    %dma_wait3A_856 = arith.constant 0 : i32
    %dma_wait3A_857 = arith.constant 0 : i32
    %dma_wait3A_858 = tpu.memref_slice %arg6[%dma_wait3A_856, %dma_wait3A_857] : memref<12288x1024xf32, #tpu.memory_space<hbm>> -> memref<12288x1024xf32, #tpu.memory_space<hbm>>
    tpu.wait_indirect_dma semaphore(%arg19 : memref<!tpu.dma_semaphore, #tpu.memory_space<semaphore_mem>>) src(%dma_wait3A_852 : memref<16x1024xf32, #tpu.memory_space<vmem>>) dst(%dma_wait3A_858 : memref<12288x1024xf32, #tpu.memory_space<hbm>>)
    %add3A_859 = arith.constant 240 : i32
    %add3A_860 = arith.addi %mul3A_2, %add3A_859 : i32
    %dma_start3A_861 = arith.constant 3 : i32
    %dma_start3A_862 = arith.constant 0 : i32
    %dma_start3A_863 = arith.constant 0 : i32
    %dma_start3A_864 = tpu.memref_slice %arg11[%dma_start3A_861, %dma_start3A_862, %dma_start3A_863] : memref<4x16x1024xf32, #tpu.memory_space<vmem>> -> memref<1x16x1024xf32, #tpu.memory_space<vmem>>
    %dma_start3A_865 = tpu.memref_squeeze %dma_start3A_864 : memref<1x16x1024xf32, #tpu.memory_space<vmem>> -> memref<16x1024xf32, #tpu.memory_space<vmem>>
    %dma_start3A_866 = arith.constant 0 : i32
    %dma_start3A_867 = tpu.memref_slice %arg2[%add3A_860, %dma_start3A_866] : memref<8192x1024xf32, #tpu.memory_space<hbm>> -> memref<16x1024xf32, #tpu.memory_space<hbm>>
    %dma_start3A_868 = arith.constant 0 : i32
    %dma_start3A_869 = arith.constant 0 : i32
    %dma_start3A_870 = tpu.memref_slice %arg11[%dma_start3A_861, %dma_start3A_868, %dma_start3A_869] : memref<4x16x1024xf32, #tpu.memory_space<vmem>> -> memref<1x16x1024xf32, #tpu.memory_space<vmem>>
    %dma_start3A_871 = tpu.memref_squeeze %dma_start3A_870 : memref<1x16x1024xf32, #tpu.memory_space<vmem>> -> memref<16x1024xf32, #tpu.memory_space<vmem>>
    %dma_start3A_872 = arith.constant 0 : i32
    %dma_start3A_873 = tpu.memref_slice %arg2[%add3A_860, %dma_start3A_872] : memref<8192x1024xf32, #tpu.memory_space<hbm>> -> memref<16x1024xf32, #tpu.memory_space<hbm>>
    tpu.enqueue_dma source(%dma_start3A_873 : memref<16x1024xf32, #tpu.memory_space<hbm>>) target(%dma_start3A_871 : memref<16x1024xf32, #tpu.memory_space<vmem>>) target_semaphore(%arg15 : memref<!tpu.dma_semaphore, #tpu.memory_space<semaphore_mem>>)
    %dma_wait3A_874 = arith.constant 0 : i32
    %dma_wait3A_875 = arith.constant 0 : i32
    %dma_wait3A_876 = arith.constant 0 : i32
    %dma_wait3A_877 = tpu.memref_slice %arg11[%dma_wait3A_874, %dma_wait3A_875, %dma_wait3A_876] : memref<4x16x1024xf32, #tpu.memory_space<vmem>> -> memref<1x16x1024xf32, #tpu.memory_space<vmem>>
    %dma_wait3A_878 = tpu.memref_squeeze %dma_wait3A_877 : memref<1x16x1024xf32, #tpu.memory_space<vmem>> -> memref<16x1024xf32, #tpu.memory_space<vmem>>
    %dma_wait3A_879 = arith.constant 0 : i32
    %dma_wait3A_880 = tpu.memref_slice %arg2[%add3A_704, %dma_wait3A_879] : memref<8192x1024xf32, #tpu.memory_space<hbm>> -> memref<16x1024xf32, #tpu.memory_space<hbm>>
    %dma_wait3A_881 = arith.constant 0 : i32
    %dma_wait3A_882 = arith.constant 0 : i32
    %dma_wait3A_883 = tpu.memref_slice %arg11[%dma_wait3A_874, %dma_wait3A_881, %dma_wait3A_882] : memref<4x16x1024xf32, #tpu.memory_space<vmem>> -> memref<1x16x1024xf32, #tpu.memory_space<vmem>>
    %dma_wait3A_884 = tpu.memref_squeeze %dma_wait3A_883 : memref<1x16x1024xf32, #tpu.memory_space<vmem>> -> memref<16x1024xf32, #tpu.memory_space<vmem>>
    %dma_wait3A_885 = arith.constant 0 : i32
    %dma_wait3A_886 = tpu.memref_slice %arg2[%add3A_704, %dma_wait3A_885] : memref<8192x1024xf32, #tpu.memory_space<hbm>> -> memref<16x1024xf32, #tpu.memory_space<hbm>>
    tpu.wait_dma2 semaphore(%arg12 : memref<!tpu.dma_semaphore, #tpu.memory_space<semaphore_mem>>) src(%dma_wait3A_886 : memref<16x1024xf32, #tpu.memory_space<hbm>>) dst(%dma_wait3A_884 : memref<16x1024xf32, #tpu.memory_space<vmem>>)
    %dma_start3A_887 = arith.constant 0 : i32
    %dma_start3A_888 = arith.constant 12 : i32
    %dma_start3A_889 = arith.constant 0 : i32
    %dma_start3A_890 = arith.constant 0 : i32
    %dma_start3A_891 = tpu.memref_slice %arg11[%dma_start3A_887, %dma_start3A_889, %dma_start3A_890] : memref<4x16x1024xf32, #tpu.memory_space<vmem>> -> memref<1x16x1024xf32, #tpu.memory_space<vmem>>
    %dma_start3A_892 = tpu.memref_squeeze %dma_start3A_891 : memref<1x16x1024xf32, #tpu.memory_space<vmem>> -> memref<16x1024xf32, #tpu.memory_space<vmem>>
    %dma_start3A_893 = arith.constant 0 : i32
    %dma_start3A_894 = tpu.memref_slice %arg10[%dma_start3A_888, %dma_start3A_893] : memref<16x16xi32, #tpu.memory_space<vmem>> -> memref<1x16xi32, #tpu.memory_space<vmem>>
    %dma_start3A_895 = tpu.memref_squeeze %dma_start3A_894 : memref<1x16xi32, #tpu.memory_space<vmem>> -> memref<16xi32, #tpu.memory_space<vmem>>
    %dma_start3A_896 = arith.constant 0 : i32
    %dma_start3A_897 = arith.constant 0 : i32
    %dma_start3A_898 = tpu.memref_slice %arg6[%dma_start3A_896, %dma_start3A_897] : memref<12288x1024xf32, #tpu.memory_space<hbm>> -> memref<12288x1024xf32, #tpu.memory_space<hbm>>
    tpu.enqueue_indirect_dma source(%dma_start3A_892 : memref<16x1024xf32, #tpu.memory_space<vmem>>) target(%dma_start3A_898 : memref<12288x1024xf32, #tpu.memory_space<hbm>>) offsets(%dma_start3A_895 : memref<16xi32, #tpu.memory_space<vmem>>) semaphore(%arg16 : memref<!tpu.dma_semaphore, #tpu.memory_space<semaphore_mem>>)
    %dma_wait3A_899 = arith.constant 1 : i32
    %dma_wait3A_900 = arith.constant 0 : i32
    %dma_wait3A_901 = arith.constant 0 : i32
    %dma_wait3A_902 = tpu.memref_slice %arg11[%dma_wait3A_899, %dma_wait3A_900, %dma_wait3A_901] : memref<4x16x1024xf32, #tpu.memory_space<vmem>> -> memref<1x16x1024xf32, #tpu.memory_space<vmem>>
    %dma_wait3A_903 = tpu.memref_squeeze %dma_wait3A_902 : memref<1x16x1024xf32, #tpu.memory_space<vmem>> -> memref<16x1024xf32, #tpu.memory_space<vmem>>
    %dma_wait3A_904 = arith.constant 0 : i32
    %dma_wait3A_905 = tpu.memref_slice %arg2[%add3A_756, %dma_wait3A_904] : memref<8192x1024xf32, #tpu.memory_space<hbm>> -> memref<16x1024xf32, #tpu.memory_space<hbm>>
    %dma_wait3A_906 = arith.constant 0 : i32
    %dma_wait3A_907 = arith.constant 0 : i32
    %dma_wait3A_908 = tpu.memref_slice %arg11[%dma_wait3A_899, %dma_wait3A_906, %dma_wait3A_907] : memref<4x16x1024xf32, #tpu.memory_space<vmem>> -> memref<1x16x1024xf32, #tpu.memory_space<vmem>>
    %dma_wait3A_909 = tpu.memref_squeeze %dma_wait3A_908 : memref<1x16x1024xf32, #tpu.memory_space<vmem>> -> memref<16x1024xf32, #tpu.memory_space<vmem>>
    %dma_wait3A_910 = arith.constant 0 : i32
    %dma_wait3A_911 = tpu.memref_slice %arg2[%add3A_756, %dma_wait3A_910] : memref<8192x1024xf32, #tpu.memory_space<hbm>> -> memref<16x1024xf32, #tpu.memory_space<hbm>>
    tpu.wait_dma2 semaphore(%arg13 : memref<!tpu.dma_semaphore, #tpu.memory_space<semaphore_mem>>) src(%dma_wait3A_911 : memref<16x1024xf32, #tpu.memory_space<hbm>>) dst(%dma_wait3A_909 : memref<16x1024xf32, #tpu.memory_space<vmem>>)
    %dma_start3A_912 = arith.constant 1 : i32
    %dma_start3A_913 = arith.constant 13 : i32
    %dma_start3A_914 = arith.constant 0 : i32
    %dma_start3A_915 = arith.constant 0 : i32
    %dma_start3A_916 = tpu.memref_slice %arg11[%dma_start3A_912, %dma_start3A_914, %dma_start3A_915] : memref<4x16x1024xf32, #tpu.memory_space<vmem>> -> memref<1x16x1024xf32, #tpu.memory_space<vmem>>
    %dma_start3A_917 = tpu.memref_squeeze %dma_start3A_916 : memref<1x16x1024xf32, #tpu.memory_space<vmem>> -> memref<16x1024xf32, #tpu.memory_space<vmem>>
    %dma_start3A_918 = arith.constant 0 : i32
    %dma_start3A_919 = tpu.memref_slice %arg10[%dma_start3A_913, %dma_start3A_918] : memref<16x16xi32, #tpu.memory_space<vmem>> -> memref<1x16xi32, #tpu.memory_space<vmem>>
    %dma_start3A_920 = tpu.memref_squeeze %dma_start3A_919 : memref<1x16xi32, #tpu.memory_space<vmem>> -> memref<16xi32, #tpu.memory_space<vmem>>
    %dma_start3A_921 = arith.constant 0 : i32
    %dma_start3A_922 = arith.constant 0 : i32
    %dma_start3A_923 = tpu.memref_slice %arg6[%dma_start3A_921, %dma_start3A_922] : memref<12288x1024xf32, #tpu.memory_space<hbm>> -> memref<12288x1024xf32, #tpu.memory_space<hbm>>
    tpu.enqueue_indirect_dma source(%dma_start3A_917 : memref<16x1024xf32, #tpu.memory_space<vmem>>) target(%dma_start3A_923 : memref<12288x1024xf32, #tpu.memory_space<hbm>>) offsets(%dma_start3A_920 : memref<16xi32, #tpu.memory_space<vmem>>) semaphore(%arg17 : memref<!tpu.dma_semaphore, #tpu.memory_space<semaphore_mem>>)
    %dma_wait3A_924 = arith.constant 2 : i32
    %dma_wait3A_925 = arith.constant 0 : i32
    %dma_wait3A_926 = arith.constant 0 : i32
    %dma_wait3A_927 = tpu.memref_slice %arg11[%dma_wait3A_924, %dma_wait3A_925, %dma_wait3A_926] : memref<4x16x1024xf32, #tpu.memory_space<vmem>> -> memref<1x16x1024xf32, #tpu.memory_space<vmem>>
    %dma_wait3A_928 = tpu.memref_squeeze %dma_wait3A_927 : memref<1x16x1024xf32, #tpu.memory_space<vmem>> -> memref<16x1024xf32, #tpu.memory_space<vmem>>
    %dma_wait3A_929 = arith.constant 0 : i32
    %dma_wait3A_930 = tpu.memref_slice %arg2[%add3A_808, %dma_wait3A_929] : memref<8192x1024xf32, #tpu.memory_space<hbm>> -> memref<16x1024xf32, #tpu.memory_space<hbm>>
    %dma_wait3A_931 = arith.constant 0 : i32
    %dma_wait3A_932 = arith.constant 0 : i32
    %dma_wait3A_933 = tpu.memref_slice %arg11[%dma_wait3A_924, %dma_wait3A_931, %dma_wait3A_932] : memref<4x16x1024xf32, #tpu.memory_space<vmem>> -> memref<1x16x1024xf32, #tpu.memory_space<vmem>>
    %dma_wait3A_934 = tpu.memref_squeeze %dma_wait3A_933 : memref<1x16x1024xf32, #tpu.memory_space<vmem>> -> memref<16x1024xf32, #tpu.memory_space<vmem>>
    %dma_wait3A_935 = arith.constant 0 : i32
    %dma_wait3A_936 = tpu.memref_slice %arg2[%add3A_808, %dma_wait3A_935] : memref<8192x1024xf32, #tpu.memory_space<hbm>> -> memref<16x1024xf32, #tpu.memory_space<hbm>>
    tpu.wait_dma2 semaphore(%arg14 : memref<!tpu.dma_semaphore, #tpu.memory_space<semaphore_mem>>) src(%dma_wait3A_936 : memref<16x1024xf32, #tpu.memory_space<hbm>>) dst(%dma_wait3A_934 : memref<16x1024xf32, #tpu.memory_space<vmem>>)
    %dma_start3A_937 = arith.constant 2 : i32
    %dma_start3A_938 = arith.constant 14 : i32
    %dma_start3A_939 = arith.constant 0 : i32
    %dma_start3A_940 = arith.constant 0 : i32
    %dma_start3A_941 = tpu.memref_slice %arg11[%dma_start3A_937, %dma_start3A_939, %dma_start3A_940] : memref<4x16x1024xf32, #tpu.memory_space<vmem>> -> memref<1x16x1024xf32, #tpu.memory_space<vmem>>
    %dma_start3A_942 = tpu.memref_squeeze %dma_start3A_941 : memref<1x16x1024xf32, #tpu.memory_space<vmem>> -> memref<16x1024xf32, #tpu.memory_space<vmem>>
    %dma_start3A_943 = arith.constant 0 : i32
    %dma_start3A_944 = tpu.memref_slice %arg10[%dma_start3A_938, %dma_start3A_943] : memref<16x16xi32, #tpu.memory_space<vmem>> -> memref<1x16xi32, #tpu.memory_space<vmem>>
    %dma_start3A_945 = tpu.memref_squeeze %dma_start3A_944 : memref<1x16xi32, #tpu.memory_space<vmem>> -> memref<16xi32, #tpu.memory_space<vmem>>
    %dma_start3A_946 = arith.constant 0 : i32
    %dma_start3A_947 = arith.constant 0 : i32
    %dma_start3A_948 = tpu.memref_slice %arg6[%dma_start3A_946, %dma_start3A_947] : memref<12288x1024xf32, #tpu.memory_space<hbm>> -> memref<12288x1024xf32, #tpu.memory_space<hbm>>
    tpu.enqueue_indirect_dma source(%dma_start3A_942 : memref<16x1024xf32, #tpu.memory_space<vmem>>) target(%dma_start3A_948 : memref<12288x1024xf32, #tpu.memory_space<hbm>>) offsets(%dma_start3A_945 : memref<16xi32, #tpu.memory_space<vmem>>) semaphore(%arg18 : memref<!tpu.dma_semaphore, #tpu.memory_space<semaphore_mem>>)
    %dma_wait3A_949 = arith.constant 3 : i32
    %dma_wait3A_950 = arith.constant 0 : i32
    %dma_wait3A_951 = arith.constant 0 : i32
    %dma_wait3A_952 = tpu.memref_slice %arg11[%dma_wait3A_949, %dma_wait3A_950, %dma_wait3A_951] : memref<4x16x1024xf32, #tpu.memory_space<vmem>> -> memref<1x16x1024xf32, #tpu.memory_space<vmem>>
    %dma_wait3A_953 = tpu.memref_squeeze %dma_wait3A_952 : memref<1x16x1024xf32, #tpu.memory_space<vmem>> -> memref<16x1024xf32, #tpu.memory_space<vmem>>
    %dma_wait3A_954 = arith.constant 0 : i32
    %dma_wait3A_955 = tpu.memref_slice %arg2[%add3A_860, %dma_wait3A_954] : memref<8192x1024xf32, #tpu.memory_space<hbm>> -> memref<16x1024xf32, #tpu.memory_space<hbm>>
    %dma_wait3A_956 = arith.constant 0 : i32
    %dma_wait3A_957 = arith.constant 0 : i32
    %dma_wait3A_958 = tpu.memref_slice %arg11[%dma_wait3A_949, %dma_wait3A_956, %dma_wait3A_957] : memref<4x16x1024xf32, #tpu.memory_space<vmem>> -> memref<1x16x1024xf32, #tpu.memory_space<vmem>>
    %dma_wait3A_959 = tpu.memref_squeeze %dma_wait3A_958 : memref<1x16x1024xf32, #tpu.memory_space<vmem>> -> memref<16x1024xf32, #tpu.memory_space<vmem>>
    %dma_wait3A_960 = arith.constant 0 : i32
    %dma_wait3A_961 = tpu.memref_slice %arg2[%add3A_860, %dma_wait3A_960] : memref<8192x1024xf32, #tpu.memory_space<hbm>> -> memref<16x1024xf32, #tpu.memory_space<hbm>>
    tpu.wait_dma2 semaphore(%arg15 : memref<!tpu.dma_semaphore, #tpu.memory_space<semaphore_mem>>) src(%dma_wait3A_961 : memref<16x1024xf32, #tpu.memory_space<hbm>>) dst(%dma_wait3A_959 : memref<16x1024xf32, #tpu.memory_space<vmem>>)
    %dma_start3A_962 = arith.constant 3 : i32
    %dma_start3A_963 = arith.constant 15 : i32
    %dma_start3A_964 = arith.constant 0 : i32
    %dma_start3A_965 = arith.constant 0 : i32
    %dma_start3A_966 = tpu.memref_slice %arg11[%dma_start3A_962, %dma_start3A_964, %dma_start3A_965] : memref<4x16x1024xf32, #tpu.memory_space<vmem>> -> memref<1x16x1024xf32, #tpu.memory_space<vmem>>
    %dma_start3A_967 = tpu.memref_squeeze %dma_start3A_966 : memref<1x16x1024xf32, #tpu.memory_space<vmem>> -> memref<16x1024xf32, #tpu.memory_space<vmem>>
    %dma_start3A_968 = arith.constant 0 : i32
    %dma_start3A_969 = tpu.memref_slice %arg10[%dma_start3A_963, %dma_start3A_968] : memref<16x16xi32, #tpu.memory_space<vmem>> -> memref<1x16xi32, #tpu.memory_space<vmem>>
    %dma_start3A_970 = tpu.memref_squeeze %dma_start3A_969 : memref<1x16xi32, #tpu.memory_space<vmem>> -> memref<16xi32, #tpu.memory_space<vmem>>
    %dma_start3A_971 = arith.constant 0 : i32
    %dma_start3A_972 = arith.constant 0 : i32
    %dma_start3A_973 = tpu.memref_slice %arg6[%dma_start3A_971, %dma_start3A_972] : memref<12288x1024xf32, #tpu.memory_space<hbm>> -> memref<12288x1024xf32, #tpu.memory_space<hbm>>
    tpu.enqueue_indirect_dma source(%dma_start3A_967 : memref<16x1024xf32, #tpu.memory_space<vmem>>) target(%dma_start3A_973 : memref<12288x1024xf32, #tpu.memory_space<hbm>>) offsets(%dma_start3A_970 : memref<16xi32, #tpu.memory_space<vmem>>) semaphore(%arg19 : memref<!tpu.dma_semaphore, #tpu.memory_space<semaphore_mem>>)
    %dma_wait3A_974 = arith.constant 0 : i32
    %dma_wait3A_975 = arith.constant 12 : i32
    %dma_wait3A_976 = arith.constant 0 : i32
    %dma_wait3A_977 = arith.constant 0 : i32
    %dma_wait3A_978 = tpu.memref_slice %arg11[%dma_wait3A_974, %dma_wait3A_976, %dma_wait3A_977] : memref<4x16x1024xf32, #tpu.memory_space<vmem>> -> memref<1x16x1024xf32, #tpu.memory_space<vmem>>
    %dma_wait3A_979 = tpu.memref_squeeze %dma_wait3A_978 : memref<1x16x1024xf32, #tpu.memory_space<vmem>> -> memref<16x1024xf32, #tpu.memory_space<vmem>>
    %dma_wait3A_980 = arith.constant 0 : i32
    %dma_wait3A_981 = tpu.memref_slice %arg10[%dma_wait3A_975, %dma_wait3A_980] : memref<16x16xi32, #tpu.memory_space<vmem>> -> memref<1x16xi32, #tpu.memory_space<vmem>>
    %dma_wait3A_982 = tpu.memref_squeeze %dma_wait3A_981 : memref<1x16xi32, #tpu.memory_space<vmem>> -> memref<16xi32, #tpu.memory_space<vmem>>
    %dma_wait3A_983 = arith.constant 0 : i32
    %dma_wait3A_984 = arith.constant 0 : i32
    %dma_wait3A_985 = tpu.memref_slice %arg6[%dma_wait3A_983, %dma_wait3A_984] : memref<12288x1024xf32, #tpu.memory_space<hbm>> -> memref<12288x1024xf32, #tpu.memory_space<hbm>>
    tpu.wait_indirect_dma semaphore(%arg16 : memref<!tpu.dma_semaphore, #tpu.memory_space<semaphore_mem>>) src(%dma_wait3A_979 : memref<16x1024xf32, #tpu.memory_space<vmem>>) dst(%dma_wait3A_985 : memref<12288x1024xf32, #tpu.memory_space<hbm>>)
    %dma_wait3A_986 = arith.constant 1 : i32
    %dma_wait3A_987 = arith.constant 13 : i32
    %dma_wait3A_988 = arith.constant 0 : i32
    %dma_wait3A_989 = arith.constant 0 : i32
    %dma_wait3A_990 = tpu.memref_slice %arg11[%dma_wait3A_986, %dma_wait3A_988, %dma_wait3A_989] : memref<4x16x1024xf32, #tpu.memory_space<vmem>> -> memref<1x16x1024xf32, #tpu.memory_space<vmem>>
    %dma_wait3A_991 = tpu.memref_squeeze %dma_wait3A_990 : memref<1x16x1024xf32, #tpu.memory_space<vmem>> -> memref<16x1024xf32, #tpu.memory_space<vmem>>
    %dma_wait3A_992 = arith.constant 0 : i32
    %dma_wait3A_993 = tpu.memref_slice %arg10[%dma_wait3A_987, %dma_wait3A_992] : memref<16x16xi32, #tpu.memory_space<vmem>> -> memref<1x16xi32, #tpu.memory_space<vmem>>
    %dma_wait3A_994 = tpu.memref_squeeze %dma_wait3A_993 : memref<1x16xi32, #tpu.memory_space<vmem>> -> memref<16xi32, #tpu.memory_space<vmem>>
    %dma_wait3A_995 = arith.constant 0 : i32
    %dma_wait3A_996 = arith.constant 0 : i32
    %dma_wait3A_997 = tpu.memref_slice %arg6[%dma_wait3A_995, %dma_wait3A_996] : memref<12288x1024xf32, #tpu.memory_space<hbm>> -> memref<12288x1024xf32, #tpu.memory_space<hbm>>
    tpu.wait_indirect_dma semaphore(%arg17 : memref<!tpu.dma_semaphore, #tpu.memory_space<semaphore_mem>>) src(%dma_wait3A_991 : memref<16x1024xf32, #tpu.memory_space<vmem>>) dst(%dma_wait3A_997 : memref<12288x1024xf32, #tpu.memory_space<hbm>>)
    %dma_wait3A_998 = arith.constant 2 : i32
    %dma_wait3A_999 = arith.constant 14 : i32
    %dma_wait3A_1000 = arith.constant 0 : i32
    %dma_wait3A_1001 = arith.constant 0 : i32
    %dma_wait3A_1002 = tpu.memref_slice %arg11[%dma_wait3A_998, %dma_wait3A_1000, %dma_wait3A_1001] : memref<4x16x1024xf32, #tpu.memory_space<vmem>> -> memref<1x16x1024xf32, #tpu.memory_space<vmem>>
    %dma_wait3A_1003 = tpu.memref_squeeze %dma_wait3A_1002 : memref<1x16x1024xf32, #tpu.memory_space<vmem>> -> memref<16x1024xf32, #tpu.memory_space<vmem>>
    %dma_wait3A_1004 = arith.constant 0 : i32
    %dma_wait3A_1005 = tpu.memref_slice %arg10[%dma_wait3A_999, %dma_wait3A_1004] : memref<16x16xi32, #tpu.memory_space<vmem>> -> memref<1x16xi32, #tpu.memory_space<vmem>>
    %dma_wait3A_1006 = tpu.memref_squeeze %dma_wait3A_1005 : memref<1x16xi32, #tpu.memory_space<vmem>> -> memref<16xi32, #tpu.memory_space<vmem>>
    %dma_wait3A_1007 = arith.constant 0 : i32
    %dma_wait3A_1008 = arith.constant 0 : i32
    %dma_wait3A_1009 = tpu.memref_slice %arg6[%dma_wait3A_1007, %dma_wait3A_1008] : memref<12288x1024xf32, #tpu.memory_space<hbm>> -> memref<12288x1024xf32, #tpu.memory_space<hbm>>
    tpu.wait_indirect_dma semaphore(%arg18 : memref<!tpu.dma_semaphore, #tpu.memory_space<semaphore_mem>>) src(%dma_wait3A_1003 : memref<16x1024xf32, #tpu.memory_space<vmem>>) dst(%dma_wait3A_1009 : memref<12288x1024xf32, #tpu.memory_space<hbm>>)
    %dma_wait3A_1010 = arith.constant 3 : i32
    %dma_wait3A_1011 = arith.constant 15 : i32
    %dma_wait3A_1012 = arith.constant 0 : i32
    %dma_wait3A_1013 = arith.constant 0 : i32
    %dma_wait3A_1014 = tpu.memref_slice %arg11[%dma_wait3A_1010, %dma_wait3A_1012, %dma_wait3A_1013] : memref<4x16x1024xf32, #tpu.memory_space<vmem>> -> memref<1x16x1024xf32, #tpu.memory_space<vmem>>
    %dma_wait3A_1015 = tpu.memref_squeeze %dma_wait3A_1014 : memref<1x16x1024xf32, #tpu.memory_space<vmem>> -> memref<16x1024xf32, #tpu.memory_space<vmem>>
    %dma_wait3A_1016 = arith.constant 0 : i32
    %dma_wait3A_1017 = tpu.memref_slice %arg10[%dma_wait3A_1011, %dma_wait3A_1016] : memref<16x16xi32, #tpu.memory_space<vmem>> -> memref<1x16xi32, #tpu.memory_space<vmem>>
    %dma_wait3A_1018 = tpu.memref_squeeze %dma_wait3A_1017 : memref<1x16xi32, #tpu.memory_space<vmem>> -> memref<16xi32, #tpu.memory_space<vmem>>
    %dma_wait3A_1019 = arith.constant 0 : i32
    %dma_wait3A_1020 = arith.constant 0 : i32
    %dma_wait3A_1021 = tpu.memref_slice %arg6[%dma_wait3A_1019, %dma_wait3A_1020] : memref<12288x1024xf32, #tpu.memory_space<hbm>> -> memref<12288x1024xf32, #tpu.memory_space<hbm>>
    tpu.wait_indirect_dma semaphore(%arg19 : memref<!tpu.dma_semaphore, #tpu.memory_space<semaphore_mem>>) src(%dma_wait3A_1015 : memref<16x1024xf32, #tpu.memory_space<vmem>>) dst(%dma_wait3A_1021 : memref<12288x1024xf32, #tpu.memory_space<hbm>>)
    return
  }
}

module attributes {stable_mosaic.version = 14 : i64} {
  func.func @_moe_body(%arg0: i32, %arg1: memref<8x128xi32, #tpu.memory_space<smem>>, %arg2: memref<512x1024xf32, #tpu.memory_space<vmem>>, %arg3: memref<1x2048x1024xf32, #tpu.memory_space<vmem>>, %arg4: memref<1x1x2048xf32, #tpu.memory_space<vmem>>, %arg5: memref<1x1x2048xf32, #tpu.memory_space<vmem>>, %arg6: memref<8x1024xf32, #tpu.memory_space<vmem>>, %arg7: memref<8x1024xf32, #tpu.memory_space<vmem>>, %arg8: memref<8x128xf32, #tpu.memory_space<vmem>>, %arg9: memref<8x128xf32, #tpu.memory_space<vmem>>, %arg10: memref<8x1024xf32, #tpu.memory_space<vmem>>) attributes {dimension_semantics = [#tpu.dimension_semantics<arbitrary>], iteration_bounds = array<i64: 24>, scalar_prefetch = 1 : i64, scratch_operands = 4 : i64, tpu.core_type = #tpu.core_type<tc>, window_params = [{transform_indices = @transform_0, window_bounds = array<i64: 512, 1024>}, {transform_indices = @transform_1, window_bounds = array<i64: 1, 2048, 1024>}, {transform_indices = @transform_2, window_bounds = array<i64: 1, 1, 2048>}, {transform_indices = @transform_3, window_bounds = array<i64: 1, 1, 2048>}, {pipeline_mode = #tpu.pipeline_mode<synchronous>, transform_indices = @transform_4, window_bounds = array<i64: 8, 1024>}]} {
    %get3A = arith.constant 1 : index
    %get3A_0 = arith.index_cast %arg0 : i32 to index
    %get3A_1 = memref.load %arg1[%get3A, %get3A_0] : memref<8x128xi32, #tpu.memory_space<smem>>
    %eq3A = arith.constant 0 : i32
    %eq3A_2 = arith.cmpi eq, %arg0, %eq3A : i32
    %convert_element_type3A = arith.extui %eq3A_2 : i1 to i32
    %cond3A = arith.constant 0 : i32
    %cond3A_3 = arith.cmpi ne, %convert_element_type3A, %cond3A : i32
    scf.if %cond3A_3 {
      %broadcast_in_dim3A = arith.constant 0.000000e+00 : f32
      %broadcast_in_dim3A_13 = vector.broadcast %broadcast_in_dim3A : f32 to vector<8x1024xf32>
      %swap3A = arith.constant 0 : index
      %swap3A_14 = arith.constant 0 : index
      %swap3A_15 = vector.load %arg7[%swap3A, %swap3A_14] : memref<8x1024xf32, #tpu.memory_space<vmem>>, vector<8x1024xf32>
      tpu.vector_store %arg7[%swap3A, %swap3A_14], %broadcast_in_dim3A_13 {strides = array<i32>} : memref<8x1024xf32, #tpu.memory_space<vmem>>, vector<8x1024xf32>,
      %broadcast_in_dim3A_16 = arith.constant 0.000000e+00 : f32
      %broadcast_in_dim3A_17 = vector.broadcast %broadcast_in_dim3A_16 : f32 to vector<8x128xf32>
      %swap3A_18 = arith.constant 0 : index
      %swap3A_19 = arith.constant 0 : index
      %swap3A_20 = vector.load %arg8[%swap3A_18, %swap3A_19] : memref<8x128xf32, #tpu.memory_space<vmem>>, vector<8x128xf32>
      tpu.vector_store %arg8[%swap3A_18, %swap3A_19], %broadcast_in_dim3A_17 {strides = array<i32>} : memref<8x128xf32, #tpu.memory_space<vmem>>, vector<8x128xf32>,
      %broadcast_in_dim3A_21 = arith.constant 0.000000e+00 : f32
      %broadcast_in_dim3A_22 = vector.broadcast %broadcast_in_dim3A_21 : f32 to vector<8x1024xf32>
      %swap3A_23 = arith.constant 0 : index
      %swap3A_24 = arith.constant 0 : index
      %swap3A_25 = vector.load %arg10[%swap3A_23, %swap3A_24] : memref<8x1024xf32, #tpu.memory_space<vmem>>, vector<8x1024xf32>
      tpu.vector_store %arg10[%swap3A_23, %swap3A_24], %broadcast_in_dim3A_22 {strides = array<i32>} : memref<8x1024xf32, #tpu.memory_space<vmem>>, vector<8x1024xf32>,
      %broadcast_in_dim3A_26 = arith.constant -1.000000e+30 : f32
      %broadcast_in_dim3A_27 = vector.broadcast %broadcast_in_dim3A_26 : f32 to vector<8x128xf32>
      %swap3A_28 = arith.constant 0 : index
      %swap3A_29 = arith.constant 0 : index
      %swap3A_30 = vector.load %arg9[%swap3A_28, %swap3A_29] : memref<8x128xf32, #tpu.memory_space<vmem>>, vector<8x128xf32>
      tpu.vector_store %arg9[%swap3A_28, %swap3A_29], %broadcast_in_dim3A_27 {strides = array<i32>} : memref<8x128xf32, #tpu.memory_space<vmem>>, vector<8x128xf32>,
    } else {
    }
    %gt3A = arith.constant 0 : i32
    %gt3A_4 = arith.cmpi sgt, %get3A_1, %gt3A : i32
    %convert_element_type3A_5 = arith.extui %gt3A_4 : i1 to i32
    %cond3A_6 = arith.constant 0 : i32
    %cond3A_7 = arith.cmpi ne, %convert_element_type3A_5, %cond3A_6 : i32
    scf.if %cond3A_7 {
      %get3A_13 = arith.constant 0 : index
      %get3A_14 = arith.index_cast %arg0 : i32 to index
      %get3A_15 = memref.load %arg1[%get3A_13, %get3A_14] : memref<8x128xi32, #tpu.memory_space<smem>>
      %iota3A = tpu.iota {dimensions = array<i32: 0>} : vector<512x1xi32>
      %lt3A = vector.broadcast %get3A_1 : i32 to vector<512x1xi32>
      %lt3A_16 = arith.cmpi slt, %iota3A, %lt3A : vector<512x1xi32>
      %get3A_17 = arith.constant 0 : index
      %get3A_18 = arith.constant 0 : index
      %get3A_19 = vector.load %arg2[%get3A_17, %get3A_18] : memref<512x1024xf32, #tpu.memory_space<vmem>>, vector<512x1024xf32>
      %jit3A = arith.constant 0.000000e+00 : f32
      %broadcast_in_dim3A = vector.shape_cast %lt3A_16 : vector<512x1xi1> to vector<512x1xi1>
      %broadcast_in_dim3A_20 = vector.broadcast %broadcast_in_dim3A : vector<512x1xi1> to vector<512x1024xi1>
      %broadcast_in_dim3A_21 = vector.broadcast %jit3A : f32 to vector<512x1024xf32>
      %select_n3A = arith.select %broadcast_in_dim3A_20, %get3A_19, %broadcast_in_dim3A_21 : vector<512x1024xi1>, vector<512x1024xf32>
      %get3A_22 = arith.constant 0 : index
      %get3A_23 = arith.constant 0 : index
      %get3A_24 = arith.constant 0 : index
      %get3A_25 = vector.load %arg3[%get3A_22, %get3A_23, %get3A_24] : memref<1x2048x1024xf32, #tpu.memory_space<vmem>>, vector<1x2048x1024xf32>
      %get3A_26 = vector.shape_cast %get3A_25 : vector<1x2048x1024xf32> to vector<2048x1024xf32>
      %dot_general3A = arith.constant dense<0.000000e+00> : vector<512x2048xf32>
      %dot_general3A_27 = tpu.matmul %select_n3A, %get3A_26, %dot_general3A {dimension_numbers = #tpu.dot_dimension_numbers<[1], [1], [0], [0], [0, 0, 1, 0], [], []>, transpose_lhs_hint = false} : vector<512x1024xf32>, vector<2048x1024xf32>, vector<512x2048xf32> -> vector<512x2048xf32>
      %get3A_28 = arith.constant 0 : index
      %get3A_29 = arith.constant 0 : index
      %get3A_30 = arith.constant 0 : index
      %get3A_31 = vector.load %arg4[%get3A_28, %get3A_29, %get3A_30] : memref<1x1x2048xf32, #tpu.memory_space<vmem>>, vector<1x1x2048xf32>
      %get3A_32 = vector.shape_cast %get3A_31 : vector<1x1x2048xf32> to vector<1x2048xf32>
      %add3A = vector.broadcast %get3A_32 : vector<1x2048xf32> to vector<512x2048xf32>
      %add3A_33 = arith.addf %dot_general3A_27, %add3A : vector<512x2048xf32>
      %tanh3A = math.tanh %add3A_33 : vector<512x2048xf32>
      %get3A_34 = arith.constant 0 : index
      %get3A_35 = arith.constant 0 : index
      %get3A_36 = arith.constant 0 : index
      %get3A_37 = vector.load %arg5[%get3A_34, %get3A_35, %get3A_36] : memref<1x1x2048xf32, #tpu.memory_space<vmem>>, vector<1x1x2048xf32>
      %get3A_38 = vector.shape_cast %get3A_37 : vector<1x1x2048xf32> to vector<1x2048xf32>
      %dot_general3A_39 = arith.constant dense<0.000000e+00> : vector<512x1xf32>
      %dot_general3A_40 = tpu.matmul %tanh3A, %get3A_38, %dot_general3A_39 {dimension_numbers = #tpu.dot_dimension_numbers<[1], [1], [0], [0], [0, 0, 1, 0], [], []>, transpose_lhs_hint = false} : vector<512x2048xf32>, vector<1x2048xf32>, vector<512x1xf32> -> vector<512x1xf32>
      %jit3A_41 = arith.constant -1.000000e+30 : f32
      %broadcast_in_dim3A_42 = vector.broadcast %jit3A_41 : f32 to vector<512x1xf32>
      %select_n3A_43 = arith.select %lt3A_16, %dot_general3A_40, %broadcast_in_dim3A_42 : vector<512x1xi1>, vector<512x1xf32>
      %reduce_max3A = vector.shape_cast %select_n3A_43 : vector<512x1xf32> to vector<1x512x1xf32>
      %reduce_max3A_44 = arith.constant dense<0xFF800000> : vector<1xf32>
      %reduce_max3A_45 = vector.multi_reduction <maximumf>, %reduce_max3A, %reduce_max3A_44 [1, 2] : vector<1x512x1xf32> to vector<1xf32>
      %reduce_max3A_46 = vector.shape_cast %reduce_max3A_45 : vector<1xf32> to vector<1x1x1xf32>
      %reduce_max3A_47 = vector.extract %reduce_max3A_46[0, 0, 0] : f32 from vector<1x1x1xf32>
      %iota3A_48 = tpu.iota {dimensions = array<i32: 0>} : vector<8x1xi32>
      %eq3A_49 = vector.broadcast %get3A_15 : i32 to vector<8x1xi32>
      %eq3A_50 = arith.cmpi eq, %iota3A_48, %eq3A_49 : vector<8x1xi32>
      %get3A_51 = arith.constant 0 : index
      %get3A_52 = arith.constant 0 : index
      %get3A_53 = vector.load %arg9[%get3A_51, %get3A_52] : memref<8x128xf32, #tpu.memory_space<vmem>>, vector<8x1xf32>
      %jit3A_54 = arith.constant -1.000000e+30 : f32
      %broadcast_in_dim3A_55 = vector.broadcast %jit3A_54 : f32 to vector<8x1xf32>
      %select_n3A_56 = arith.select %eq3A_50, %get3A_53, %broadcast_in_dim3A_55 : vector<8x1xi1>, vector<8x1xf32>
      %reduce_max3A_57 = vector.shape_cast %select_n3A_56 : vector<8x1xf32> to vector<1x8x1xf32>
      %reduce_max3A_58 = arith.constant dense<0xFF800000> : vector<1xf32>
      %reduce_max3A_59 = vector.multi_reduction <maximumf>, %reduce_max3A_57, %reduce_max3A_58 [1, 2] : vector<1x8x1xf32> to vector<1xf32>
      %reduce_max3A_60 = vector.shape_cast %reduce_max3A_59 : vector<1xf32> to vector<1x1x1xf32>
      %reduce_max3A_61 = vector.extract %reduce_max3A_60[0, 0, 0] : f32 from vector<1x1x1xf32>
      %max3A = arith.maximumf %reduce_max3A_61, %reduce_max3A_47 : f32
      %broadcast_in_dim3A_62 = vector.broadcast %max3A : f32 to vector<8x1xf32>
      %select_n3A_63 = arith.select %eq3A_50, %broadcast_in_dim3A_62, %get3A_53 : vector<8x1xi1>, vector<8x1xf32>
      %sub3A = arith.subf %get3A_53, %select_n3A_63 : vector<8x1xf32>
      %exp3A = math.exp %sub3A : vector<8x1xf32>
      %sub3A_64 = vector.broadcast %max3A : f32 to vector<512x1xf32>
      %sub3A_65 = arith.subf %select_n3A_43, %sub3A_64 : vector<512x1xf32>
      %exp3A_66 = math.exp %sub3A_65 : vector<512x1xf32>
      %jit3A_67 = arith.constant 0.000000e+00 : f32
      %broadcast_in_dim3A_68 = vector.broadcast %jit3A_67 : f32 to vector<512x1xf32>
      %select_n3A_69 = arith.select %lt3A_16, %exp3A_66, %broadcast_in_dim3A_68 : vector<512x1xi1>, vector<512x1xf32>
      %get3A_70 = arith.constant 0 : index
      %get3A_71 = arith.constant 0 : index
      %get3A_72 = vector.load %arg8[%get3A_70, %get3A_71] : memref<8x128xf32, #tpu.memory_space<vmem>>, vector<8x1xf32>
      %mul3A = arith.mulf %get3A_72, %exp3A : vector<8x1xf32>
      %reduce_sum3A = vector.shape_cast %select_n3A_69 : vector<512x1xf32> to vector<1x512x1xf32>
      %reduce_sum3A_73 = arith.constant dense<0.000000e+00> : vector<1xf32>
      %reduce_sum3A_74 = vector.multi_reduction <add>, %reduce_sum3A, %reduce_sum3A_73 [1, 2] : vector<1x512x1xf32> to vector<1xf32>
      %reduce_sum3A_75 = vector.shape_cast %reduce_sum3A_74 : vector<1xf32> to vector<1x1x1xf32>
      %reduce_sum3A_76 = vector.extract %reduce_sum3A_75[0, 0, 0] : f32 from vector<1x1x1xf32>
      %jit3A_77 = arith.constant 0.000000e+00 : f32
      %broadcast_in_dim3A_78 = vector.broadcast %reduce_sum3A_76 : f32 to vector<8x1xf32>
      %broadcast_in_dim3A_79 = vector.broadcast %jit3A_77 : f32 to vector<8x1xf32>
      %select_n3A_80 = arith.select %eq3A_50, %broadcast_in_dim3A_78, %broadcast_in_dim3A_79 : vector<8x1xi1>, vector<8x1xf32>
      %add3A_81 = arith.addf %mul3A, %select_n3A_80 : vector<8x1xf32>
      %swap3A = arith.constant 0 : index
      %swap3A_82 = arith.constant 0 : index
      %swap3A_83 = vector.load %arg8[%swap3A, %swap3A_82] : memref<8x128xf32, #tpu.memory_space<vmem>>, vector<8x1xf32>
      tpu.vector_store %arg8[%swap3A, %swap3A_82], %add3A_81 {strides = array<i32>} : memref<8x128xf32, #tpu.memory_space<vmem>>, vector<8x1xf32>,
      %convert_element_type3A_84 = arith.extui %lt3A_16 : vector<512x1xi1> to vector<512x1xi32>
      %convert_element_type3A_85 = arith.sitofp %convert_element_type3A_84 : vector<512x1xi32> to vector<512x1xf32>
      %concatenate3A = tpu.concatenate %select_n3A_69, %convert_element_type3A_85 in 1 : vector<512x1xf32>, vector<512x1xf32> -> vector<512x2xf32>
      %dot_general3A_86 = arith.constant dense<0.000000e+00> : vector<2x1024xf32>
      %dot_general3A_87 = tpu.matmul %concatenate3A, %select_n3A, %dot_general3A_86 {dimension_numbers = #tpu.dot_dimension_numbers<[0], [0], [1], [1], [0, 1, 1, 1], [], []>, transpose_lhs_hint = false} : vector<512x2xf32>, vector<512x1024xf32>, vector<2x1024xf32> -> vector<2x1024xf32>
      %get3A_88 = arith.constant 0 : index
      %get3A_89 = arith.constant 0 : index
      %get3A_90 = vector.load %arg7[%get3A_88, %get3A_89] : memref<8x1024xf32, #tpu.memory_space<vmem>>, vector<8x1024xf32>
      %mul3A_91 = vector.broadcast %exp3A : vector<8x1xf32> to vector<8x1024xf32>
      %mul3A_92 = arith.mulf %get3A_90, %mul3A_91 : vector<8x1024xf32>
      %slice3A = vector.extract_strided_slice %dot_general3A_87 {offsets = [0, 0], sizes = [1, 1024], strides = [1, 1]} : vector<2x1024xf32> to vector<1x1024xf32>
      %jit3A_93 = arith.constant 0.000000e+00 : f32
      %broadcast_in_dim3A_94 = vector.shape_cast %eq3A_50 : vector<8x1xi1> to vector<8x1xi1>
      %broadcast_in_dim3A_95 = vector.broadcast %broadcast_in_dim3A_94 : vector<8x1xi1> to vector<8x1024xi1>
      %broadcast_in_dim3A_96 = vector.shape_cast %slice3A : vector<1x1024xf32> to vector<1x1024xf32>
      %broadcast_in_dim3A_97 = vector.broadcast %broadcast_in_dim3A_96 : vector<1x1024xf32> to vector<8x1024xf32>
      %broadcast_in_dim3A_98 = vector.broadcast %jit3A_93 : f32 to vector<8x1024xf32>
      %select_n3A_99 = arith.select %broadcast_in_dim3A_95, %broadcast_in_dim3A_97, %broadcast_in_dim3A_98 : vector<8x1024xi1>, vector<8x1024xf32>
      %add3A_100 = arith.addf %mul3A_92, %select_n3A_99 : vector<8x1024xf32>
      %swap3A_101 = arith.constant 0 : index
      %swap3A_102 = arith.constant 0 : index
      %swap3A_103 = vector.load %arg7[%swap3A_101, %swap3A_102] : memref<8x1024xf32, #tpu.memory_space<vmem>>, vector<8x1024xf32>
      tpu.vector_store %arg7[%swap3A_101, %swap3A_102], %add3A_100 {strides = array<i32>} : memref<8x1024xf32, #tpu.memory_space<vmem>>, vector<8x1024xf32>,
      %swap3A_104 = arith.constant 0 : index
      %swap3A_105 = arith.constant 0 : index
      %swap3A_106 = vector.load %arg9[%swap3A_104, %swap3A_105] : memref<8x128xf32, #tpu.memory_space<vmem>>, vector<8x1xf32>
      tpu.vector_store %arg9[%swap3A_104, %swap3A_105], %select_n3A_63 {strides = array<i32>} : memref<8x128xf32, #tpu.memory_space<vmem>>, vector<8x1xf32>,
      %get3A_107 = arith.constant 0 : index
      %get3A_108 = arith.constant 0 : index
      %get3A_109 = vector.load %arg10[%get3A_107, %get3A_108] : memref<8x1024xf32, #tpu.memory_space<vmem>>, vector<1x1024xf32>
      %slice3A_110 = vector.extract_strided_slice %dot_general3A_87 {offsets = [1, 0], sizes = [1, 1024], strides = [1, 1]} : vector<2x1024xf32> to vector<1x1024xf32>
      %add3A_111 = arith.addf %get3A_109, %slice3A_110 : vector<1x1024xf32>
      %swap3A_112 = arith.constant 0 : index
      %swap3A_113 = arith.constant 0 : index
      %swap3A_114 = vector.load %arg10[%swap3A_112, %swap3A_113] : memref<8x1024xf32, #tpu.memory_space<vmem>>, vector<1x1024xf32>
      tpu.vector_store %arg10[%swap3A_112, %swap3A_113], %add3A_111 {strides = array<i32>} : memref<8x1024xf32, #tpu.memory_space<vmem>>, vector<1x1024xf32>,
    } else {
    }
    %eq3A_8 = arith.constant 23 : i32
    %eq3A_9 = arith.cmpi eq, %arg0, %eq3A_8 : i32
    %convert_element_type3A_10 = arith.extui %eq3A_9 : i1 to i32
    %cond3A_11 = arith.constant 0 : i32
    %cond3A_12 = arith.cmpi ne, %convert_element_type3A_10, %cond3A_11 : i32
    scf.if %cond3A_12 {
      %get3A_13 = arith.constant 0 : index
      %get3A_14 = arith.constant 0 : index
      %get3A_15 = vector.load %arg8[%get3A_13, %get3A_14] : memref<8x128xf32, #tpu.memory_space<vmem>>, vector<8x1xf32>
      %gt3A_16 = arith.constant 0.000000e+00 : f32
      %gt3A_17 = vector.broadcast %gt3A_16 : f32 to vector<8x1xf32>
      %gt3A_18 = arith.cmpf ogt, %get3A_15, %gt3A_17 : vector<8x1xf32>
      %jit3A = arith.constant 1.000000e+00 : f32
      %broadcast_in_dim3A = vector.broadcast %jit3A : f32 to vector<8x1xf32>
      %select_n3A = arith.select %gt3A_18, %get3A_15, %broadcast_in_dim3A : vector<8x1xi1>, vector<8x1xf32>
      %gt3A_19 = arith.constant 0.000000e+00 : f32
      %gt3A_20 = vector.broadcast %gt3A_19 : f32 to vector<8x1xf32>
      %gt3A_21 = arith.cmpf ogt, %get3A_15, %gt3A_20 : vector<8x1xf32>
      %get3A_22 = arith.constant 0 : index
      %get3A_23 = arith.constant 0 : index
      %get3A_24 = vector.load %arg7[%get3A_22, %get3A_23] : memref<8x1024xf32, #tpu.memory_space<vmem>>, vector<8x1024xf32>
      %div3A = vector.broadcast %select_n3A : vector<8x1xf32> to vector<8x1024xf32>
      %div3A_25 = arith.divf %get3A_24, %div3A : vector<8x1024xf32>
      %get3A_26 = arith.constant 0 : index
      %get3A_27 = arith.constant 0 : index
      %get3A_28 = vector.load %arg10[%get3A_26, %get3A_27] : memref<8x1024xf32, #tpu.memory_space<vmem>>, vector<1x1024xf32>
      %div3A_29 = arith.constant 8.192000e+03 : f32
      %div3A_30 = vector.broadcast %div3A_29 : f32 to vector<1x1024xf32>
      %div3A_31 = arith.divf %get3A_28, %div3A_30 : vector<1x1024xf32>
      %broadcast_in_dim3A_32 = vector.shape_cast %gt3A_21 : vector<8x1xi1> to vector<8x1xi1>
      %broadcast_in_dim3A_33 = vector.broadcast %broadcast_in_dim3A_32 : vector<8x1xi1> to vector<8x1024xi1>
      %broadcast_in_dim3A_34 = vector.shape_cast %div3A_31 : vector<1x1024xf32> to vector<1x1024xf32>
      %broadcast_in_dim3A_35 = vector.broadcast %broadcast_in_dim3A_34 : vector<1x1024xf32> to vector<8x1024xf32>
      %select_n3A_36 = arith.select %broadcast_in_dim3A_33, %div3A_25, %broadcast_in_dim3A_35 : vector<8x1024xi1>, vector<8x1024xf32>
      %swap3A = arith.constant 0 : index
      %swap3A_37 = arith.constant 0 : index
      %swap3A_38 = vector.load %arg6[%swap3A, %swap3A_37] : memref<8x1024xf32, #tpu.memory_space<vmem>>, vector<8x1024xf32>
      tpu.vector_store %arg6[%swap3A, %swap3A_37], %select_n3A_36 {strides = array<i32>} : memref<8x1024xf32, #tpu.memory_space<vmem>>, vector<8x1024xf32>,
    } else {
    }
    return
  }
  func.func @transform_0(%arg0: i32, %arg1: memref<8x128xi32, #tpu.memory_space<smem>>) -> (i32, i32) {
    %get3A = arith.constant 2 : index
    %get3A_0 = arith.constant 0 : index
    %get3A_1 = memref.load %arg1[%get3A, %get3A_0] : memref<8x128xi32, #tpu.memory_space<smem>>
    %sub3A = arith.constant 1 : i32
    %sub3A_2 = arith.subi %get3A_1, %sub3A : i32
    %min3A = arith.minsi %arg0, %sub3A_2 : i32
    %c0_i32 = arith.constant 0 : i32
    %c0_i32_3 = arith.constant 0 : i32
    return %min3A, %c0_i32 : i32, i32
  }
  func.func @transform_1(%arg0: i32, %arg1: memref<8x128xi32, #tpu.memory_space<smem>>) -> (i32, i32, i32) {
    %get3A = arith.constant 0 : index
    %get3A_0 = arith.index_cast %arg0 : i32 to index
    %get3A_1 = memref.load %arg1[%get3A, %get3A_0] : memref<8x128xi32, #tpu.memory_space<smem>>
    %c0_i32 = arith.constant 0 : i32
    %c0_i32_2 = arith.constant 0 : i32
    %c0_i32_3 = arith.constant 0 : i32
    return %get3A_1, %c0_i32, %c0_i32_2 : i32, i32, i32
  }
  func.func @transform_2(%arg0: i32, %arg1: memref<8x128xi32, #tpu.memory_space<smem>>) -> (i32, i32, i32) {
    %get3A = arith.constant 0 : index
    %get3A_0 = arith.index_cast %arg0 : i32 to index
    %get3A_1 = memref.load %arg1[%get3A, %get3A_0] : memref<8x128xi32, #tpu.memory_space<smem>>
    %c0_i32 = arith.constant 0 : i32
    %c0_i32_2 = arith.constant 0 : i32
    %c0_i32_3 = arith.constant 0 : i32
    return %get3A_1, %c0_i32, %c0_i32_2 : i32, i32, i32
  }
  func.func @transform_3(%arg0: i32, %arg1: memref<8x128xi32, #tpu.memory_space<smem>>) -> (i32, i32, i32) {
    %get3A = arith.constant 0 : index
    %get3A_0 = arith.index_cast %arg0 : i32 to index
    %get3A_1 = memref.load %arg1[%get3A, %get3A_0] : memref<8x128xi32, #tpu.memory_space<smem>>
    %c0_i32 = arith.constant 0 : i32
    %c0_i32_2 = arith.constant 0 : i32
    %c0_i32_3 = arith.constant 0 : i32
    return %get3A_1, %c0_i32, %c0_i32_2 : i32, i32, i32
  }
  func.func @transform_4(%arg0: i32, %arg1: memref<8x128xi32, #tpu.memory_space<smem>>) -> (i32, i32) {
    %c0_i32 = arith.constant 0 : i32
    %c0_i32_0 = arith.constant 0 : i32
    %c0_i32_1 = arith.constant 0 : i32
    return %c0_i32, %c0_i32_0 : i32, i32
  }
}

module attributes {stable_mosaic.version = 14 : i64} {
  func.func @_route_body(%arg0: i32, %arg1: memref<1024x1024xf32, #tpu.memory_space<vmem>>, %arg2: memref<8x1024xf32, #tpu.memory_space<vmem>>, %arg3: memref<1x1x1024xi32, #tpu.memory_space<vmem>>, %arg4: memref<1x1x1024xi32, #tpu.memory_space<vmem>>, %arg5: memref<8x128xi32, #tpu.memory_space<vmem>>, %arg6: memref<8x128xf32, #tpu.memory_space<vmem>>, %arg7: memref<8x128xf32, #tpu.memory_space<vmem>>) attributes {dimension_semantics = [#tpu.dimension_semantics<arbitrary>], iteration_bounds = array<i64: 9>, scalar_prefetch = 0 : i64, scratch_operands = 2 : i64, tpu.core_type = #tpu.core_type<tc>, window_params = [{transform_indices = @transform_0, window_bounds = array<i64: 1024, 1024>}, {pipeline_mode = #tpu.pipeline_mode<synchronous>, transform_indices = @transform_1, window_bounds = array<i64: 8, 1024>}, {transform_indices = @transform_2, window_bounds = array<i64: 1, 1, 1024>}, {transform_indices = @transform_3, window_bounds = array<i64: 1, 1, 1024>}, {pipeline_mode = #tpu.pipeline_mode<synchronous>, transform_indices = @transform_4, window_bounds = array<i64: 8, 128>}]} {
    %eq3A = arith.constant 0 : i32
    %eq3A_0 = arith.cmpi eq, %arg0, %eq3A : i32
    %convert_element_type3A = arith.extui %eq3A_0 : i1 to i32
    %cond3A = arith.constant 0 : i32
    %cond3A_1 = arith.cmpi ne, %convert_element_type3A, %cond3A : i32
    scf.if %cond3A_1 {
      %broadcast_in_dim3A = arith.constant 0.000000e+00 : f32
      %broadcast_in_dim3A_11 = vector.broadcast %broadcast_in_dim3A : f32 to vector<8x128xf32>
      %swap3A = arith.constant 0 : index
      %swap3A_12 = arith.constant 0 : index
      %swap3A_13 = vector.load %arg6[%swap3A, %swap3A_12] : memref<8x128xf32, #tpu.memory_space<vmem>>, vector<8x128xf32>
      tpu.vector_store %arg6[%swap3A, %swap3A_12], %broadcast_in_dim3A_11 {strides = array<i32>} : memref<8x128xf32, #tpu.memory_space<vmem>>, vector<8x128xf32>,
      %broadcast_in_dim3A_14 = arith.constant 0.000000e+00 : f32
      %broadcast_in_dim3A_15 = vector.broadcast %broadcast_in_dim3A_14 : f32 to vector<8x128xf32>
      %swap3A_16 = arith.constant 0 : index
      %swap3A_17 = arith.constant 0 : index
      %swap3A_18 = vector.load %arg7[%swap3A_16, %swap3A_17] : memref<8x128xf32, #tpu.memory_space<vmem>>, vector<8x128xf32>
      tpu.vector_store %arg7[%swap3A_16, %swap3A_17], %broadcast_in_dim3A_15 {strides = array<i32>} : memref<8x128xf32, #tpu.memory_space<vmem>>, vector<8x128xf32>,
    } else {
    }
    %lt3A = arith.constant 8 : i32
    %lt3A_2 = arith.cmpi slt, %arg0, %lt3A : i32
    %convert_element_type3A_3 = arith.extui %lt3A_2 : i1 to i32
    %cond3A_4 = arith.constant 0 : i32
    %cond3A_5 = arith.cmpi ne, %convert_element_type3A_3, %cond3A_4 : i32
    scf.if %cond3A_5 {
      %get3A = arith.constant 0 : index
      %get3A_11 = arith.constant 0 : index
      %get3A_12 = vector.load %arg1[%get3A, %get3A_11] : memref<1024x1024xf32, #tpu.memory_space<vmem>>, vector<1024x1024xf32>
      %get3A_13 = arith.constant 0 : index
      %get3A_14 = arith.constant 0 : index
      %get3A_15 = vector.load %arg2[%get3A_13, %get3A_14] : memref<8x1024xf32, #tpu.memory_space<vmem>>, vector<8x1024xf32>
      %dot_general3A = arith.constant dense<0.000000e+00> : vector<1024x8xf32>
      %dot_general3A_16 = tpu.matmul %get3A_12, %get3A_15, %dot_general3A {dimension_numbers = #tpu.dot_dimension_numbers<[1], [1], [0], [0], [0, 0, 1, 0], [], []>, transpose_lhs_hint = false} : vector<1024x1024xf32>, vector<8x1024xf32>, vector<1024x8xf32> -> vector<1024x8xf32>
      %reduce_max3A = arith.constant dense<0xFF800000> : vector<1024xf32>
      %reduce_max3A_17 = vector.multi_reduction <maximumf>, %dot_general3A_16, %reduce_max3A [1] : vector<1024x8xf32> to vector<1024xf32>
      %broadcast_in_dim3A = vector.shape_cast %reduce_max3A_17 : vector<1024xf32> to vector<1024x1xf32>
      %iota3A = tpu.iota {dimensions = array<i32: 1>} : vector<1024x8xi32>
      %eq3A_18 = vector.broadcast %broadcast_in_dim3A : vector<1024x1xf32> to vector<1024x8xf32>
      %eq3A_19 = arith.cmpf oeq, %dot_general3A_16, %eq3A_18 : vector<1024x8xf32>
      %jit3A = arith.constant 8 : i32
      %broadcast_in_dim3A_20 = vector.broadcast %jit3A : i32 to vector<1024x8xi32>
      %select_n3A = arith.select %eq3A_19, %iota3A, %broadcast_in_dim3A_20 : vector<1024x8xi1>, vector<1024x8xi32>
      %reduce_min3A = arith.constant dense<2147483647> : vector<1024xi32>
      %reduce_min3A_21 = vector.multi_reduction <minsi>, %select_n3A, %reduce_min3A [1] : vector<1024x8xi32> to vector<1024xi32>
      %broadcast_in_dim3A_22 = vector.shape_cast %reduce_min3A_21 : vector<1024xi32> to vector<1024x1xi32>
      %reshape3A = vector.shape_cast %broadcast_in_dim3A_22 : vector<1024x1xi32> to vector<1x1x1024xi32>
      %swap3A = arith.constant 0 : index
      %swap3A_23 = arith.constant 0 : index
      %swap3A_24 = arith.constant 0 : index
      %swap3A_25 = vector.load %arg3[%swap3A, %swap3A_23, %swap3A_24] : memref<1x1x1024xi32, #tpu.memory_space<vmem>>, vector<1x1x1024xi32>
      tpu.vector_store %arg3[%swap3A, %swap3A_23, %swap3A_24], %reshape3A {strides = array<i32>} : memref<1x1x1024xi32, #tpu.memory_space<vmem>>, vector<1x1x1024xi32>,
      %reshape3A_26 = vector.shape_cast %broadcast_in_dim3A_22 : vector<1024x1xi32> to vector<1x1024xi32>
      %iota3A_27 = tpu.iota {dimensions = array<i32: 0>} : vector<8x1024xi32>
      %eq3A_28 = vector.broadcast %reshape3A_26 : vector<1x1024xi32> to vector<8x1024xi32>
      %eq3A_29 = arith.cmpi eq, %iota3A_27, %eq3A_28 : vector<8x1024xi32>
      %convert_element_type3A_30 = arith.extui %eq3A_29 : vector<8x1024xi1> to vector<8x1024xi32>
      %convert_element_type3A_31 = arith.sitofp %convert_element_type3A_30 : vector<8x1024xi32> to vector<8x1024xf32>
      %slice3A = vector.extract_strided_slice %convert_element_type3A_31 {offsets = [0, 0], sizes = [8, 1023], strides = [1, 1]} : vector<8x1024xf32> to vector<8x1023xf32>
      %jit3A_32 = arith.constant 0 : i32
      %convert_element_type3A_33 = arith.sitofp %jit3A_32 : i32 to f32
      %pad3A = vector.broadcast %convert_element_type3A_33 : f32 to vector<8x1xf32>
      %pad3A_34 = tpu.concatenate %pad3A, %slice3A in 1 : vector<8x1xf32>, vector<8x1023xf32> -> vector<8x1024xf32>
      %slice3A_35 = vector.extract_strided_slice %pad3A_34 {offsets = [0, 0], sizes = [8, 1023], strides = [1, 1]} : vector<8x1024xf32> to vector<8x1023xf32>
      %jit3A_36 = arith.constant 0 : i32
      %convert_element_type3A_37 = arith.sitofp %jit3A_36 : i32 to f32
      %pad3A_38 = vector.broadcast %convert_element_type3A_37 : f32 to vector<8x1xf32>
      %pad3A_39 = tpu.concatenate %pad3A_38, %slice3A_35 in 1 : vector<8x1xf32>, vector<8x1023xf32> -> vector<8x1024xf32>
      %add3A = arith.addf %pad3A_34, %pad3A_39 : vector<8x1024xf32>
      %slice3A_40 = vector.extract_strided_slice %add3A {offsets = [0, 0], sizes = [8, 1022], strides = [1, 1]} : vector<8x1024xf32> to vector<8x1022xf32>
      %jit3A_41 = arith.constant 0 : i32
      %convert_element_type3A_42 = arith.sitofp %jit3A_41 : i32 to f32
      %pad3A_43 = vector.broadcast %convert_element_type3A_42 : f32 to vector<8x2xf32>
      %pad3A_44 = tpu.concatenate %pad3A_43, %slice3A_40 in 1 : vector<8x2xf32>, vector<8x1022xf32> -> vector<8x1024xf32>
      %add3A_45 = arith.addf %add3A, %pad3A_44 : vector<8x1024xf32>
      %slice3A_46 = vector.extract_strided_slice %add3A_45 {offsets = [0, 0], sizes = [8, 1020], strides = [1, 1]} : vector<8x1024xf32> to vector<8x1020xf32>
      %jit3A_47 = arith.constant 0 : i32
      %convert_element_type3A_48 = arith.sitofp %jit3A_47 : i32 to f32
      %pad3A_49 = vector.broadcast %convert_element_type3A_48 : f32 to vector<8x4xf32>
      %pad3A_50 = tpu.concatenate %pad3A_49, %slice3A_46 in 1 : vector<8x4xf32>, vector<8x1020xf32> -> vector<8x1024xf32>
      %add3A_51 = arith.addf %add3A_45, %pad3A_50 : vector<8x1024xf32>
      %slice3A_52 = vector.extract_strided_slice %add3A_51 {offsets = [0, 0], sizes = [8, 1016], strides = [1, 1]} : vector<8x1024xf32> to vector<8x1016xf32>
      %jit3A_53 = arith.constant 0 : i32
      %convert_element_type3A_54 = arith.sitofp %jit3A_53 : i32 to f32
      %pad3A_55 = vector.broadcast %convert_element_type3A_54 : f32 to vector<8x8xf32>
      %pad3A_56 = tpu.concatenate %pad3A_55, %slice3A_52 in 1 : vector<8x8xf32>, vector<8x1016xf32> -> vector<8x1024xf32>
      %add3A_57 = arith.addf %add3A_51, %pad3A_56 : vector<8x1024xf32>
      %slice3A_58 = vector.extract_strided_slice %add3A_57 {offsets = [0, 0], sizes = [8, 1008], strides = [1, 1]} : vector<8x1024xf32> to vector<8x1008xf32>
      %jit3A_59 = arith.constant 0 : i32
      %convert_element_type3A_60 = arith.sitofp %jit3A_59 : i32 to f32
      %pad3A_61 = vector.broadcast %convert_element_type3A_60 : f32 to vector<8x16xf32>
      %pad3A_62 = tpu.concatenate %pad3A_61, %slice3A_58 in 1 : vector<8x16xf32>, vector<8x1008xf32> -> vector<8x1024xf32>
      %add3A_63 = arith.addf %add3A_57, %pad3A_62 : vector<8x1024xf32>
      %slice3A_64 = vector.extract_strided_slice %add3A_63 {offsets = [0, 0], sizes = [8, 992], strides = [1, 1]} : vector<8x1024xf32> to vector<8x992xf32>
      %jit3A_65 = arith.constant 0 : i32
      %convert_element_type3A_66 = arith.sitofp %jit3A_65 : i32 to f32
      %pad3A_67 = vector.broadcast %convert_element_type3A_66 : f32 to vector<8x32xf32>
      %pad3A_68 = tpu.concatenate %pad3A_67, %slice3A_64 in 1 : vector<8x32xf32>, vector<8x992xf32> -> vector<8x1024xf32>
      %add3A_69 = arith.addf %add3A_63, %pad3A_68 : vector<8x1024xf32>
      %slice3A_70 = vector.extract_strided_slice %add3A_69 {offsets = [0, 0], sizes = [8, 960], strides = [1, 1]} : vector<8x1024xf32> to vector<8x960xf32>
      %jit3A_71 = arith.constant 0 : i32
      %convert_element_type3A_72 = arith.sitofp %jit3A_71 : i32 to f32
      %pad3A_73 = vector.broadcast %convert_element_type3A_72 : f32 to vector<8x64xf32>
      %pad3A_74 = tpu.concatenate %pad3A_73, %slice3A_70 in 1 : vector<8x64xf32>, vector<8x960xf32> -> vector<8x1024xf32>
      %add3A_75 = arith.addf %add3A_69, %pad3A_74 : vector<8x1024xf32>
      %slice3A_76 = vector.extract_strided_slice %add3A_75 {offsets = [0, 0], sizes = [8, 896], strides = [1, 1]} : vector<8x1024xf32> to vector<8x896xf32>
      %jit3A_77 = arith.constant 0 : i32
      %convert_element_type3A_78 = arith.sitofp %jit3A_77 : i32 to f32
      %pad3A_79 = vector.broadcast %convert_element_type3A_78 : f32 to vector<8x128xf32>
      %pad3A_80 = tpu.concatenate %pad3A_79, %slice3A_76 in 1 : vector<8x128xf32>, vector<8x896xf32> -> vector<8x1024xf32>
      %add3A_81 = arith.addf %add3A_75, %pad3A_80 : vector<8x1024xf32>
      %slice3A_82 = vector.extract_strided_slice %add3A_81 {offsets = [0, 0], sizes = [8, 768], strides = [1, 1]} : vector<8x1024xf32> to vector<8x768xf32>
      %jit3A_83 = arith.constant 0 : i32
      %convert_element_type3A_84 = arith.sitofp %jit3A_83 : i32 to f32
      %pad3A_85 = vector.broadcast %convert_element_type3A_84 : f32 to vector<8x256xf32>
      %pad3A_86 = tpu.concatenate %pad3A_85, %slice3A_82 in 1 : vector<8x256xf32>, vector<8x768xf32> -> vector<8x1024xf32>
      %add3A_87 = arith.addf %add3A_81, %pad3A_86 : vector<8x1024xf32>
      %slice3A_88 = vector.extract_strided_slice %add3A_87 {offsets = [0, 0], sizes = [8, 512], strides = [1, 1]} : vector<8x1024xf32> to vector<8x512xf32>
      %jit3A_89 = arith.constant 0 : i32
      %convert_element_type3A_90 = arith.sitofp %jit3A_89 : i32 to f32
      %pad3A_91 = vector.broadcast %convert_element_type3A_90 : f32 to vector<8x512xf32>
      %pad3A_92 = tpu.concatenate %pad3A_91, %slice3A_88 in 1 : vector<8x512xf32>, vector<8x512xf32> -> vector<8x1024xf32>
      %add3A_93 = arith.addf %add3A_87, %pad3A_92 : vector<8x1024xf32>
      %get3A_94 = arith.constant 0 : index
      %get3A_95 = arith.constant 0 : index
      %get3A_96 = vector.load %arg7[%get3A_94, %get3A_95] : memref<8x128xf32, #tpu.memory_space<vmem>>, vector<8x1xf32>
      %add3A_97 = vector.broadcast %get3A_96 : vector<8x1xf32> to vector<8x1024xf32>
      %add3A_98 = arith.addf %add3A_97, %add3A_93 : vector<8x1024xf32>
      %mul3A = arith.mulf %convert_element_type3A_31, %add3A_98 : vector<8x1024xf32>
      %reduce_sum3A = arith.constant dense<0.000000e+00> : vector<1024xf32>
      %reduce_sum3A_99 = vector.multi_reduction <add>, %mul3A, %reduce_sum3A [0] : vector<8x1024xf32> to vector<1024xf32>
      %broadcast_in_dim3A_100 = vector.shape_cast %reduce_sum3A_99 : vector<1024xf32> to vector<1x1024xf32>
      %convert_element_type3A_101 = arith.fptosi %broadcast_in_dim3A_100 : vector<1x1024xf32> to vector<1x1024xi32>
      %reshape3A_102 = vector.shape_cast %convert_element_type3A_101 : vector<1x1024xi32> to vector<1x1x1024xi32>
      %swap3A_103 = arith.constant 0 : index
      %swap3A_104 = arith.constant 0 : index
      %swap3A_105 = arith.constant 0 : index
      %swap3A_106 = vector.load %arg4[%swap3A_103, %swap3A_104, %swap3A_105] : memref<1x1x1024xi32, #tpu.memory_space<vmem>>, vector<1x1x1024xi32>
      tpu.vector_store %arg4[%swap3A_103, %swap3A_104, %swap3A_105], %reshape3A_102 {strides = array<i32>} : memref<1x1x1024xi32, #tpu.memory_space<vmem>>, vector<1x1x1024xi32>,
      %get3A_107 = arith.constant 0 : index
      %get3A_108 = arith.constant 0 : index
      %get3A_109 = vector.load %arg7[%get3A_107, %get3A_108] : memref<8x128xf32, #tpu.memory_space<vmem>>, vector<8x1xf32>
      %reduce_sum3A_110 = arith.constant dense<0.000000e+00> : vector<8xf32>
      %reduce_sum3A_111 = vector.multi_reduction <add>, %convert_element_type3A_31, %reduce_sum3A_110 [1] : vector<8x1024xf32> to vector<8xf32>
      %broadcast_in_dim3A_112 = vector.shape_cast %reduce_sum3A_111 : vector<8xf32> to vector<8x1xf32>
      %add3A_113 = arith.addf %get3A_109, %broadcast_in_dim3A_112 : vector<8x1xf32>
      %swap3A_114 = arith.constant 0 : index
      %swap3A_115 = arith.constant 0 : index
      %swap3A_116 = vector.load %arg7[%swap3A_114, %swap3A_115] : memref<8x128xf32, #tpu.memory_space<vmem>>, vector<8x1xf32>
      tpu.vector_store %arg7[%swap3A_114, %swap3A_115], %add3A_113 {strides = array<i32>} : memref<8x128xf32, #tpu.memory_space<vmem>>, vector<8x1xf32>,
      %get3A_117 = arith.constant 0 : index
      %get3A_118 = arith.constant 0 : index
      %get3A_119 = vector.load %arg6[%get3A_117, %get3A_118] : memref<8x128xf32, #tpu.memory_space<vmem>>, vector<8x1xf32>
      %reduce_sum3A_120 = arith.constant dense<0.000000e+00> : vector<8xf32>
      %reduce_sum3A_121 = vector.multi_reduction <add>, %convert_element_type3A_31, %reduce_sum3A_120 [1] : vector<8x1024xf32> to vector<8xf32>
      %broadcast_in_dim3A_122 = vector.shape_cast %reduce_sum3A_121 : vector<8xf32> to vector<8x1xf32>
      %add3A_123 = arith.addf %get3A_119, %broadcast_in_dim3A_122 : vector<8x1xf32>
      %swap3A_124 = arith.constant 0 : index
      %swap3A_125 = arith.constant 0 : index
      %swap3A_126 = vector.load %arg6[%swap3A_124, %swap3A_125] : memref<8x128xf32, #tpu.memory_space<vmem>>, vector<8x1xf32>
      tpu.vector_store %arg6[%swap3A_124, %swap3A_125], %add3A_123 {strides = array<i32>} : memref<8x128xf32, #tpu.memory_space<vmem>>, vector<8x1xf32>,
    } else {
    }
    %eq3A_6 = arith.constant 8 : i32
    %eq3A_7 = arith.cmpi eq, %arg0, %eq3A_6 : i32
    %convert_element_type3A_8 = arith.extui %eq3A_7 : i1 to i32
    %cond3A_9 = arith.constant 0 : i32
    %cond3A_10 = arith.cmpi ne, %convert_element_type3A_8, %cond3A_9 : i32
    scf.if %cond3A_10 {
      %get3A = arith.constant 0 : index
      %get3A_11 = arith.constant 0 : index
      %get3A_12 = vector.load %arg6[%get3A, %get3A_11] : memref<8x128xf32, #tpu.memory_space<vmem>>, vector<8x1xf32>
      %div3A = arith.constant 5.120000e+02 : f32
      %div3A_13 = vector.broadcast %div3A : f32 to vector<8x1xf32>
      %div3A_14 = arith.divf %get3A_12, %div3A_13 : vector<8x1xf32>
      %ceil3A = math.ceil %div3A_14 : vector<8x1xf32>
      %iota3A = tpu.iota {dimensions = array<i32: 1>} : vector<8x8xi32>
      %iota3A_15 = tpu.iota {dimensions = array<i32: 0>} : vector<8x8xi32>
      %lt3A_16 = arith.cmpi slt, %iota3A, %iota3A_15 : vector<8x8xi32>
      %convert_element_type3A_17 = arith.extui %lt3A_16 : vector<8x8xi1> to vector<8x8xi32>
      %convert_element_type3A_18 = arith.sitofp %convert_element_type3A_17 : vector<8x8xi32> to vector<8x8xf32>
      %transpose3A = tpu.transpose %ceil3A, [1, 0] : vector<8x1xf32> -> vector<1x8xf32>
      %mul3A = vector.broadcast %transpose3A : vector<1x8xf32> to vector<8x8xf32>
      %mul3A_19 = arith.mulf %convert_element_type3A_18, %mul3A : vector<8x8xf32>
      %reduce_sum3A = arith.constant dense<0.000000e+00> : vector<8xf32>
      %reduce_sum3A_20 = vector.multi_reduction <add>, %mul3A_19, %reduce_sum3A [1] : vector<8x8xf32> to vector<8xf32>
      %broadcast_in_dim3A = vector.shape_cast %reduce_sum3A_20 : vector<8xf32> to vector<8x1xf32>
      %mul3A_21 = arith.constant 5.120000e+02 : f32
      %mul3A_22 = vector.broadcast %mul3A_21 : f32 to vector<8x1xf32>
      %mul3A_23 = arith.mulf %broadcast_in_dim3A, %mul3A_22 : vector<8x1xf32>
      %div3A_24 = arith.constant 5.120000e+02 : f32
      %div3A_25 = vector.broadcast %div3A_24 : f32 to vector<8x1xf32>
      %div3A_26 = arith.divf %mul3A_23, %div3A_25 : vector<8x1xf32>
      %iota3A_27 = tpu.iota {dimensions = array<i32: 1>} : vector<1x128xi32>
      %convert_element_type3A_28 = arith.sitofp %iota3A_27 : vector<1x128xi32> to vector<1x128xf32>
      %ge3A = vector.broadcast %convert_element_type3A_28 : vector<1x128xf32> to vector<8x128xf32>
      %ge3A_29 = vector.broadcast %div3A_26 : vector<8x1xf32> to vector<8x128xf32>
      %ge3A_30 = arith.cmpf oge, %ge3A, %ge3A_29 : vector<8x128xf32>
      %add3A = arith.addf %div3A_26, %ceil3A : vector<8x1xf32>
      %lt3A_31 = vector.broadcast %convert_element_type3A_28 : vector<1x128xf32> to vector<8x128xf32>
      %lt3A_32 = vector.broadcast %add3A : vector<8x1xf32> to vector<8x128xf32>
      %lt3A_33 = arith.cmpf olt, %lt3A_31, %lt3A_32 : vector<8x128xf32>
      %and3A = arith.andi %ge3A_30, %lt3A_33 : vector<8x128xi1>
      %convert_element_type3A_34 = arith.extui %and3A : vector<8x128xi1> to vector<8x128xi32>
      %convert_element_type3A_35 = arith.sitofp %convert_element_type3A_34 : vector<8x128xi32> to vector<8x128xf32>
      %sub3A = vector.broadcast %convert_element_type3A_28 : vector<1x128xf32> to vector<8x128xf32>
      %sub3A_36 = vector.broadcast %div3A_26 : vector<8x1xf32> to vector<8x128xf32>
      %sub3A_37 = arith.subf %sub3A, %sub3A_36 : vector<8x128xf32>
      %mul3A_38 = arith.constant 5.120000e+02 : f32
      %mul3A_39 = vector.broadcast %mul3A_38 : f32 to vector<8x128xf32>
      %mul3A_40 = arith.mulf %sub3A_37, %mul3A_39 : vector<8x128xf32>
      %sub3A_41 = vector.broadcast %get3A_12 : vector<8x1xf32> to vector<8x128xf32>
      %sub3A_42 = arith.subf %sub3A_41, %mul3A_40 : vector<8x128xf32>
      %jit3A = arith.constant 0.000000e+00 : f32
      %jit3A_43 = arith.constant 5.120000e+02 : f32
      %max3A = vector.broadcast %jit3A : f32 to vector<8x128xf32>
      %max3A_44 = arith.maximumf %max3A, %sub3A_42 : vector<8x128xf32>
      %min3A = vector.broadcast %jit3A_43 : f32 to vector<8x128xf32>
      %min3A_45 = arith.minimumf %min3A, %max3A_44 : vector<8x128xf32>
      %mul3A_46 = arith.mulf %convert_element_type3A_35, %min3A_45 : vector<8x128xf32>
      %reduce_sum3A_47 = arith.constant dense<0.000000e+00> : vector<128xf32>
      %reduce_sum3A_48 = vector.multi_reduction <add>, %mul3A_46, %reduce_sum3A_47 [0] : vector<8x128xf32> to vector<128xf32>
      %broadcast_in_dim3A_49 = vector.shape_cast %reduce_sum3A_48 : vector<128xf32> to vector<1x128xf32>
      %iota3A_50 = tpu.iota {dimensions = array<i32: 0>} : vector<8x1xi32>
      %convert_element_type3A_51 = arith.sitofp %iota3A_50 : vector<8x1xi32> to vector<8x1xf32>
      %mul3A_52 = vector.broadcast %convert_element_type3A_51 : vector<8x1xf32> to vector<8x128xf32>
      %mul3A_53 = arith.mulf %convert_element_type3A_35, %mul3A_52 : vector<8x128xf32>
      %reduce_sum3A_54 = arith.constant dense<0.000000e+00> : vector<128xf32>
      %reduce_sum3A_55 = vector.multi_reduction <add>, %mul3A_53, %reduce_sum3A_54 [0] : vector<8x128xf32> to vector<128xf32>
      %broadcast_in_dim3A_56 = vector.shape_cast %reduce_sum3A_55 : vector<128xf32> to vector<1x128xf32>
      %gt3A = arith.constant 0.000000e+00 : f32
      %gt3A_57 = vector.broadcast %gt3A : f32 to vector<8x1xf32>
      %gt3A_58 = arith.cmpf ogt, %ceil3A, %gt3A_57 : vector<8x1xf32>
      %jit3A_59 = arith.constant 0.000000e+00 : f32
      %broadcast_in_dim3A_60 = vector.broadcast %jit3A_59 : f32 to vector<8x1xf32>
      %select_n3A = arith.select %gt3A_58, %convert_element_type3A_51, %broadcast_in_dim3A_60 : vector<8x1xi1>, vector<8x1xf32>
      %reduce_max3A = vector.shape_cast %select_n3A : vector<8x1xf32> to vector<1x8x1xf32>
      %reduce_max3A_61 = arith.constant dense<0xFF800000> : vector<1xf32>
      %reduce_max3A_62 = vector.multi_reduction <maximumf>, %reduce_max3A, %reduce_max3A_61 [1, 2] : vector<1x8x1xf32> to vector<1xf32>
      %reduce_max3A_63 = vector.shape_cast %reduce_max3A_62 : vector<1xf32> to vector<1x1x1xf32>
      %reduce_max3A_64 = vector.extract %reduce_max3A_63[0, 0, 0] : f32 from vector<1x1x1xf32>
      %gt3A_65 = arith.constant 0.000000e+00 : f32
      %gt3A_66 = vector.broadcast %gt3A_65 : f32 to vector<1x128xf32>
      %gt3A_67 = arith.cmpf ogt, %broadcast_in_dim3A_49, %gt3A_66 : vector<1x128xf32>
      %broadcast_in_dim3A_68 = vector.broadcast %reduce_max3A_64 : f32 to vector<1x128xf32>
      %select_n3A_69 = arith.select %gt3A_67, %broadcast_in_dim3A_56, %broadcast_in_dim3A_68 : vector<1x128xi1>, vector<1x128xf32>
      %reduce_sum3A_70 = vector.shape_cast %ceil3A : vector<8x1xf32> to vector<1x8x1xf32>
      %reduce_sum3A_71 = arith.constant dense<0.000000e+00> : vector<1xf32>
      %reduce_sum3A_72 = vector.multi_reduction <add>, %reduce_sum3A_70, %reduce_sum3A_71 [1, 2] : vector<1x8x1xf32> to vector<1xf32>
      %reduce_sum3A_73 = vector.shape_cast %reduce_sum3A_72 : vector<1xf32> to vector<1x1x1xf32>
      %reduce_sum3A_74 = vector.extract %reduce_sum3A_73[0, 0, 0] : f32 from vector<1x1x1xf32>
      %broadcast_in_dim3A_75 = arith.constant 1 : i32
      %broadcast_in_dim3A_76 = vector.broadcast %broadcast_in_dim3A_75 : i32 to vector<1x128xi32>
      %convert_element_type3A_77 = arith.fptosi %select_n3A_69 : vector<1x128xf32> to vector<1x128xi32>
      %swap3A = arith.constant 0 : index
      %swap3A_78 = arith.constant 0 : index
      %swap3A_79 = vector.load %arg5[%swap3A, %swap3A_78] : memref<8x128xi32, #tpu.memory_space<vmem>>, vector<1x128xi32>
      tpu.vector_store %arg5[%swap3A, %swap3A_78], %convert_element_type3A_77 {strides = array<i32>} : memref<8x128xi32, #tpu.memory_space<vmem>>, vector<1x128xi32>,
      %convert_element_type3A_80 = arith.fptosi %broadcast_in_dim3A_49 : vector<1x128xf32> to vector<1x128xi32>
      %swap3A_81 = arith.constant 1 : index
      %swap3A_82 = arith.constant 0 : index
      %swap3A_83 = vector.load %arg5[%swap3A_81, %swap3A_82] : memref<8x128xi32, #tpu.memory_space<vmem>>, vector<1x128xi32>
      tpu.vector_store %arg5[%swap3A_81, %swap3A_82], %convert_element_type3A_80 {strides = array<i32>} : memref<8x128xi32, #tpu.memory_space<vmem>>, vector<1x128xi32>,
      %convert_element_type3A_84 = arith.fptosi %reduce_sum3A_74 : f32 to i32
      %mul3A_85 = vector.broadcast %convert_element_type3A_84 : i32 to vector<1x128xi32>
      %mul3A_86 = arith.muli %broadcast_in_dim3A_76, %mul3A_85 : vector<1x128xi32>
      %swap3A_87 = arith.constant 2 : index
      %swap3A_88 = arith.constant 0 : index
      %swap3A_89 = vector.load %arg5[%swap3A_87, %swap3A_88] : memref<8x128xi32, #tpu.memory_space<vmem>>, vector<1x128xi32>
      tpu.vector_store %arg5[%swap3A_87, %swap3A_88], %mul3A_86 {strides = array<i32>} : memref<8x128xi32, #tpu.memory_space<vmem>>, vector<1x128xi32>,
      %iota3A_90 = tpu.iota {dimensions = array<i32: 0>} : vector<8x128xi32>
      %iota3A_91 = tpu.iota {dimensions = array<i32: 1>} : vector<8x128xi32>
      %jit3A_92 = arith.constant 8 : i32
      %eq3A_93 = arith.constant 0 : i32
      %eq3A_94 = arith.cmpi eq, %jit3A_92, %eq3A_93 : i32
      %jit3A_95 = arith.constant 1 : i32
      %select_n3A_96 = arith.select %eq3A_94, %jit3A_95, %jit3A_92 : i32
      %rem3A = vector.broadcast %select_n3A_96 : i32 to vector<8x128xi32>
      %rem3A_97 = arith.remsi %iota3A_91, %rem3A : vector<8x128xi32>
      %ne3A = arith.constant 0 : i32
      %ne3A_98 = vector.broadcast %ne3A : i32 to vector<8x128xi32>
      %ne3A_99 = arith.cmpi ne, %rem3A_97, %ne3A_98 : vector<8x128xi32>
      %lt3A_100 = arith.constant 0 : i32
      %lt3A_101 = vector.broadcast %lt3A_100 : i32 to vector<8x128xi32>
      %lt3A_102 = arith.cmpi slt, %rem3A_97, %lt3A_101 : vector<8x128xi32>
      %lt3A_103 = arith.constant 0 : i32
      %lt3A_104 = arith.cmpi slt, %select_n3A_96, %lt3A_103 : i32
      %ne3A_105 = vector.broadcast %lt3A_104 : i1 to vector<8x128xi1>
      %ne3A_106 = vector.broadcast %ne3A_105 : vector<8x128xi1> to vector<8x128xi1>
      %ne3A_107 = arith.xori %lt3A_102, %ne3A_106 : vector<8x128xi1>
      %and3A_108 = arith.andi %ne3A_107, %ne3A_99 : vector<8x128xi1>
      %add3A_109 = vector.broadcast %select_n3A_96 : i32 to vector<8x128xi32>
      %add3A_110 = arith.addi %rem3A_97, %add3A_109 : vector<8x128xi32>
      %select_n3A_111 = arith.select %and3A_108, %add3A_110, %rem3A_97 : vector<8x128xi1>, vector<8x128xi32>
      %eq3A_112 = arith.cmpi eq, %iota3A_90, %select_n3A_111 : vector<8x128xi32>
      %jit3A_113 = arith.constant 0.000000e+00 : f32
      %broadcast_in_dim3A_114 = vector.shape_cast %mul3A_23 : vector<8x1xf32> to vector<8x1xf32>
      %broadcast_in_dim3A_115 = vector.broadcast %broadcast_in_dim3A_114 : vector<8x1xf32> to vector<8x128xf32>
      %broadcast_in_dim3A_116 = vector.broadcast %jit3A_113 : f32 to vector<8x128xf32>
      %select_n3A_117 = arith.select %eq3A_112, %broadcast_in_dim3A_115, %broadcast_in_dim3A_116 : vector<8x128xi1>, vector<8x128xf32>
      %reduce_sum3A_118 = arith.constant dense<0.000000e+00> : vector<128xf32>
      %reduce_sum3A_119 = vector.multi_reduction <add>, %select_n3A_117, %reduce_sum3A_118 [0] : vector<8x128xf32> to vector<128xf32>
      %broadcast_in_dim3A_120 = vector.shape_cast %reduce_sum3A_119 : vector<128xf32> to vector<1x128xf32>
      %convert_element_type3A_121 = arith.fptosi %broadcast_in_dim3A_120 : vector<1x128xf32> to vector<1x128xi32>
      %swap3A_122 = arith.constant 3 : index
      %swap3A_123 = arith.constant 0 : index
      %swap3A_124 = vector.load %arg5[%swap3A_122, %swap3A_123] : memref<8x128xi32, #tpu.memory_space<vmem>>, vector<1x128xi32>
      tpu.vector_store %arg5[%swap3A_122, %swap3A_123], %convert_element_type3A_121 {strides = array<i32>} : memref<8x128xi32, #tpu.memory_space<vmem>>, vector<1x128xi32>,
    } else {
    }
    return
  }
  func.func @transform_0(%arg0: i32) -> (i32, i32) {
    %min3A = arith.constant 7 : i32
    %min3A_0 = arith.minsi %arg0, %min3A : i32
    %c0_i32 = arith.constant 0 : i32
    %c0_i32_1 = arith.constant 0 : i32
    return %min3A_0, %c0_i32 : i32, i32
  }
  func.func @transform_1(%arg0: i32) -> (i32, i32) {
    %c0_i32 = arith.constant 0 : i32
    %c0_i32_0 = arith.constant 0 : i32
    %c0_i32_1 = arith.constant 0 : i32
    return %c0_i32, %c0_i32_0 : i32, i32
  }
  func.func @transform_2(%arg0: i32) -> (i32, i32, i32) {
    %min3A = arith.constant 7 : i32
    %min3A_0 = arith.minsi %arg0, %min3A : i32
    %c0_i32 = arith.constant 0 : i32
    %c0_i32_1 = arith.constant 0 : i32
    %c0_i32_2 = arith.constant 0 : i32
    return %min3A_0, %c0_i32, %c0_i32_1 : i32, i32, i32
  }
  func.func @transform_3(%arg0: i32) -> (i32, i32, i32) {
    %min3A = arith.constant 7 : i32
    %min3A_0 = arith.minsi %arg0, %min3A : i32
    %c0_i32 = arith.constant 0 : i32
    %c0_i32_1 = arith.constant 0 : i32
    %c0_i32_2 = arith.constant 0 : i32
    return %min3A_0, %c0_i32, %c0_i32_1 : i32, i32, i32
  }
  func.func @transform_4(%arg0: i32) -> (i32, i32) {
    %c0_i32 = arith.constant 0 : i32
    %c0_i32_0 = arith.constant 0 : i32
    %c0_i32_1 = arith.constant 0 : i32
    return %c0_i32, %c0_i32_0 : i32, i32
  }
}

</mosaic_0001>

<sc_bundles>
// kernel: kernel.5.cloned.1.call-start
scs
__scs_entry_jumppad:
0x0: {  	(pc) =	sbr.rel $0x88, $3  }
0x1: {  	(tag) =	ssettag $0x0;
	lr =	simm.s32 $0x1  }
0x2: {  	[smem:$0x3F9C] =	sst lr;
	_ =	strace $0xD0000000  }
0x3: {  	_ = 	snop  }
0x4: {  	_ = 	snop  }
0x5: {  	_ = 	snop  }
0x6: {  	_ = 	snop  }
0x7: {  	_ = 	snop  }
__scs_overlays_trampoline_lowered:
0x8: {  	[smem:$0x3FAB] =	sst s0  }
0x9: {  	[smem:$0x3FAC] =	sst s1  }
0xa: {  	[smem:$0x3FAD] =	sst s2  }
0xb: {  	[smem:$0x3FAE] =	sst s3  }
0xc: {  	[smem:$0x3FAF] =	sst s4  }
0xd: {  	[smem:$0x3FB0] =	sst s5  }
0xe: {  	[smem:$0x3FB1] =	sst s6  }
0xf: {  	[smem:$0x3FB2] =	sst s7  }
0x10: {  	[smem:$0x3FB3] =	sst s8  }
0x11: {  	[smem:$0x3FB4] =	sst s9;
	s0 =	simm.s32 @!p0 $0x0  }
0x12: {  	s1 =	sld [smem:$0x3F9A];
	s0 =	simm.s32 @p0 $0x1  }
0x13: {  	[smem:$0x3FB5] =	sst s0;
	s0 =	simm.s32 @!p1 $0x0  }
0x14: {  	s2 =	sld [smem:$0x3F99];
	s0 =	simm.s32 @p1 $0x1  }
0x15: {  	[smem:$0x3FB6] =	sst s0;
	s0 =	simm.s32 @!p2 $0x0  }
0x16: {  	s3 =	sld [smem:$0x3FDB];
	s0 =	simm.s32 @p2 $0x1  }
0x17: {  	s4 =	simm.s32 $0x1BF5;
	[smem:$0x3FB8] =	sst s0  }
0x18: {  	s0 =	sld [smem:$0x3F9B];
	_ =	swait.ge [sflag:s4], $0x0  }
0x19: {  	s7 =	sld [smem:$0x3F9C]  }
0x1a: {  	s8 =	sadd.s32 $0xFFFFE003, lr  }
0x1b: {  	s9 =	sadd.s32 $0xFFFFFEF7, lr;
	s5 =	simm.s32 $0xFFFFFFFF;
	p2 =	slt.u32 s8, $0xFFFFF086  }
0x1c: {  	p1 =	slt.u32 s9, $0xF7A;
	s5 =	simm.s32 @!p2 $0x0  }
0x1d: {  	s5 =	simm.s32 @p1 $0x1;
	p0 =	seq.s32 s7, s2  }
0x1e: {  	s7 =	smul.u32 @!p0 $0xF7A, s2;
	p2 =	seq.s32 @!p0 s5, $0x0  }
0x1f: {  	s9 =	smul.u32 $0xF7A, s1;
	s8 =	simm.s32 @!p0 $0x1BF5;
	p2 =	por !p2, p0  }
0x20: {  	[sflag:s8] =	ssyncset.s32 @!p0 $0xFFFFF086;
	s6 =	sadd.s32 @!p0 s3, s7;
	s7 =	simm.s32 @!p0 $0x108  }
0x21: {  	s3 =	sadd.s32 s3, s9;
	s6 =	sadd.s32 @!p0 $0x88, s6;
	s7 =	simm.s32 @p2 $0x1082  }
0x22: {  	[simem:s7], [sflag:s8] =	dma.local @!p0 [hbm:s6], $0xF7A  }
0x23: {  	s9 =	sor.u32 $0xD0000000, s2;
	s6 =	simm.s32 $0x108;
	_ =	swait.ge @!p0 [sflag:s8], $0x0  }
0x24: {  	s3 =	sadd.s32 $0x88, s3;
	s6 =	simm.s32 @!p1 $0x1082;
	[sflag:s4] =	ssyncset.s32 $0xFFFFF086  }
0x25: {  	[simem:s6], [sflag:s4] =	dma.local [hbm:s3], $0xF7A  }
0x26: {  	[smem:$0x3F9C] =	sst s1;
	(tag) =	ssettag s2;
	_ =	strace s9  }
0x27: {  	s1 =	sld [smem:$0x3FAC]  }
0x28: {  	s2 =	sld [smem:$0x3FAD]  }
0x29: {  	s4 =	sld [smem:$0x3FAF]  }
0x2a: {  	p0 =	seq.s32 s5, $0x0;
	s5 =	sld [smem:$0x3FB0]  }
0x2b: {  	s6 =	sld [smem:$0x3FB1]  }
0x2c: {  	s7 =	sld [smem:$0x3FB2]  }
0x2d: {  	s3 =	simm.s32 $0x108;
	s8 =	sld [smem:$0x3FB3]  }
0x2e: {  	s3 =	simm.s32 @!p0 $0x1082;
	s9 =	sld [smem:$0x3FB4]  }
0x2f: {  	lr =	sadd.s32 s0, s3;
	s0 =	sld [smem:$0x3FAB]  }
0x30: {  	s3 =	sld [smem:$0x3FAE]  }
0x31: {  	[smem:$0x3FB7] =	sst s10  }
0x32: {  	s10 =	sld [smem:$0x3FB5];
	_ =	sdelay $0x3  }
0x33: {  	p0 =	seq.s32 s10, $0x1;
	s10 =	sld [smem:$0x3FB7];
	_ =	sdelay $0x3  }
0x34: {  	[smem:$0x3FB7] =	sst s10  }
0x35: {  	s10 =	sld [smem:$0x3FB6];
	_ =	sdelay $0x3  }
0x36: {  	p1 =	seq.s32 s10, $0x1;
	s10 =	sld [smem:$0x3FB7];
	_ =	sdelay $0x3  }
0x37: {  	[smem:$0x3FB7] =	sst s10  }
0x38: {  	s10 =	sld [smem:$0x3FB8]  }
0x39: {  	_ = 	snop;
	(pc) =	sbr.ind lr, $3  }
0x3a: {  	_ = 	snop  }
0x3b: {  	_ = 	snop  }
0x3c: {  	p2 =	seq.s32 s10, $0x1;
	s10 =	sld [smem:$0x3FB7]  }
0x3d: {  	_ =	shalt  }
0x3e: {  	_ =	shalt  }
0x3f: {  	_ =	shalt  }
0x40: {  	_ =	shalt  }
0x41: {  	_ =	shalt  }
0x42: {  	_ =	shalt  }
0x43: {  	_ =	shalt  }
0x44: {  	_ =	shalt  }
0x45: {  	_ =	shalt  }
0x46: {  	_ =	shalt  }
0x47: {  	_ =	shalt  }
0x48: {  	_ =	shalt  }
0x49: {  	_ =	shalt  }
0x4a: {  	_ =	shalt  }
0x4b: {  	_ =	shalt  }
0x4c: {  	_ =	shalt  }
0x4d: {  	_ =	shalt  }
0x4e: {  	_ =	shalt  }
0x4f: {  	_ =	shalt  }
0x50: {  	_ =	shalt  }
0x51: {  	_ =	shalt  }
0x52: {  	_ =	shalt  }
0x53: {  	_ =	shalt  }
0x54: {  	_ =	shalt  }
0x55: {  	_ =	shalt  }
0x56: {  	_ =	shalt  }
0x57: {  	_ =	shalt  }
0x58: {  	_ =	shalt  }
0x59: {  	_ =	shalt  }
0x5a: {  	_ =	shalt  }
0x5b: {  	_ =	shalt  }
0x5c: {  	_ =	shalt  }
0x5d: {  	_ =	shalt  }
0x5e: {  	_ =	shalt  }
0x5f: {  	_ =	shalt  }
0x60: {  	_ =	shalt  }
0x61: {  	_ =	shalt  }
0x62: {  	_ =	shalt  }
0x63: {  	_ =	shalt  }
0x64: {  	_ =	shalt  }
0x65: {  	_ =	shalt  }
0x66: {  	_ =	shalt  }
0x67: {  	_ =	shalt  }
0x68: {  	_ =	shalt  }
0x69: {  	_ =	shalt  }
0x6a: {  	_ =	shalt  }
0x6b: {  	_ =	shalt  }
0x6c: {  	_ =	shalt  }
0x6d: {  	_ =	shalt  }
0x6e: {  	_ =	shalt  }
0x6f: {  	_ =	shalt  }
0x70: {  	_ =	shalt  }
0x71: {  	_ =	shalt  }
0x72: {  	_ =	shalt  }
0x73: {  	_ =	shalt  }
0x74: {  	_ =	shalt  }
0x75: {  	_ =	shalt  }
0x76: {  	_ =	shalt  }
0x77: {  	_ =	shalt  }
0x78: {  	_ =	shalt  }
0x79: {  	_ =	shalt  }
0x7a: {  	_ =	shalt  }
0x7b: {  	_ =	shalt  }
0x7c: {  	_ =	shalt  }
0x7d: {  	_ =	shalt  }
0x7e: {  	_ =	shalt  }
0x7f: {  	_ =	shalt  }
0x80: {  	_ =	shalt  }
0x81: {  	_ =	shalt  }
0x82: {  	_ =	shalt  }
0x83: {  	_ =	shalt  }
0x84: {  	_ =	shalt  }
0x85: {  	_ =	shalt  }
0x86: {  	_ =	shalt  }
0x87: {  	_ =	shalt  }
.Lfunc_end0:
.L_simem_size_0:
called_computation_lowered:
.L_overlay_start_0:
0x88: {  	s2 =	sld [smem:$0x3FD9]  }
0x89: {  	s3 =	sld [smem:$0x3FFE];
	_ =	sdelay $0x1  }
0x8a: {  	s1 =	srdreg.scid  }
0x8b: {  	s0 =	sand.u32 $0x1, s1  }
0x8c: {  	s17 =	sshll.u32 s0, $0xA;
	s2 =	sadd.s32 s3, s2  }
0x8d: {  	s2 =	sadd.s32 s2, s17  }
0x8e: {  	[smem:$0x3FC3] =	sst s2  }
0x8f: {  	_ = 	snop  }
0x90: {  	s2 =	sld [smem:$0x3FC9]  }
0x91: {  	s18 =	sld [smem:$0x3FD0];
	(tm) =	ssettm $0x1  }
0x92: {  	s4 =	sld [smem:$0x3FFB];
	_ =	sdelay $0x3  }
0x93: {  	_ =	strace s4  }
0x94: {  	s4 =	sld [smem:$0x3FFC];
	_ =	sdelay $0x3  }
0x95: {  	_ =	strace s4  }
0x96: {  	s4 =	sld [smem:$0x3FFD];
	_ =	sdelay $0x3  }
0x97: {  	_ =	strace s4  }
0x98: {  	_ =	strace $0x8FFFFFFF  }
0x99: {  	s19 =	sld [smem:$0x3FDB];
	_ =	sdelay $0x1  }
0x9a: {  	s5 =	simm.s32 $_scs_section_size  }
0x9b: {  	s6 =	simm.s32 $_size__tile_overlayer_lowered;
	s7 =	simm.s32 $_tile_overlayer_lowered  }
0x9c: {  	s22 =	simm.s32 $0x1BFF;
	s21 =	sshll.u32 s7, $0x1;
	s4 =	sadd.s32 s5, s19  }
0x9d: {  	s8 =	simm.s32 $0x0;
	s20 =	sshll.u32 s6, $0x1;
	s6 =	sadd.s32 s21, s4  }
0x9e: {  	[timem:s8], [sflag:s22] =	dma.local [hbm:s6], s20  }
0x9f: {  	_ =	swait.ge [sflag:s22], s20  }
0xa0: {  	s5 =	ssub.s32 $0x0, s20;
	[sflag:s22] =	ssyncset.done $0x0  }
0xa1: {  	[sflag:s22] =	ssyncadd.s32 s5;
	_ =	sdelay $0x1  }
0xa2: {  	s23 =	simm.s32 $0x1B8B  }
0xa3: {  	_ =	swait.ge [sflag:s23], $0x1  }
0xa4: {  	[sflag:s23] =	ssyncset.done $0x0  }
0xa5: {  	s25 =	simm.s32 $0x1B8E;
	s24 =	sld [smem:$0x3FFE];
	[sflag:s23] =	ssyncadd.s32 $0xFFFFFFFF  }
0xa6: {  	s26 =	simm.s32 $execute0_lowered;
	[smem:$0x3FD2] =	sst s25  }
0xa7: {  	s6 =	sshll.u32 s26, $0x1;
	_ =	strace $0x80000046;
	[dreg:$0x1] =	wrdreg $0xFFFFFFFF  }
0xa8: {  	s28 =	simm.s32 $_size_execute0_lowered;
	s4 =	sadd.s32 s4, s6;
	[dreg:$0x0] =	wrdreg $0x0  }
0xa9: {  	s6 =	sshll.u32 s28, $0x1;
	[dreg:$0x2] =	wrdreg s4  }
0xaa: {  	[dreg:$0x3] =	wrdreg s6  }
0xab: {  	[dreg:$0x4] =	wrdreg $0xC0  }
0xac: {  	_ =	task [dreg:s8], $0x5FFFF  }
0xad: {  	[dreg:$0x1] =	wrdreg $0xFFFFFFFF  }
0xae: {  	[dreg:$0x0] =	wrdreg $0x60  }
0xaf: {  	[dreg:$0x2] =	wrdreg s2  }
0xb0: {  	[dreg:$0x3] =	wrdreg s18  }
0xb1: {  	[dreg:$0x4] =	wrdreg s24  }
0xb2: {  	[dreg:$0x5] =	wrdreg $0x9  }
0xb3: {  	_ =	task.clear_ibuf [dreg:s8], $0x6FFFF;
	_ =	strace $0x90000046  }
0xb4: {  	s29 =	simm.s32 $0x9;
	_ =	strace $0x80000048  }
0xb5: {  	_ =	swait.ge [sflag:s29], $0x1  }
0xb6: {  	[sflag:s29] =	ssyncadd.s32 $0xFFFFFFFF  }
0xb7: {  	_ =	strace $0x90000048  }
0xb8: {  	_ =	sfence  }
0xb9: {  	s30 =	sld [smem:$0x0];
	_ =	sdelay $0x2  }
0xba: {  	s31 =	sshll.u32 s1, $0xD;
	s1 =	sshrl.u32 s1, $0x2  }
0xbb: {  	s3 =	sand.u32 $0x4000, s31;
	s1 =	sadd.s32 s1, s30  }
0xbc: {  	s0 =	sor.u32 s3, s0;
	s1 =	sshll.u32 s1, $0x11  }
0xbd: {  	s0 =	sor.u32 s1, s0  }
0xbe: {  	s0 =	sadd.s32 $0x8F2B, s0  }
0xbf: {  	[sflag:s0] =	ssyncadd.remote.s32 $0x1  }
0xc0: {  	_ =	sfence.sel $0xFFFF  }
0xc1: {  	[dreg:$0x0] =	wrdreg $0xFFFFFFFF;
	(pc) =	sbr.abs _section_cstart, $3  }
0xc2: {  	[dreg:$0x1] =	wrdreg $0xFFFFFFFF  }
0xc3: {  	_ =	task.clear_ibuf [dreg:s8], $0x2FFFF;
	_ =	strace $0x9FFFFFFF  }
0xc4: {  	(tm) =	ssettm $0x7FFFFFFF  }
0xc5: {  	_ =	shalt  }
tec
execute0_lowered:
.L_overlay_start_1:
0x0: {  	(tag) =	ssettag $0x1  }
0x1: {  	s0 =	rddreg [dreg:$0x0]  }
0x2: {  	s1 =	srdreg.scid;
	s3 =	rddreg [dreg:$0x1]  }
0x3: {  	s2 =	stileid.u32;
	s7 =	rddreg [dreg:$0x2];
	s30 =	simm.s32 $0x80  }
0x4: {  	s1 =	sand.u32 $0x1, s1;
	s4 =	sshll.u32 s2, $0x9;
	s2 =	simm.s32 $0x0  }
0x5: {  	s8 =	sadd.s32 $0x1830, s7;
	s5 =	sshll.u32 s1, $0x8;
	[smem:$0x7FF] =	sst s2  }
0x6: {  	s4 =	sor.u32 s5, s4;
	_ =	strace $0x80000047;
	[dreg:$0x4] =	wrdreg s8  }
0x7: {  	s31 =	simm.s32 $0x180;
	[dreg:$0x16] =	wrdreg s30;
	s5 =	sshrl.u32 s4, $0x3  }
0x8: {  	[dreg:$0x17] =	wrdreg s31;
	s4 =	sshll.u32 s4, $0x7;
	s3 =	sadd.s32 s3, s5  }
0x9: {  	s6 =	sadd.s32 s5, s7;
	s13 =	sadd.s32 s0, s4;
	[dreg:$0x5] =	wrdreg s3  }
0xa: {  	s12 =	sadd.s32 $0x1400, s6;
	[dreg:$0x18] =	wrdreg s13  }
0xb: {  	s0 =	sadd.s32 $0x800, s13;
	[dreg:$0x6] =	wrdreg s12  }
0xc: {  	s14 =	sadd.s32 $0x1000, s13;
	[dreg:$0x7] =	wrdreg s0  }
0xd: {  	s15 =	sadd.s32 $0x1800, s13;
	[dreg:$0x8] =	wrdreg s14  }
0xe: {  	s16 =	sadd.s32 $0x2000, s13;
	[dreg:$0x9] =	wrdreg s15  }
0xf: {  	s17 =	sadd.s32 $0x2800, s13;
	[dreg:$0xa] =	wrdreg s16  }
0x10: {  	s18 =	sadd.s32 $0x3000, s13;
	[dreg:$0xb] =	wrdreg s17  }
0x11: {  	s19 =	sadd.s32 $0x3800, s13;
	[dreg:$0xc] =	wrdreg s18  }
0x12: {  	s20 =	sadd.s32 $0x4000, s13;
	[dreg:$0xd] =	wrdreg s19  }
0x13: {  	s21 =	sadd.s32 $0x4800, s13;
	[dreg:$0xe] =	wrdreg s20  }
0x14: {  	s1 =	ssub.s32 $0x2, s1;
	s22 =	sadd.s32 $0x5000, s13;
	[dreg:$0xf] =	wrdreg s21  }
0x15: {  	s24 =	sshrl.u32 s1, $0x1;
	s23 =	sadd.s32 $0x5800, s13;
	[dreg:$0x10] =	wrdreg s22  }
0x16: {  	s1 =	ssub.s32 s1, s24;
	s25 =	sadd.s32 $0x6000, s13;
	[dreg:$0x11] =	wrdreg s23  }
0x17: {  	s24 =	simm.s32 $0x7;
	s26 =	sadd.s32 $0x6800, s13;
	[dreg:$0x12] =	wrdreg s25  }
0x18: {  	s4 =	sadd.s32 $0x1A00, s7;
	s28 =	sadd.s32 $0x7000, s13;
	[dreg:$0x13] =	wrdreg s26  }
0x19: {  	s5 =	sadd.s32 $0x1B00, s7;
	s29 =	sadd.s32 $0x7800, s13;
	[dreg:$0x14] =	wrdreg s28  }
0x1a: {  	v2 =	vlaneseq.u32;
	s6 =	sadd.s32 $0x1C00, s7;
	s7 =	sadd.s32 $0x1D00, s7;
	[dreg:$0x15] =	wrdreg s29  }
0x1b: {  	vm0 =	vmmov $0xffff;
	v1 =	vshrl.u32 v2, $0x3;
	s20 =	smax.u32 s1, $0x1;
	s12 =	simm.s32 $0x4A80;
	s22 =	simm.s32 $0x1  }
0x1c: {  	v0 =	vand.u32 $0x7, v2;
	v2 =	vor.u32 $0x8, v2;
	v1 =	vmul.u32 $0x8, v1;
	s23 =	simm.s32 $0x5;
	s21 =	simm.s32 $0x3;
	s15 =	simm.s32 $0x4  }
.LBB2_1:
0x1d: {  	s16 =	rddreg [dreg:$0x4];
	s3 =	simm.s32 $0x9  }
0x1e: {  	[tilespmem:s2], [sflag:$0x9] =	stream.linear.gather [hbm4b:s16+s2], $0x10, $0x38;
	[tilespmem:$0x10A80] =	vst v63  }
0x1f: {  	_ =	swait.ge [sflag:s3], $0x10  }
0x20: {  	s18 =	rddreg [dreg:$0x5];
	[sflag:s3] =	ssyncset.done $0x0  }
0x21: {  	s17 =	rddreg [dreg:$0x16];
	[sflag:s3] =	ssyncadd.s32 $0xFFFFFFF0  }
0x22: {  	[tilespmem:s17], [sflag:$0x9] =	stream.linear.gather [hbm4b:s18+s2], $0x100, $0x38;
	[tilespmem:$0x10A80] =	vst v63  }
0x23: {  	_ =	swait.ge [sflag:s3], $0x100  }
0x24: {  	s19 =	rddreg [dreg:$0x6];
	[sflag:s3] =	ssyncset.done $0x0  }
0x25: {  	s25 =	rddreg [dreg:$0x17];
	[sflag:s3] =	ssyncadd.s32 $0xFFFFFF00  }
0x26: {  	[tilespmem:s25], [sflag:$0x9] =	stream.linear.gather [hbm4b:s19+s2], $0x100, $0x38;
	[tilespmem:$0x10A80] =	vst v63  }
0x27: {  	_ =	swait.ge [sflag:s3], $0x100  }
0x28: {  	[sflag:s3] =	ssyncset.done $0x0  }
0x29: {  	[sflag:s3] =	ssyncadd.s32 $0xFFFFFF00  }
0x2a: {  	v3 =	vld [tilespmem:$0x80];
	_ =	sdelay $0x5  }
0x2b: {  	v4 =	vld [tilespmem:$0x180]  }
0x2c: {  	v5 =	vld [tilespmem:$0x90]  }
0x2d: {  	v3 =	vld.idx.msk [tilespmem:v3+s2+$0x0], $0xffff;
	_ =	sdelay $0x4  }
0x2e: {  	v27 =	vld [tilespmem:$0x190];
	v3 =	vadd.s32 v4, v3  }
0x2f: {  	[tilespmem:$0x280] =	vst v3;
	v3 =	vld [tilespmem:$0xA0]  }
0x30: {  	v5 =	vld.idx.msk [tilespmem:v5+s2+$0x0], $0xffff;
	_ =	sdelay $0x4  }
0x31: {  	v28 =	vld [tilespmem:$0x1A0];
	v4 =	vadd.s32 v27, v5  }
0x32: {  	v29 =	vld [tilespmem:$0xB0];
	[tilespmem:$0x300] =	vst v4  }
0x33: {  	v3 =	vld.idx.msk [tilespmem:v3+s2+$0x0], $0xffff;
	_ =	sdelay $0x4  }
0x34: {  	v30 =	vld [tilespmem:$0x1B0];
	v3 =	vadd.s32 v28, v3  }
0x35: {  	[tilespmem:$0x380] =	vst v3;
	v3 =	vld [tilespmem:$0xC0]  }
0x36: {  	v4 =	vld.idx.msk [tilespmem:v29+s2+$0x0], $0xffff;
	_ =	sdelay $0x4  }
0x37: {  	v31 =	vld [tilespmem:$0x1C0];
	v4 =	vadd.s32 v30, v4  }
0x38: {  	v32 =	vld [tilespmem:$0xD0];
	[tilespmem:$0x400] =	vst v4  }
0x39: {  	v3 =	vld.idx.msk [tilespmem:v3+s2+$0x0], $0xffff;
	_ =	sdelay $0x4  }
0x3a: {  	v33 =	vld [tilespmem:$0x1D0];
	v3 =	vadd.s32 v31, v3  }
0x3b: {  	[tilespmem:$0x480] =	vst v3;
	v3 =	vld [tilespmem:$0xE0]  }
0x3c: {  	v4 =	vld.idx.msk [tilespmem:v32+s2+$0x0], $0xffff;
	_ =	sdelay $0x4  }
0x3d: {  	v34 =	vld [tilespmem:$0x1E0];
	v4 =	vadd.s32 v33, v4  }
0x3e: {  	v35 =	vld [tilespmem:$0xF0];
	[tilespmem:$0x500] =	vst v4  }
0x3f: {  	v3 =	vld.idx.msk [tilespmem:v3+s2+$0x0], $0xffff;
	_ =	sdelay $0x4  }
0x40: {  	v36 =	vld [tilespmem:$0x1F0];
	v3 =	vadd.s32 v34, v3  }
0x41: {  	[tilespmem:$0x580] =	vst v3;
	v3 =	vld [tilespmem:$0x100]  }
0x42: {  	v4 =	vld.idx.msk [tilespmem:v35+s2+$0x0], $0xffff;
	_ =	sdelay $0x4  }
0x43: {  	v37 =	vld [tilespmem:$0x200];
	v4 =	vadd.s32 v36, v4  }
0x44: {  	v38 =	vld [tilespmem:$0x110];
	[tilespmem:$0x600] =	vst v4  }
0x45: {  	v3 =	vld.idx.msk [tilespmem:v3+s2+$0x0], $0xffff;
	_ =	sdelay $0x4  }
0x46: {  	v39 =	vld [tilespmem:$0x210];
	v3 =	vadd.s32 v37, v3  }
0x47: {  	[tilespmem:$0x680] =	vst v3;
	v3 =	vld [tilespmem:$0x120]  }
0x48: {  	v4 =	vld.idx.msk [tilespmem:v38+s2+$0x0], $0xffff;
	_ =	sdelay $0x4  }
0x49: {  	v40 =	vld [tilespmem:$0x220];
	v4 =	vadd.s32 v39, v4  }
0x4a: {  	v41 =	vld [tilespmem:$0x130];
	[tilespmem:$0x700] =	vst v4  }
0x4b: {  	v3 =	vld.idx.msk [tilespmem:v3+s2+$0x0], $0xffff;
	_ =	sdelay $0x4  }
0x4c: {  	v42 =	vld [tilespmem:$0x230];
	v3 =	vadd.s32 v40, v3  }
0x4d: {  	[tilespmem:$0x780] =	vst v3;
	v3 =	vld [tilespmem:$0x140]  }
0x4e: {  	v4 =	vld.idx.msk [tilespmem:v41+s2+$0x0], $0xffff;
	_ =	sdelay $0x4  }
0x4f: {  	v43 =	vld [tilespmem:$0x240];
	v4 =	vadd.s32 v42, v4  }
0x50: {  	v44 =	vld [tilespmem:$0x150];
	[tilespmem:$0x800] =	vst v4  }
0x51: {  	v3 =	vld.idx.msk [tilespmem:v3+s2+$0x0], $0xffff;
	_ =	sdelay $0x4  }
0x52: {  	v45 =	vld [tilespmem:$0x250];
	v3 =	vadd.s32 v43, v3  }
0x53: {  	[tilespmem:$0x880] =	vst v3;
	v3 =	vld [tilespmem:$0x160]  }
0x54: {  	v4 =	vld.idx.msk [tilespmem:v44+s2+$0x0], $0xffff;
	_ =	sdelay $0x4  }
0x55: {  	v46 =	vld [tilespmem:$0x260];
	v4 =	vadd.s32 v45, v4  }
0x56: {  	v47 =	vld [tilespmem:$0x170];
	[tilespmem:$0x900] =	vst v4  }
0x57: {  	v3 =	vld.idx.msk [tilespmem:v3+s2+$0x0], $0xffff;
	_ =	sdelay $0x4  }
0x58: {  	v3 =	vadd.s32 v46, v3  }
0x59: {  	[tilespmem:$0x980] =	vst v3;
	v3 =	vld [tilespmem:$0x270]  }
0x5a: {  	v4 =	vld.idx.msk [tilespmem:v47+s2+$0x0], $0xffff;
	_ =	sdelay $0x4  }
0x5b: {  	v3 =	vadd.s32 v3, v4  }
0x5c: {  	s11 =	simm.s32 $0xA80;
	s28 =	rddreg [dreg:$0x18];
	[tilespmem:$0xA00] =	vst v3  }
0x5d: {  	[tilespmem:s11], [sflag:$0x1] =	stream.linear.gather [hbm4b:s28+s2], $0x4000, $0x38;
	[tilespmem:$0x10A80] =	vst v63  }
0x5e: {  	s26 =	rddreg [dreg:$0x7]  }
0x5f: {  	[tilespmem:s12], [sflag:$0x2] =	stream.linear.gather [hbm4b:s26+s2], $0x4000, $0x38;
	[tilespmem:$0x10A80] =	vst v63  }
0x60: {  	s0 =	simm.s32 $0x8A80;
	s29 =	rddreg [dreg:$0x8]  }
0x61: {  	[tilespmem:s0], [sflag:$0x3] =	stream.linear.gather [hbm4b:s29+s2], $0x4000, $0x38;
	[tilespmem:$0x10A80] =	vst v63  }
0x62: {  	s31 =	simm.s32 $0xCA80;
	s30 =	rddreg [dreg:$0x9]  }
0x63: {  	[tilespmem:s31], [sflag:$0x4] =	stream.linear.gather [hbm4b:s30+s2], $0x4000, $0x38;
	[tilespmem:$0x10A80] =	vst v63  }
0x64: {  	_ =	swait.ge [sflag:s22], $0x4000  }
0x65: {  	[sflag:s22] =	ssyncset.done $0x0  }
0x66: {  	[sflag:s22] =	ssyncadd.s32 $0xFFFFC000  }
0x67: {  	v3 =	vld [tilespmem:$0x280];
	_ =	sdelay $0x4  }
0x68: {  	v48 =	vshll.u32 v3, $0x3  }
0x69: {  	v3 =	vand.u32 $0x7, v3;
	v4 =	vand.u32 $0xFFFFFFC0, v48  }
0x6a: {  	v3 =	vor.u32 v3, v4  }
0x6b: {  	v4 =	vperm.xlane v3, v0;
	_ =	sdelay $0x1  }
0x6c: {  	v4 =	vadd.s32 v1, v4;
	_ =	sdelay $0x4  }
0x6d: {  	[hbm4b:s4+s2] =	stream.indirect_vreg.scatter [tilespmem:s11], [sflag:$0x5], $0x80, v4, vm0, $0xb8;
	[tilespmem:$0x10A80] =	vst v63  }
0x6e: {  	s0 =	simm.s32 $0x1280;
	v3 =	vperm.xlane v3, v2  }
0x6f: {  	[hbm4b:s5+s2] =	stream.indirect_vreg.scatter [tilespmem:s0], [sflag:$0x5], $0x80, v4, vm0, $0xb8;
	[tilespmem:$0x10A80] =	vst v63  }
0x70: {  	s1 =	simm.s32 $0x1A80;
	v3 =	vadd.s32 v1, v3  }
0x71: {  	[hbm4b:s6+s2] =	stream.indirect_vreg.scatter [tilespmem:s1], [sflag:$0x5], $0x80, v4, vm0, $0xb8;
	[tilespmem:$0x10A80] =	vst v63  }
0x72: {  	s8 =	simm.s32 $0x2280  }
0x73: {  	[hbm4b:s7+s2] =	stream.indirect_vreg.scatter [tilespmem:s8], [sflag:$0x5], $0x80, v4, vm0, $0xb8;
	[tilespmem:$0x10A80] =	vst v63  }
0x74: {  	s10 =	simm.s32 $0x2A80  }
0x75: {  	[hbm4b:s4+s2] =	stream.indirect_vreg.scatter [tilespmem:s10], [sflag:$0x5], $0x80, v3, vm0, $0xb8;
	[tilespmem:$0x10A80] =	vst v63  }
0x76: {  	s13 =	simm.s32 $0x3280  }
0x77: {  	[hbm4b:s5+s2] =	stream.indirect_vreg.scatter [tilespmem:s13], [sflag:$0x5], $0x80, v3, vm0, $0xb8;
	[tilespmem:$0x10A80] =	vst v63  }
0x78: {  	s16 =	simm.s32 $0x3A80  }
0x79: {  	[hbm4b:s6+s2] =	stream.indirect_vreg.scatter [tilespmem:s16], [sflag:$0x5], $0x80, v3, vm0, $0xb8;
	[tilespmem:$0x10A80] =	vst v63  }
0x7a: {  	s17 =	simm.s32 $0x4280  }
0x7b: {  	[hbm4b:s7+s2] =	stream.indirect_vreg.scatter [tilespmem:s17], [sflag:$0x5], $0x80, v3, vm0, $0xb8;
	[tilespmem:$0x10A80] =	vst v63  }
0x7c: {  	_ =	swait.ge [sflag:s23], $0x4000  }
0x7d: {  	[sflag:s23] =	ssyncset.done $0x0  }
0x7e: {  	s1 =	simm.s32 $0x2;
	s18 =	rddreg [dreg:$0xa];
	[sflag:s23] =	ssyncadd.s32 $0xFFFFC000  }
0x7f: {  	[tilespmem:s11], [sflag:$0x1] =	stream.linear.gather [hbm4b:s18+s2], $0x4000, $0x38;
	[tilespmem:$0x10A80] =	vst v63  }
0x80: {  	_ =	swait.ge [sflag:s1], $0x4000  }
0x81: {  	[sflag:s1] =	ssyncset.done $0x0  }
0x82: {  	[sflag:s1] =	ssyncadd.s32 $0xFFFFC000  }
0x83: {  	v3 =	vld [tilespmem:$0x300];
	_ =	sdelay $0x4  }
0x84: {  	v49 =	vshll.u32 v3, $0x3  }
0x85: {  	v3 =	vand.u32 $0x7, v3;
	v4 =	vand.u32 $0xFFFFFFC0, v49  }
0x86: {  	v3 =	vor.u32 v3, v4  }
0x87: {  	v4 =	vperm.xlane v3, v0;
	_ =	sdelay $0x1  }
0x88: {  	v4 =	vadd.s32 v1, v4;
	_ =	sdelay $0x4  }
0x89: {  	[hbm4b:s4+s2] =	stream.indirect_vreg.scatter [tilespmem:s12], [sflag:$0x6], $0x80, v4, vm0, $0xb8;
	[tilespmem:$0x10A80] =	vst v63  }
0x8a: {  	s19 =	simm.s32 $0x5280;
	v3 =	vperm.xlane v3, v2  }
0x8b: {  	[hbm4b:s5+s2] =	stream.indirect_vreg.scatter [tilespmem:s19], [sflag:$0x6], $0x80, v4, vm0, $0xb8;
	[tilespmem:$0x10A80] =	vst v63  }
0x8c: {  	s25 =	simm.s32 $0x5A80;
	v3 =	vadd.s32 v1, v3  }
0x8d: {  	[hbm4b:s6+s2] =	stream.indirect_vreg.scatter [tilespmem:s25], [sflag:$0x6], $0x80, v4, vm0, $0xb8;
	[tilespmem:$0x10A80] =	vst v63  }
0x8e: {  	s28 =	simm.s32 $0x6280  }
0x8f: {  	[hbm4b:s7+s2] =	stream.indirect_vreg.scatter [tilespmem:s28], [sflag:$0x6], $0x80, v4, vm0, $0xb8;
	[tilespmem:$0x10A80] =	vst v63  }
0x90: {  	s29 =	simm.s32 $0x6A80  }
0x91: {  	[hbm4b:s4+s2] =	stream.indirect_vreg.scatter [tilespmem:s29], [sflag:$0x6], $0x80, v3, vm0, $0xb8;
	[tilespmem:$0x10A80] =	vst v63  }
0x92: {  	s30 =	simm.s32 $0x7280  }
0x93: {  	[hbm4b:s5+s2] =	stream.indirect_vreg.scatter [tilespmem:s30], [sflag:$0x6], $0x80, v3, vm0, $0xb8;
	[tilespmem:$0x10A80] =	vst v63  }
0x94: {  	s31 =	simm.s32 $0x7A80  }
0x95: {  	[hbm4b:s6+s2] =	stream.indirect_vreg.scatter [tilespmem:s31], [sflag:$0x6], $0x80, v3, vm0, $0xb8;
	[tilespmem:$0x10A80] =	vst v63  }
0x96: {  	s0 =	simm.s32 $0x8280  }
0x97: {  	[hbm4b:s7+s2] =	stream.indirect_vreg.scatter [tilespmem:s0], [sflag:$0x6], $0x80, v3, vm0, $0xb8;
	[tilespmem:$0x10A80] =	vst v63  }
0x98: {  	s0 =	simm.s32 $0x6  }
0x99: {  	_ =	swait.ge [sflag:s0], $0x4000  }
0x9a: {  	[sflag:s0] =	ssyncset.done $0x0  }
0x9b: {  	s3 =	rddreg [dreg:$0xb];
	[sflag:s0] =	ssyncadd.s32 $0xFFFFC000  }
0x9c: {  	[tilespmem:s12], [sflag:$0x2] =	stream.linear.gather [hbm4b:s3+s2], $0x4000, $0x38;
	[tilespmem:$0x10A80] =	vst v63  }
0x9d: {  	_ =	swait.ge [sflag:s21], $0x4000  }
0x9e: {  	[sflag:s21] =	ssyncset.done $0x0  }
0x9f: {  	[sflag:s21] =	ssyncadd.s32 $0xFFFFC000  }
0xa0: {  	v3 =	vld [tilespmem:$0x380];
	_ =	sdelay $0x4  }
0xa1: {  	v50 =	vshll.u32 v3, $0x3  }
0xa2: {  	v3 =	vand.u32 $0x7, v3;
	v4 =	vand.u32 $0xFFFFFFC0, v50  }
0xa3: {  	v3 =	vor.u32 v3, v4  }
0xa4: {  	v4 =	vperm.xlane v3, v0;
	_ =	sdelay $0x1  }
0xa5: {  	v4 =	vadd.s32 v1, v4;
	_ =	sdelay $0x3  }
0xa6: {  	s9 =	simm.s32 $0x8A80  }
0xa7: {  	[hbm4b:s4+s2] =	stream.indirect_vreg.scatter [tilespmem:s9], [sflag:$0x7], $0x80, v4, vm0, $0xb8;
	[tilespmem:$0x10A80] =	vst v63  }
0xa8: {  	s8 =	simm.s32 $0x9280;
	v3 =	vperm.xlane v3, v2  }
0xa9: {  	[hbm4b:s5+s2] =	stream.indirect_vreg.scatter [tilespmem:s8], [sflag:$0x7], $0x80, v4, vm0, $0xb8;
	[tilespmem:$0x10A80] =	vst v63  }
0xaa: {  	s10 =	simm.s32 $0x9A80;
	v3 =	vadd.s32 v1, v3  }
0xab: {  	[hbm4b:s6+s2] =	stream.indirect_vreg.scatter [tilespmem:s10], [sflag:$0x7], $0x80, v4, vm0, $0xb8;
	[tilespmem:$0x10A80] =	vst v63  }
0xac: {  	s16 =	simm.s32 $0xA280  }
0xad: {  	[hbm4b:s7+s2] =	stream.indirect_vreg.scatter [tilespmem:s16], [sflag:$0x7], $0x80, v4, vm0, $0xb8;
	[tilespmem:$0x10A80] =	vst v63  }
0xae: {  	s18 =	simm.s32 $0xAA80  }
0xaf: {  	[hbm4b:s4+s2] =	stream.indirect_vreg.scatter [tilespmem:s18], [sflag:$0x7], $0x80, v3, vm0, $0xb8;
	[tilespmem:$0x10A80] =	vst v63  }
0xb0: {  	s19 =	simm.s32 $0xB280  }
0xb1: {  	[hbm4b:s5+s2] =	stream.indirect_vreg.scatter [tilespmem:s19], [sflag:$0x7], $0x80, v3, vm0, $0xb8;
	[tilespmem:$0x10A80] =	vst v63  }
0xb2: {  	s25 =	simm.s32 $0xBA80  }
0xb3: {  	[hbm4b:s6+s2] =	stream.indirect_vreg.scatter [tilespmem:s25], [sflag:$0x7], $0x80, v3, vm0, $0xb8;
	[tilespmem:$0x10A80] =	vst v63  }
0xb4: {  	s28 =	simm.s32 $0xC280  }
0xb5: {  	[hbm4b:s7+s2] =	stream.indirect_vreg.scatter [tilespmem:s28], [sflag:$0x7], $0x80, v3, vm0, $0xb8;
	[tilespmem:$0x10A80] =	vst v63  }
0xb6: {  	_ =	swait.ge [sflag:s24], $0x4000  }
0xb7: {  	[sflag:s24] =	ssyncset.done $0x0  }
0xb8: {  	s29 =	rddreg [dreg:$0xc];
	[sflag:s24] =	ssyncadd.s32 $0xFFFFC000  }
0xb9: {  	[tilespmem:s9], [sflag:$0x3] =	stream.linear.gather [hbm4b:s29+s2], $0x4000, $0x38;
	[tilespmem:$0x10A80] =	vst v63  }
0xba: {  	_ =	swait.ge [sflag:s15], $0x4000  }
0xbb: {  	[sflag:s15] =	ssyncset.done $0x0  }
0xbc: {  	[sflag:s15] =	ssyncadd.s32 $0xFFFFC000  }
0xbd: {  	v3 =	vld [tilespmem:$0x400];
	_ =	sdelay $0x4  }
0xbe: {  	v51 =	vshll.u32 v3, $0x3  }
0xbf: {  	v3 =	vand.u32 $0x7, v3;
	v4 =	vand.u32 $0xFFFFFFC0, v51  }
0xc0: {  	v3 =	vor.u32 v3, v4  }
0xc1: {  	v4 =	vperm.xlane v3, v0;
	_ =	sdelay $0x1  }
0xc2: {  	v4 =	vadd.s32 v1, v4;
	_ =	sdelay $0x3  }
0xc3: {  	s30 =	simm.s32 $0xCA80  }
0xc4: {  	[hbm4b:s4+s2] =	stream.indirect_vreg.scatter [tilespmem:s30], [sflag:$0x8], $0x80, v4, vm0, $0xb8;
	[tilespmem:$0x10A80] =	vst v63  }
0xc5: {  	s8 =	simm.s32 $0xD280;
	v3 =	vperm.xlane v3, v2  }
0xc6: {  	[hbm4b:s5+s2] =	stream.indirect_vreg.scatter [tilespmem:s8], [sflag:$0x8], $0x80, v4, vm0, $0xb8;
	[tilespmem:$0x10A80] =	vst v63  }
0xc7: {  	s10 =	simm.s32 $0xDA80;
	v3 =	vadd.s32 v1, v3  }
0xc8: {  	[hbm4b:s6+s2] =	stream.indirect_vreg.scatter [tilespmem:s10], [sflag:$0x8], $0x80, v4, vm0, $0xb8;
	[tilespmem:$0x10A80] =	vst v63  }
0xc9: {  	s16 =	simm.s32 $0xE280  }
0xca: {  	[hbm4b:s7+s2] =	stream.indirect_vreg.scatter [tilespmem:s16], [sflag:$0x8], $0x80, v4, vm0, $0xb8;
	[tilespmem:$0x10A80] =	vst v63  }
0xcb: {  	s18 =	simm.s32 $0xEA80  }
0xcc: {  	[hbm4b:s4+s2] =	stream.indirect_vreg.scatter [tilespmem:s18], [sflag:$0x8], $0x80, v3, vm0, $0xb8;
	[tilespmem:$0x10A80] =	vst v63  }
0xcd: {  	s19 =	simm.s32 $0xF280  }
0xce: {  	[hbm4b:s5+s2] =	stream.indirect_vreg.scatter [tilespmem:s19], [sflag:$0x8], $0x80, v3, vm0, $0xb8;
	[tilespmem:$0x10A80] =	vst v63  }
0xcf: {  	s25 =	simm.s32 $0xFA80  }
0xd0: {  	[hbm4b:s6+s2] =	stream.indirect_vreg.scatter [tilespmem:s25], [sflag:$0x8], $0x80, v3, vm0, $0xb8;
	[tilespmem:$0x10A80] =	vst v63  }
0xd1: {  	s28 =	simm.s32 $0x10280;
	s8 =	simm.s32 $0x8  }
0xd2: {  	[hbm4b:s7+s2] =	stream.indirect_vreg.scatter [tilespmem:s28], [sflag:$0x8], $0x80, v3, vm0, $0xb8;
	[tilespmem:$0x10A80] =	vst v63  }
0xd3: {  	_ =	swait.ge [sflag:s8], $0x4000  }
0xd4: {  	[sflag:s8] =	ssyncset.done $0x0  }
0xd5: {  	s29 =	rddreg [dreg:$0xd];
	[sflag:s8] =	ssyncadd.s32 $0xFFFFC000  }
0xd6: {  	[tilespmem:s30], [sflag:$0x4] =	stream.linear.gather [hbm4b:s29+s2], $0x4000, $0x38;
	[tilespmem:$0x10A80] =	vst v63  }
0xd7: {  	_ =	swait.ge [sflag:s22], $0x4000  }
0xd8: {  	[sflag:s22] =	ssyncset.done $0x0  }
0xd9: {  	[sflag:s22] =	ssyncadd.s32 $0xFFFFC000  }
0xda: {  	v3 =	vld [tilespmem:$0x480];
	_ =	sdelay $0x4  }
0xdb: {  	v52 =	vshll.u32 v3, $0x3  }
0xdc: {  	v3 =	vand.u32 $0x7, v3;
	v4 =	vand.u32 $0xFFFFFFC0, v52  }
0xdd: {  	v3 =	vor.u32 v3, v4  }
0xde: {  	v4 =	vperm.xlane v3, v0;
	_ =	sdelay $0x1  }
0xdf: {  	v4 =	vadd.s32 v1, v4;
	_ =	sdelay $0x4  }
0xe0: {  	[hbm4b:s4+s2] =	stream.indirect_vreg.scatter [tilespmem:s11], [sflag:$0x5], $0x80, v4, vm0, $0xb8;
	[tilespmem:$0x10A80] =	vst v63  }
0xe1: {  	s14 =	simm.s32 $0x1280;
	v3 =	vperm.xlane v3, v2  }
0xe2: {  	[hbm4b:s5+s2] =	stream.indirect_vreg.scatter [tilespmem:s14], [sflag:$0x5], $0x80, v4, vm0, $0xb8;
	[tilespmem:$0x10A80] =	vst v63  }
0xe3: {  	v3 =	vadd.s32 v1, v3;
	s14 =	simm.s32 $0x1A80  }
0xe4: {  	[hbm4b:s6+s2] =	stream.indirect_vreg.scatter [tilespmem:s14], [sflag:$0x5], $0x80, v4, vm0, $0xb8;
	[tilespmem:$0x10A80] =	vst v63  }
0xe5: {  	s10 =	simm.s32 $0x2280  }
0xe6: {  	[hbm4b:s7+s2] =	stream.indirect_vreg.scatter [tilespmem:s10], [sflag:$0x5], $0x80, v4, vm0, $0xb8;
	[tilespmem:$0x10A80] =	vst v63  }
0xe7: {  	s18 =	simm.s32 $0x2A80  }
0xe8: {  	[hbm4b:s4+s2] =	stream.indirect_vreg.scatter [tilespmem:s18], [sflag:$0x5], $0x80, v3, vm0, $0xb8;
	[tilespmem:$0x10A80] =	vst v63  }
0xe9: {  	s19 =	simm.s32 $0x3280  }
0xea: {  	[hbm4b:s5+s2] =	stream.indirect_vreg.scatter [tilespmem:s19], [sflag:$0x5], $0x80, v3, vm0, $0xb8;
	[tilespmem:$0x10A80] =	vst v63  }
0xeb: {  	s25 =	simm.s32 $0x3A80  }
0xec: {  	[hbm4b:s6+s2] =	stream.indirect_vreg.scatter [tilespmem:s25], [sflag:$0x5], $0x80, v3, vm0, $0xb8;
	[tilespmem:$0x10A80] =	vst v63  }
0xed: {  	s26 =	simm.s32 $0x4280  }
0xee: {  	[hbm4b:s7+s2] =	stream.indirect_vreg.scatter [tilespmem:s26], [sflag:$0x5], $0x80, v3, vm0, $0xb8;
	[tilespmem:$0x10A80] =	vst v63  }
0xef: {  	_ =	swait.ge [sflag:s23], $0x4000  }
0xf0: {  	[sflag:s23] =	ssyncset.done $0x0  }
0xf1: {  	s30 =	rddreg [dreg:$0xe];
	[sflag:s23] =	ssyncadd.s32 $0xFFFFC000  }
0xf2: {  	[tilespmem:s11], [sflag:$0x1] =	stream.linear.gather [hbm4b:s30+s2], $0x4000, $0x38;
	[tilespmem:$0x10A80] =	vst v63  }
0xf3: {  	_ =	swait.ge [sflag:s1], $0x4000  }
0xf4: {  	[sflag:s1] =	ssyncset.done $0x0  }
0xf5: {  	[sflag:s1] =	ssyncadd.s32 $0xFFFFC000  }
0xf6: {  	v3 =	vld [tilespmem:$0x500];
	_ =	sdelay $0x4  }
0xf7: {  	v53 =	vshll.u32 v3, $0x3  }
0xf8: {  	v3 =	vand.u32 $0x7, v3;
	v4 =	vand.u32 $0xFFFFFFC0, v53  }
0xf9: {  	v3 =	vor.u32 v3, v4  }
0xfa: {  	v4 =	vperm.xlane v3, v0;
	_ =	sdelay $0x1  }
0xfb: {  	v4 =	vadd.s32 v1, v4;
	_ =	sdelay $0x4  }
0xfc: {  	[hbm4b:s4+s2] =	stream.indirect_vreg.scatter [tilespmem:s12], [sflag:$0x6], $0x80, v4, vm0, $0xb8;
	[tilespmem:$0x10A80] =	vst v63  }
0xfd: {  	s13 =	simm.s32 $0x5280;
	v3 =	vperm.xlane v3, v2  }
0xfe: {  	[hbm4b:s5+s2] =	stream.indirect_vreg.scatter [tilespmem:s13], [sflag:$0x6], $0x80, v4, vm0, $0xb8;
	[tilespmem:$0x10A80] =	vst v63  }
0xff: {  	v3 =	vadd.s32 v1, v3;
	s13 =	simm.s32 $0x5A80  }
0x100: {  	[hbm4b:s6+s2] =	stream.indirect_vreg.scatter [tilespmem:s13], [sflag:$0x6], $0x80, v4, vm0, $0xb8;
	[tilespmem:$0x10A80] =	vst v63  }
0x101: {  	s26 =	simm.s32 $0x6280  }
0x102: {  	[hbm4b:s7+s2] =	stream.indirect_vreg.scatter [tilespmem:s26], [sflag:$0x6], $0x80, v4, vm0, $0xb8;
	[tilespmem:$0x10A80] =	vst v63  }
0x103: {  	s28 =	simm.s32 $0x6A80  }
0x104: {  	[hbm4b:s4+s2] =	stream.indirect_vreg.scatter [tilespmem:s28], [sflag:$0x6], $0x80, v3, vm0, $0xb8;
	[tilespmem:$0x10A80] =	vst v63  }
0x105: {  	s29 =	simm.s32 $0x7280  }
0x106: {  	[hbm4b:s5+s2] =	stream.indirect_vreg.scatter [tilespmem:s29], [sflag:$0x6], $0x80, v3, vm0, $0xb8;
	[tilespmem:$0x10A80] =	vst v63  }
0x107: {  	s30 =	simm.s32 $0x7A80  }
0x108: {  	[hbm4b:s6+s2] =	stream.indirect_vreg.scatter [tilespmem:s30], [sflag:$0x6], $0x80, v3, vm0, $0xb8;
	[tilespmem:$0x10A80] =	vst v63  }
0x109: {  	s31 =	simm.s32 $0x8280  }
0x10a: {  	[hbm4b:s7+s2] =	stream.indirect_vreg.scatter [tilespmem:s31], [sflag:$0x6], $0x80, v3, vm0, $0xb8;
	[tilespmem:$0x10A80] =	vst v63  }
0x10b: {  	_ =	swait.ge [sflag:s0], $0x4000  }
0x10c: {  	[sflag:s0] =	ssyncset.done $0x0  }
0x10d: {  	s31 =	rddreg [dreg:$0xf];
	[sflag:s0] =	ssyncadd.s32 $0xFFFFC000  }
0x10e: {  	[tilespmem:s12], [sflag:$0x2] =	stream.linear.gather [hbm4b:s31+s2], $0x4000, $0x38;
	[tilespmem:$0x10A80] =	vst v63  }
0x10f: {  	_ =	swait.ge [sflag:s21], $0x4000  }
0x110: {  	[sflag:s21] =	ssyncset.done $0x0  }
0x111: {  	[sflag:s21] =	ssyncadd.s32 $0xFFFFC000  }
0x112: {  	v3 =	vld [tilespmem:$0x580];
	_ =	sdelay $0x4  }
0x113: {  	v54 =	vshll.u32 v3, $0x3  }
0x114: {  	v3 =	vand.u32 $0x7, v3;
	v4 =	vand.u32 $0xFFFFFFC0, v54  }
0x115: {  	v3 =	vor.u32 v3, v4  }
0x116: {  	v4 =	vperm.xlane v3, v0;
	_ =	sdelay $0x1  }
0x117: {  	v4 =	vadd.s32 v1, v4;
	_ =	sdelay $0x4  }
0x118: {  	[hbm4b:s4+s2] =	stream.indirect_vreg.scatter [tilespmem:s9], [sflag:$0x7], $0x80, v4, vm0, $0xb8;
	[tilespmem:$0x10A80] =	vst v63  }
0x119: {  	s17 =	simm.s32 $0x9280;
	v3 =	vperm.xlane v3, v2  }
0x11a: {  	[hbm4b:s5+s2] =	stream.indirect_vreg.scatter [tilespmem:s17], [sflag:$0x7], $0x80, v4, vm0, $0xb8;
	[tilespmem:$0x10A80] =	vst v63  }
0x11b: {  	s31 =	simm.s32 $0x9A80;
	v3 =	vadd.s32 v1, v3  }
0x11c: {  	[hbm4b:s6+s2] =	stream.indirect_vreg.scatter [tilespmem:s31], [sflag:$0x7], $0x80, v4, vm0, $0xb8;
	[tilespmem:$0x10A80] =	vst v63  }
0x11d: {  	s17 =	simm.s32 $0xA280  }
0x11e: {  	[hbm4b:s7+s2] =	stream.indirect_vreg.scatter [tilespmem:s17], [sflag:$0x7], $0x80, v4, vm0, $0xb8;
	[tilespmem:$0x10A80] =	vst v63  }
0x11f: {  	s17 =	simm.s32 $0xAA80  }
0x120: {  	[hbm4b:s4+s2] =	stream.indirect_vreg.scatter [tilespmem:s17], [sflag:$0x7], $0x80, v3, vm0, $0xb8;
	[tilespmem:$0x10A80] =	vst v63  }
0x121: {  	s16 =	simm.s32 $0xB280  }
0x122: {  	[hbm4b:s5+s2] =	stream.indirect_vreg.scatter [tilespmem:s16], [sflag:$0x7], $0x80, v3, vm0, $0xb8;
	[tilespmem:$0x10A80] =	vst v63  }
0x123: {  	s16 =	simm.s32 $0xBA80  }
0x124: {  	[hbm4b:s6+s2] =	stream.indirect_vreg.scatter [tilespmem:s16], [sflag:$0x7], $0x80, v3, vm0, $0xb8;
	[tilespmem:$0x10A80] =	vst v63  }
0x125: {  	s16 =	simm.s32 $0xC280  }
0x126: {  	[hbm4b:s7+s2] =	stream.indirect_vreg.scatter [tilespmem:s16], [sflag:$0x7], $0x80, v3, vm0, $0xb8;
	[tilespmem:$0x10A80] =	vst v63  }
0x127: {  	_ =	swait.ge [sflag:s24], $0x4000  }
0x128: {  	[sflag:s24] =	ssyncset.done $0x0  }
0x129: {  	s16 =	rddreg [dreg:$0x10];
	[sflag:s24] =	ssyncadd.s32 $0xFFFFC000  }
0x12a: {  	[tilespmem:s9], [sflag:$0x3] =	stream.linear.gather [hbm4b:s16+s2], $0x4000, $0x38;
	[tilespmem:$0x10A80] =	vst v63  }
0x12b: {  	_ =	swait.ge [sflag:s15], $0x4000  }
0x12c: {  	[sflag:s15] =	ssyncset.done $0x0  }
0x12d: {  	[sflag:s15] =	ssyncadd.s32 $0xFFFFC000  }
0x12e: {  	v3 =	vld [tilespmem:$0x600];
	_ =	sdelay $0x4  }
0x12f: {  	v55 =	vshll.u32 v3, $0x3  }
0x130: {  	v3 =	vand.u32 $0x7, v3;
	v4 =	vand.u32 $0xFFFFFFC0, v55  }
0x131: {  	v3 =	vor.u32 v3, v4  }
0x132: {  	v4 =	vperm.xlane v3, v0;
	_ =	sdelay $0x1  }
0x133: {  	v4 =	vadd.s32 v1, v4;
	_ =	sdelay $0x3  }
0x134: {  	s3 =	simm.s32 $0xCA80  }
0x135: {  	[hbm4b:s4+s2] =	stream.indirect_vreg.scatter [tilespmem:s3], [sflag:$0x8], $0x80, v4, vm0, $0xb8;
	[tilespmem:$0x10A80] =	vst v63  }
0x136: {  	s16 =	simm.s32 $0xD280;
	v3 =	vperm.xlane v3, v2  }
0x137: {  	[hbm4b:s5+s2] =	stream.indirect_vreg.scatter [tilespmem:s16], [sflag:$0x8], $0x80, v4, vm0, $0xb8;
	[tilespmem:$0x10A80] =	vst v63  }
0x138: {  	v3 =	vadd.s32 v1, v3;
	s16 =	simm.s32 $0xDA80  }
0x139: {  	[hbm4b:s6+s2] =	stream.indirect_vreg.scatter [tilespmem:s16], [sflag:$0x8], $0x80, v4, vm0, $0xb8;
	[tilespmem:$0x10A80] =	vst v63  }
0x13a: {  	s9 =	simm.s32 $0xE280  }
0x13b: {  	[hbm4b:s7+s2] =	stream.indirect_vreg.scatter [tilespmem:s9], [sflag:$0x8], $0x80, v4, vm0, $0xb8;
	[tilespmem:$0x10A80] =	vst v63  }
0x13c: {  	s16 =	simm.s32 $0xEA80  }
0x13d: {  	[hbm4b:s4+s2] =	stream.indirect_vreg.scatter [tilespmem:s16], [sflag:$0x8], $0x80, v3, vm0, $0xb8;
	[tilespmem:$0x10A80] =	vst v63  }
0x13e: {  	s16 =	simm.s32 $0xF280  }
0x13f: {  	[hbm4b:s5+s2] =	stream.indirect_vreg.scatter [tilespmem:s16], [sflag:$0x8], $0x80, v3, vm0, $0xb8;
	[tilespmem:$0x10A80] =	vst v63  }
0x140: {  	s16 =	simm.s32 $0xFA80  }
0x141: {  	[hbm4b:s6+s2] =	stream.indirect_vreg.scatter [tilespmem:s16], [sflag:$0x8], $0x80, v3, vm0, $0xb8;
	[tilespmem:$0x10A80] =	vst v63  }
0x142: {  	s16 =	simm.s32 $0x10280  }
0x143: {  	[hbm4b:s7+s2] =	stream.indirect_vreg.scatter [tilespmem:s16], [sflag:$0x8], $0x80, v3, vm0, $0xb8;
	[tilespmem:$0x10A80] =	vst v63  }
0x144: {  	_ =	swait.ge [sflag:s8], $0x4000  }
0x145: {  	[sflag:s8] =	ssyncset.done $0x0  }
0x146: {  	s16 =	rddreg [dreg:$0x11];
	[sflag:s8] =	ssyncadd.s32 $0xFFFFC000  }
0x147: {  	[tilespmem:s3], [sflag:$0x4] =	stream.linear.gather [hbm4b:s16+s2], $0x4000, $0x38;
	[tilespmem:$0x10A80] =	vst v63  }
0x148: {  	_ =	swait.ge [sflag:s22], $0x4000  }
0x149: {  	[sflag:s22] =	ssyncset.done $0x0  }
0x14a: {  	[sflag:s22] =	ssyncadd.s32 $0xFFFFC000  }
0x14b: {  	v3 =	vld [tilespmem:$0x680];
	_ =	sdelay $0x4  }
0x14c: {  	v56 =	vshll.u32 v3, $0x3  }
0x14d: {  	v3 =	vand.u32 $0x7, v3;
	v4 =	vand.u32 $0xFFFFFFC0, v56  }
0x14e: {  	v3 =	vor.u32 v3, v4  }
0x14f: {  	v4 =	vperm.xlane v3, v0;
	_ =	sdelay $0x1  }
0x150: {  	v4 =	vadd.s32 v1, v4;
	_ =	sdelay $0x4  }
0x151: {  	[hbm4b:s4+s2] =	stream.indirect_vreg.scatter [tilespmem:s11], [sflag:$0x5], $0x80, v4, vm0, $0xb8;
	[tilespmem:$0x10A80] =	vst v63  }
0x152: {  	s16 =	simm.s32 $0x1280;
	v3 =	vperm.xlane v3, v2  }
0x153: {  	[hbm4b:s5+s2] =	stream.indirect_vreg.scatter [tilespmem:s16], [sflag:$0x5], $0x80, v4, vm0, $0xb8;
	[tilespmem:$0x10A80] =	vst v63  }
0x154: {  	v3 =	vadd.s32 v1, v3  }
0x155: {  	[hbm4b:s6+s2] =	stream.indirect_vreg.scatter [tilespmem:s14], [sflag:$0x5], $0x80, v4, vm0, $0xb8;
	[tilespmem:$0x10A80] =	vst v63  }
0x156: {  	_ = 	snop  }
0x157: {  	[hbm4b:s7+s2] =	stream.indirect_vreg.scatter [tilespmem:s10], [sflag:$0x5], $0x80, v4, vm0, $0xb8;
	[tilespmem:$0x10A80] =	vst v63  }
0x158: {  	_ = 	snop  }
0x159: {  	[hbm4b:s4+s2] =	stream.indirect_vreg.scatter [tilespmem:s18], [sflag:$0x5], $0x80, v3, vm0, $0xb8;
	[tilespmem:$0x10A80] =	vst v63  }
0x15a: {  	_ = 	snop  }
0x15b: {  	[hbm4b:s5+s2] =	stream.indirect_vreg.scatter [tilespmem:s19], [sflag:$0x5], $0x80, v3, vm0, $0xb8;
	[tilespmem:$0x10A80] =	vst v63  }
0x15c: {  	_ = 	snop  }
0x15d: {  	[hbm4b:s6+s2] =	stream.indirect_vreg.scatter [tilespmem:s25], [sflag:$0x5], $0x80, v3, vm0, $0xb8;
	[tilespmem:$0x10A80] =	vst v63  }
0x15e: {  	s10 =	simm.s32 $0x4280  }
0x15f: {  	[hbm4b:s7+s2] =	stream.indirect_vreg.scatter [tilespmem:s10], [sflag:$0x5], $0x80, v3, vm0, $0xb8;
	[tilespmem:$0x10A80] =	vst v63  }
0x160: {  	_ =	swait.ge [sflag:s23], $0x4000  }
0x161: {  	[sflag:s23] =	ssyncset.done $0x0  }
0x162: {  	s14 =	rddreg [dreg:$0x12];
	[sflag:s23] =	ssyncadd.s32 $0xFFFFC000  }
0x163: {  	[tilespmem:s11], [sflag:$0x1] =	stream.linear.gather [hbm4b:s14+s2], $0x4000, $0x38;
	[tilespmem:$0x10A80] =	vst v63  }
0x164: {  	_ =	swait.ge [sflag:s1], $0x4000  }
0x165: {  	[sflag:s1] =	ssyncset.done $0x0  }
0x166: {  	[sflag:s1] =	ssyncadd.s32 $0xFFFFC000  }
0x167: {  	v3 =	vld [tilespmem:$0x700];
	_ =	sdelay $0x4  }
0x168: {  	v57 =	vshll.u32 v3, $0x3  }
0x169: {  	v3 =	vand.u32 $0x7, v3;
	v4 =	vand.u32 $0xFFFFFFC0, v57  }
0x16a: {  	v3 =	vor.u32 v3, v4  }
0x16b: {  	v4 =	vperm.xlane v3, v0;
	_ =	sdelay $0x1  }
0x16c: {  	v4 =	vadd.s32 v1, v4;
	_ =	sdelay $0x4  }
0x16d: {  	[hbm4b:s4+s2] =	stream.indirect_vreg.scatter [tilespmem:s12], [sflag:$0x6], $0x80, v4, vm0, $0xb8;
	[tilespmem:$0x10A80] =	vst v63  }
0x16e: {  	s16 =	simm.s32 $0x5280;
	v3 =	vperm.xlane v3, v2  }
0x16f: {  	[hbm4b:s5+s2] =	stream.indirect_vreg.scatter [tilespmem:s16], [sflag:$0x6], $0x80, v4, vm0, $0xb8;
	[tilespmem:$0x10A80] =	vst v63  }
0x170: {  	v3 =	vadd.s32 v1, v3  }
0x171: {  	[hbm4b:s6+s2] =	stream.indirect_vreg.scatter [tilespmem:s13], [sflag:$0x6], $0x80, v4, vm0, $0xb8;
	[tilespmem:$0x10A80] =	vst v63  }
0x172: {  	_ = 	snop  }
0x173: {  	[hbm4b:s7+s2] =	stream.indirect_vreg.scatter [tilespmem:s26], [sflag:$0x6], $0x80, v4, vm0, $0xb8;
	[tilespmem:$0x10A80] =	vst v63  }
0x174: {  	_ = 	snop  }
0x175: {  	[hbm4b:s4+s2] =	stream.indirect_vreg.scatter [tilespmem:s28], [sflag:$0x6], $0x80, v3, vm0, $0xb8;
	[tilespmem:$0x10A80] =	vst v63  }
0x176: {  	_ = 	snop  }
0x177: {  	[hbm4b:s5+s2] =	stream.indirect_vreg.scatter [tilespmem:s29], [sflag:$0x6], $0x80, v3, vm0, $0xb8;
	[tilespmem:$0x10A80] =	vst v63  }
0x178: {  	_ = 	snop  }
0x179: {  	[hbm4b:s6+s2] =	stream.indirect_vreg.scatter [tilespmem:s30], [sflag:$0x6], $0x80, v3, vm0, $0xb8;
	[tilespmem:$0x10A80] =	vst v63  }
0x17a: {  	s18 =	simm.s32 $0x8280  }
0x17b: {  	[hbm4b:s7+s2] =	stream.indirect_vreg.scatter [tilespmem:s18], [sflag:$0x6], $0x80, v3, vm0, $0xb8;
	[tilespmem:$0x10A80] =	vst v63  }
0x17c: {  	_ =	swait.ge [sflag:s0], $0x4000  }
0x17d: {  	[sflag:s0] =	ssyncset.done $0x0  }
0x17e: {  	s19 =	rddreg [dreg:$0x13];
	[sflag:s0] =	ssyncadd.s32 $0xFFFFC000  }
0x17f: {  	[tilespmem:s12], [sflag:$0x2] =	stream.linear.gather [hbm4b:s19+s2], $0x4000, $0x38;
	[tilespmem:$0x10A80] =	vst v63  }
0x180: {  	_ =	swait.ge [sflag:s21], $0x4000  }
0x181: {  	[sflag:s21] =	ssyncset.done $0x0  }
0x182: {  	[sflag:s21] =	ssyncadd.s32 $0xFFFFC000  }
0x183: {  	v3 =	vld [tilespmem:$0x780];
	_ =	sdelay $0x4  }
0x184: {  	v58 =	vshll.u32 v3, $0x3  }
0x185: {  	v3 =	vand.u32 $0x7, v3;
	v4 =	vand.u32 $0xFFFFFFC0, v58  }
0x186: {  	v3 =	vor.u32 v3, v4  }
0x187: {  	v4 =	vperm.xlane v3, v0;
	_ =	sdelay $0x1  }
0x188: {  	v4 =	vadd.s32 v1, v4;
	_ =	sdelay $0x3  }
0x189: {  	s25 =	simm.s32 $0x8A80  }
0x18a: {  	[hbm4b:s4+s2] =	stream.indirect_vreg.scatter [tilespmem:s25], [sflag:$0x7], $0x80, v4, vm0, $0xb8;
	[tilespmem:$0x10A80] =	vst v63  }
0x18b: {  	s19 =	simm.s32 $0x9280;
	v3 =	vperm.xlane v3, v2  }
0x18c: {  	[hbm4b:s5+s2] =	stream.indirect_vreg.scatter [tilespmem:s19], [sflag:$0x7], $0x80, v4, vm0, $0xb8;
	[tilespmem:$0x10A80] =	vst v63  }
0x18d: {  	v3 =	vadd.s32 v1, v3  }
0x18e: {  	[hbm4b:s6+s2] =	stream.indirect_vreg.scatter [tilespmem:s31], [sflag:$0x7], $0x80, v4, vm0, $0xb8;
	[tilespmem:$0x10A80] =	vst v63  }
0x18f: {  	s26 =	simm.s32 $0xA280  }
0x190: {  	[hbm4b:s7+s2] =	stream.indirect_vreg.scatter [tilespmem:s26], [sflag:$0x7], $0x80, v4, vm0, $0xb8;
	[tilespmem:$0x10A80] =	vst v63  }
0x191: {  	_ = 	snop  }
0x192: {  	[hbm4b:s4+s2] =	stream.indirect_vreg.scatter [tilespmem:s17], [sflag:$0x7], $0x80, v3, vm0, $0xb8;
	[tilespmem:$0x10A80] =	vst v63  }
0x193: {  	s28 =	simm.s32 $0xB280  }
0x194: {  	[hbm4b:s5+s2] =	stream.indirect_vreg.scatter [tilespmem:s28], [sflag:$0x7], $0x80, v3, vm0, $0xb8;
	[tilespmem:$0x10A80] =	vst v63  }
0x195: {  	s29 =	simm.s32 $0xBA80  }
0x196: {  	[hbm4b:s6+s2] =	stream.indirect_vreg.scatter [tilespmem:s29], [sflag:$0x7], $0x80, v3, vm0, $0xb8;
	[tilespmem:$0x10A80] =	vst v63  }
0x197: {  	s3 =	simm.s32 $0xC280  }
0x198: {  	[hbm4b:s7+s2] =	stream.indirect_vreg.scatter [tilespmem:s3], [sflag:$0x7], $0x80, v3, vm0, $0xb8;
	[tilespmem:$0x10A80] =	vst v63  }
0x199: {  	_ =	swait.ge [sflag:s24], $0x4000  }
0x19a: {  	[sflag:s24] =	ssyncset.done $0x0  }
0x19b: {  	s10 =	rddreg [dreg:$0x14];
	[sflag:s24] =	ssyncadd.s32 $0xFFFFC000  }
0x19c: {  	[tilespmem:s25], [sflag:$0x3] =	stream.linear.gather [hbm4b:s10+s2], $0x4000, $0x38;
	[tilespmem:$0x10A80] =	vst v63  }
0x19d: {  	_ =	swait.ge [sflag:s15], $0x4000  }
0x19e: {  	[sflag:s15] =	ssyncset.done $0x0  }
0x19f: {  	[sflag:s15] =	ssyncadd.s32 $0xFFFFC000  }
0x1a0: {  	v3 =	vld [tilespmem:$0x800];
	_ =	sdelay $0x4  }
0x1a1: {  	v59 =	vshll.u32 v3, $0x3  }
0x1a2: {  	v3 =	vand.u32 $0x7, v3;
	v4 =	vand.u32 $0xFFFFFFC0, v59  }
0x1a3: {  	v3 =	vor.u32 v3, v4  }
0x1a4: {  	v4 =	vperm.xlane v3, v0;
	_ =	sdelay $0x1  }
0x1a5: {  	v4 =	vadd.s32 v1, v4;
	_ =	sdelay $0x3  }
0x1a6: {  	s18 =	simm.s32 $0xCA80  }
0x1a7: {  	[hbm4b:s4+s2] =	stream.indirect_vreg.scatter [tilespmem:s18], [sflag:$0x8], $0x80, v4, vm0, $0xb8;
	[tilespmem:$0x10A80] =	vst v63  }
0x1a8: {  	s14 =	simm.s32 $0xD280;
	v3 =	vperm.xlane v3, v2  }
0x1a9: {  	[hbm4b:s5+s2] =	stream.indirect_vreg.scatter [tilespmem:s14], [sflag:$0x8], $0x80, v4, vm0, $0xb8;
	[tilespmem:$0x10A80] =	vst v63  }
0x1aa: {  	s13 =	simm.s32 $0xDA80;
	v3 =	vadd.s32 v1, v3  }
0x1ab: {  	[hbm4b:s6+s2] =	stream.indirect_vreg.scatter [tilespmem:s13], [sflag:$0x8], $0x80, v4, vm0, $0xb8;
	[tilespmem:$0x10A80] =	vst v63  }
0x1ac: {  	_ = 	snop  }
0x1ad: {  	[hbm4b:s7+s2] =	stream.indirect_vreg.scatter [tilespmem:s9], [sflag:$0x8], $0x80, v4, vm0, $0xb8;
	[tilespmem:$0x10A80] =	vst v63  }
0x1ae: {  	s16 =	simm.s32 $0xEA80  }
0x1af: {  	[hbm4b:s4+s2] =	stream.indirect_vreg.scatter [tilespmem:s16], [sflag:$0x8], $0x80, v3, vm0, $0xb8;
	[tilespmem:$0x10A80] =	vst v63  }
0x1b0: {  	s3 =	simm.s32 $0xF280  }
0x1b1: {  	[hbm4b:s5+s2] =	stream.indirect_vreg.scatter [tilespmem:s3], [sflag:$0x8], $0x80, v3, vm0, $0xb8;
	[tilespmem:$0x10A80] =	vst v63  }
0x1b2: {  	s9 =	simm.s32 $0xFA80  }
0x1b3: {  	[hbm4b:s6+s2] =	stream.indirect_vreg.scatter [tilespmem:s9], [sflag:$0x8], $0x80, v3, vm0, $0xb8;
	[tilespmem:$0x10A80] =	vst v63  }
0x1b4: {  	s10 =	simm.s32 $0x10280  }
0x1b5: {  	[hbm4b:s7+s2] =	stream.indirect_vreg.scatter [tilespmem:s10], [sflag:$0x8], $0x80, v3, vm0, $0xb8;
	[tilespmem:$0x10A80] =	vst v63  }
0x1b6: {  	_ =	swait.ge [sflag:s8], $0x4000  }
0x1b7: {  	[sflag:s8] =	ssyncset.done $0x0  }
0x1b8: {  	s16 =	rddreg [dreg:$0x15];
	[sflag:s8] =	ssyncadd.s32 $0xFFFFC000  }
0x1b9: {  	[tilespmem:s18], [sflag:$0x4] =	stream.linear.gather [hbm4b:s16+s2], $0x4000, $0x38;
	[tilespmem:$0x10A80] =	vst v63  }
0x1ba: {  	_ =	swait.ge [sflag:s22], $0x4000  }
0x1bb: {  	[sflag:s22] =	ssyncset.done $0x0  }
0x1bc: {  	[sflag:s22] =	ssyncadd.s32 $0xFFFFC000  }
0x1bd: {  	v3 =	vld [tilespmem:$0x880];
	_ =	sdelay $0x4  }
0x1be: {  	v60 =	vshll.u32 v3, $0x3  }
0x1bf: {  	v3 =	vand.u32 $0x7, v3;
	v4 =	vand.u32 $0xFFFFFFC0, v60  }
0x1c0: {  	v3 =	vor.u32 v3, v4  }
0x1c1: {  	v4 =	vperm.xlane v3, v0;
	_ =	sdelay $0x1  }
0x1c2: {  	v4 =	vadd.s32 v1, v4;
	_ =	sdelay $0x4  }
0x1c3: {  	[hbm4b:s4+s2] =	stream.indirect_vreg.scatter [tilespmem:s11], [sflag:$0x5], $0x80, v4, vm0, $0xb8;
	[tilespmem:$0x10A80] =	vst v63  }
0x1c4: {  	s18 =	simm.s32 $0x1280;
	v3 =	vperm.xlane v3, v2  }
0x1c5: {  	[hbm4b:s5+s2] =	stream.indirect_vreg.scatter [tilespmem:s18], [sflag:$0x5], $0x80, v4, vm0, $0xb8;
	[tilespmem:$0x10A80] =	vst v63  }
0x1c6: {  	v3 =	vadd.s32 v1, v3;
	s18 =	simm.s32 $0x1A80  }
0x1c7: {  	[hbm4b:s6+s2] =	stream.indirect_vreg.scatter [tilespmem:s18], [sflag:$0x5], $0x80, v4, vm0, $0xb8;
	[tilespmem:$0x10A80] =	vst v63  }
0x1c8: {  	s18 =	simm.s32 $0x2280  }
0x1c9: {  	[hbm4b:s7+s2] =	stream.indirect_vreg.scatter [tilespmem:s18], [sflag:$0x5], $0x80, v4, vm0, $0xb8;
	[tilespmem:$0x10A80] =	vst v63  }
0x1ca: {  	s18 =	simm.s32 $0x2A80  }
0x1cb: {  	[hbm4b:s4+s2] =	stream.indirect_vreg.scatter [tilespmem:s18], [sflag:$0x5], $0x80, v3, vm0, $0xb8;
	[tilespmem:$0x10A80] =	vst v63  }
0x1cc: {  	s18 =	simm.s32 $0x3280  }
0x1cd: {  	[hbm4b:s5+s2] =	stream.indirect_vreg.scatter [tilespmem:s18], [sflag:$0x5], $0x80, v3, vm0, $0xb8;
	[tilespmem:$0x10A80] =	vst v63  }
0x1ce: {  	s18 =	simm.s32 $0x3A80  }
0x1cf: {  	[hbm4b:s6+s2] =	stream.indirect_vreg.scatter [tilespmem:s18], [sflag:$0x5], $0x80, v3, vm0, $0xb8;
	[tilespmem:$0x10A80] =	vst v63  }
0x1d0: {  	s18 =	simm.s32 $0x4280  }
0x1d1: {  	[hbm4b:s7+s2] =	stream.indirect_vreg.scatter [tilespmem:s18], [sflag:$0x5], $0x80, v3, vm0, $0xb8;
	[tilespmem:$0x10A80] =	vst v63  }
0x1d2: {  	_ =	swait.ge [sflag:s1], $0x4000  }
0x1d3: {  	[sflag:s1] =	ssyncset.done $0x0  }
0x1d4: {  	[sflag:s1] =	ssyncadd.s32 $0xFFFFC000  }
0x1d5: {  	v3 =	vld [tilespmem:$0x900];
	_ =	sdelay $0x4  }
0x1d6: {  	v61 =	vshll.u32 v3, $0x3  }
0x1d7: {  	v3 =	vand.u32 $0x7, v3;
	v4 =	vand.u32 $0xFFFFFFC0, v61  }
0x1d8: {  	v3 =	vor.u32 v3, v4  }
0x1d9: {  	v4 =	vperm.xlane v3, v0;
	_ =	sdelay $0x1  }
0x1da: {  	v4 =	vadd.s32 v1, v4;
	_ =	sdelay $0x4  }
0x1db: {  	[hbm4b:s4+s2] =	stream.indirect_vreg.scatter [tilespmem:s12], [sflag:$0x6], $0x80, v4, vm0, $0xb8;
	[tilespmem:$0x10A80] =	vst v63  }
0x1dc: {  	s18 =	simm.s32 $0x5280;
	v3 =	vperm.xlane v3, v2  }
0x1dd: {  	[hbm4b:s5+s2] =	stream.indirect_vreg.scatter [tilespmem:s18], [sflag:$0x6], $0x80, v4, vm0, $0xb8;
	[tilespmem:$0x10A80] =	vst v63  }
0x1de: {  	s11 =	simm.s32 $0x5A80;
	v3 =	vadd.s32 v1, v3  }
0x1df: {  	[hbm4b:s6+s2] =	stream.indirect_vreg.scatter [tilespmem:s11], [sflag:$0x6], $0x80, v4, vm0, $0xb8;
	[tilespmem:$0x10A80] =	vst v63  }
0x1e0: {  	s18 =	simm.s32 $0x6280  }
0x1e1: {  	[hbm4b:s7+s2] =	stream.indirect_vreg.scatter [tilespmem:s18], [sflag:$0x6], $0x80, v4, vm0, $0xb8;
	[tilespmem:$0x10A80] =	vst v63  }
0x1e2: {  	s11 =	simm.s32 $0x6A80  }
0x1e3: {  	[hbm4b:s4+s2] =	stream.indirect_vreg.scatter [tilespmem:s11], [sflag:$0x6], $0x80, v3, vm0, $0xb8;
	[tilespmem:$0x10A80] =	vst v63  }
0x1e4: {  	s18 =	simm.s32 $0x7280  }
0x1e5: {  	[hbm4b:s5+s2] =	stream.indirect_vreg.scatter [tilespmem:s18], [sflag:$0x6], $0x80, v3, vm0, $0xb8;
	[tilespmem:$0x10A80] =	vst v63  }
0x1e6: {  	s11 =	simm.s32 $0x7A80  }
0x1e7: {  	[hbm4b:s6+s2] =	stream.indirect_vreg.scatter [tilespmem:s11], [sflag:$0x6], $0x80, v3, vm0, $0xb8;
	[tilespmem:$0x10A80] =	vst v63  }
0x1e8: {  	s18 =	simm.s32 $0x8280  }
0x1e9: {  	[hbm4b:s7+s2] =	stream.indirect_vreg.scatter [tilespmem:s18], [sflag:$0x6], $0x80, v3, vm0, $0xb8;
	[tilespmem:$0x10A80] =	vst v63  }
0x1ea: {  	_ =	swait.ge [sflag:s21], $0x4000  }
0x1eb: {  	[sflag:s21] =	ssyncset.done $0x0  }
0x1ec: {  	[sflag:s21] =	ssyncadd.s32 $0xFFFFC000  }
0x1ed: {  	v3 =	vld [tilespmem:$0x980];
	_ =	sdelay $0x4  }
0x1ee: {  	v62 =	vshll.u32 v3, $0x3  }
0x1ef: {  	v3 =	vand.u32 $0x7, v3;
	v4 =	vand.u32 $0xFFFFFFC0, v62  }
0x1f0: {  	v3 =	vor.u32 v3, v4  }
0x1f1: {  	v4 =	vperm.xlane v3, v0;
	_ =	sdelay $0x1  }
0x1f2: {  	v4 =	vadd.s32 v1, v4;
	_ =	sdelay $0x3  }
0x1f3: {  	s17 =	simm.s32 $0x8A80  }
0x1f4: {  	[hbm4b:s4+s2] =	stream.indirect_vreg.scatter [tilespmem:s17], [sflag:$0x7], $0x80, v4, vm0, $0xb8;
	[tilespmem:$0x10A80] =	vst v63  }
0x1f5: {  	v3 =	vperm.xlane v3, v2  }
0x1f6: {  	[hbm4b:s5+s2] =	stream.indirect_vreg.scatter [tilespmem:s19], [sflag:$0x7], $0x80, v4, vm0, $0xb8;
	[tilespmem:$0x10A80] =	vst v63  }
0x1f7: {  	s31 =	simm.s32 $0x9A80;
	v3 =	vadd.s32 v1, v3  }
0x1f8: {  	[hbm4b:s6+s2] =	stream.indirect_vreg.scatter [tilespmem:s31], [sflag:$0x7], $0x80, v4, vm0, $0xb8;
	[tilespmem:$0x10A80] =	vst v63  }
0x1f9: {  	s19 =	simm.s32 $0xA280  }
0x1fa: {  	[hbm4b:s7+s2] =	stream.indirect_vreg.scatter [tilespmem:s19], [sflag:$0x7], $0x80, v4, vm0, $0xb8;
	[tilespmem:$0x10A80] =	vst v63  }
0x1fb: {  	s30 =	simm.s32 $0xAA80  }
0x1fc: {  	[hbm4b:s4+s2] =	stream.indirect_vreg.scatter [tilespmem:s30], [sflag:$0x7], $0x80, v3, vm0, $0xb8;
	[tilespmem:$0x10A80] =	vst v63  }
0x1fd: {  	s31 =	simm.s32 $0xB280  }
0x1fe: {  	[hbm4b:s5+s2] =	stream.indirect_vreg.scatter [tilespmem:s31], [sflag:$0x7], $0x80, v3, vm0, $0xb8;
	[tilespmem:$0x10A80] =	vst v63  }
0x1ff: {  	s28 =	simm.s32 $0xBA80  }
0x200: {  	[hbm4b:s6+s2] =	stream.indirect_vreg.scatter [tilespmem:s28], [sflag:$0x7], $0x80, v3, vm0, $0xb8;
	[tilespmem:$0x10A80] =	vst v63  }
0x201: {  	s29 =	simm.s32 $0xC280  }
0x202: {  	[hbm4b:s7+s2] =	stream.indirect_vreg.scatter [tilespmem:s29], [sflag:$0x7], $0x80, v3, vm0, $0xb8;
	[tilespmem:$0x10A80] =	vst v63  }
0x203: {  	_ =	swait.ge [sflag:s15], $0x4000  }
0x204: {  	[sflag:s15] =	ssyncset.done $0x0  }
0x205: {  	[sflag:s15] =	ssyncadd.s32 $0xFFFFC000  }
0x206: {  	v3 =	vld [tilespmem:$0xA00];
	_ =	sdelay $0x4  }
0x207: {  	v63 =	vshll.u32 v3, $0x3  }
0x208: {  	v3 =	vand.u32 $0x7, v3;
	v4 =	vand.u32 $0xFFFFFFC0, v63  }
0x209: {  	v3 =	vor.u32 v3, v4  }
0x20a: {  	v4 =	vperm.xlane v3, v0;
	_ =	sdelay $0x1  }
0x20b: {  	v4 =	vadd.s32 v1, v4;
	_ =	sdelay $0x3  }
0x20c: {  	s16 =	simm.s32 $0xCA80  }
0x20d: {  	[hbm4b:s4+s2] =	stream.indirect_vreg.scatter [tilespmem:s16], [sflag:$0x8], $0x80, v4, vm0, $0xb8;
	[tilespmem:$0x10A80] =	vst v63  }
0x20e: {  	s26 =	simm.s32 $0xD280;
	v3 =	vperm.xlane v3, v2  }
0x20f: {  	[hbm4b:s5+s2] =	stream.indirect_vreg.scatter [tilespmem:s26], [sflag:$0x8], $0x80, v4, vm0, $0xb8;
	[tilespmem:$0x10A80] =	vst v63  }
0x210: {  	v3 =	vadd.s32 v1, v3  }
0x211: {  	[hbm4b:s6+s2] =	stream.indirect_vreg.scatter [tilespmem:s13], [sflag:$0x8], $0x80, v4, vm0, $0xb8;
	[tilespmem:$0x10A80] =	vst v63  }
0x212: {  	s25 =	simm.s32 $0xE280  }
0x213: {  	[hbm4b:s7+s2] =	stream.indirect_vreg.scatter [tilespmem:s25], [sflag:$0x8], $0x80, v4, vm0, $0xb8;
	[tilespmem:$0x10A80] =	vst v63  }
0x214: {  	s14 =	simm.s32 $0xEA80  }
0x215: {  	[hbm4b:s4+s2] =	stream.indirect_vreg.scatter [tilespmem:s14], [sflag:$0x8], $0x80, v3, vm0, $0xb8;
	[tilespmem:$0x10A80] =	vst v63  }
0x216: {  	_ = 	snop  }
0x217: {  	[hbm4b:s5+s2] =	stream.indirect_vreg.scatter [tilespmem:s3], [sflag:$0x8], $0x80, v3, vm0, $0xb8;
	[tilespmem:$0x10A80] =	vst v63  }
0x218: {  	_ = 	snop  }
0x219: {  	[hbm4b:s6+s2] =	stream.indirect_vreg.scatter [tilespmem:s9], [sflag:$0x8], $0x80, v3, vm0, $0xb8;
	[tilespmem:$0x10A80] =	vst v63  }
0x21a: {  	_ = 	snop  }
0x21b: {  	[hbm4b:s7+s2] =	stream.indirect_vreg.scatter [tilespmem:s10], [sflag:$0x8], $0x80, v3, vm0, $0xb8;
	[tilespmem:$0x10A80] =	vst v63  }
0x21c: {  	_ =	swait.ge [sflag:s23], $0x4000  }
0x21d: {  	[sflag:s23] =	ssyncset.done $0x0  }
0x21e: {  	[sflag:s23] =	ssyncadd.s32 $0xFFFFC000  }
0x21f: {  	_ =	swait.ge [sflag:s0], $0x4000  }
0x220: {  	[sflag:s0] =	ssyncset.done $0x0  }
0x221: {  	[sflag:s0] =	ssyncadd.s32 $0xFFFFC000  }
0x222: {  	p0 =	sne.s32 s20, $0x1;
	_ =	swait.ge [sflag:s24], $0x4000  }
.Ltmp0:
0x223: {  	[sflag:s24] =	ssyncset.done $0x0;
	(pc) =	sbr.rel @p0 .LBB2_1-.Ltmp0, $4  }
0x224: {  	[sflag:s24] =	ssyncadd.s32 $0xFFFFC000  }
0x225: {  	_ =	swait.ge [sflag:s8], $0x4000  }
0x226: {  	[sflag:s8] =	ssyncset.done $0x0  }
0x227: {  	s20 =	sadd.s32 $0xFFFFFFFF, s20;
	[sflag:s8] =	ssyncadd.s32 $0xFFFFC000  }
0x228: {  	_ =	sfence.sel $0x180000  }
0x229: {  	[bflag:$0x0] =	sbarrier.arrive $0xFFFF  }
0x22a: {  	_ =	strace $0x90000047  }
0x22b: {  	s0 =	stileid.u32;
	[bflag:$0x2] =	sbarrier.arrive $0xFFFF  }
0x22c: {  	p0 =	sne.s32 s0, $0x0;
	s0 =	rddreg [dreg:$0x3]  }
0x22d: {  	s0 =	sadd.s32 @!p0 $0x100000, s0  }
0x22e: {  	[sflag:s0] =	ssyncadd.tile.s32 @!p0 $0x1;
	_ =	shalt  }
.Lfunc_end2:
_tile_overlayer_lowered:
.L_overlay_start_2:
0x22f: {  	(tag) =	ssettag $0x2  }
0x230: {  	s0 =	rddreg [dreg:$0x0];
	s2 =	stileid.u32  }
0x231: {  	s1 =	rddreg [dreg:$0x1];
	p0 =	sne.s32 s2, $0x0  }
0x232: {  	s3 =	rddreg [dreg:$0x2];
	[bflag:$0x3] =	sbarrier.arrive $0xFFFF;
	s2 =	simm.s32 @!p0 $0x1C09  }
0x233: {  	[timem:s3], [sflag:s2] =	dma.local @!p0 [hbm:s0], s1  }
0x234: {  	s0 =	simm.s32 @!p0 $0x9  }
0x235: {  	_ =	swait.ge @!p0 [sflag:s0], s1  }
0x236: {  	s1 =	ssub.s32 @!p0 $0x0, s1;
	[sflag:s0] =	ssyncset.done @!p0 $0x0  }
0x237: {  	[sflag:s0] =	ssyncadd.s32 @!p0 s1  }
0x238: {  	[bflag:$0x3] =	sbarrier.arrive $0xFFFF  }
0x239: {  	_ =	shalt  }

</sc_bundles>
